<compile_context>
chip_gen: v7x
topology: tpu7x:2x2x1
jax: 0.10.2.dev20260603
libtpu: 0.0.44.dev20260713+nightly
codegen_flags: <defaults>
</compile_context>

<pallas_src>
import functools

import jax
import jax.numpy as jnp
from jax import lax
from jax.experimental import pallas as pl
from jax.experimental.pallas import tpu as pltpu
from jax.experimental.pallas import tpu_sc as plsc

N = 10000
E = 320000
M = 640000
NP = 10240
MP = 643072
F1 = 128
F1P = 144
F2 = 64
CH = 128
NWK = 32
DUMMY = 10016

_mesh = functools.partial(
    plsc.VectorSubcoreMesh, core_axis_name="c", subcore_axis_name="s")


def _f32(*shape):
    return jax.ShapeDtypeStruct(shape, jnp.float32)


def _prep_body(nf, nwt, ei0, ei1, he1, fu, fv, vr, idx_v, rows_v, sem):
    cid = lax.axis_index("c")
    sid = lax.axis_index("s")
    wid = sid * 2 + cid
    for idx_hbm, tab, out in ((ei0, nf, fu), (ei1, nf, fv), (he1, nwt, vr)):
        def chunk(i, _, idx_hbm=idx_hbm, tab=tab, out=out):
            base = wid * (NP // NWK) + i * 64
            pltpu.sync_copy(idx_hbm.at[pl.ds(base, 64)], idx_v)
            pltpu.async_copy(tab.at[idx_v], rows_v, sem).wait()
            pltpu.sync_copy(rows_v, out.at[pl.ds(base, 64)])
            return 0
        lax.fori_loop(0, NP // NWK // 64, chunk, 0)


def _prep(nf, nwt, ei0, ei1, he1):
    return pl.kernel(
        _prep_body,
        out_type=(_f32(NP, 16), _f32(NP, 16), _f32(NP, 16)),
        mesh=_mesh(),
        compiler_params=pltpu.CompilerParams(use_tc_tiling_on_sc=False),
        scratch_types=[
            pltpu.VMEM((64,), jnp.int32),
            pltpu.VMEM((64, 16), jnp.float32),
            pltpu.SemaphoreType.DMA,
        ],
    )(nf, nwt, ei0, ei1, he1)


def _hop_body(table, idx, zrows, p0, p1, acc, idx_v, rows_v, sem):
    cid = lax.axis_index("c")
    sid = lax.axis_index("s")
    wid = sid * 2 + cid
    rows_per_tile = NP // 16
    pltpu.sync_copy(zrows, acc.at[pl.ds(sid * rows_per_tile, rows_per_tile)])
    plsc.subcore_barrier()

    def chunk(i, _):
        c = wid * (MP // NWK // CH) + i
        pltpu.sync_copy(idx.at[c], idx_v)
        pltpu.async_copy(table.at[idx_v.at[0]], rows_v, sem).wait()
        pltpu.sync_copy(rows_v, acc.at[idx_v.at[1]], add=True)
        return 0

    lax.fori_loop(0, MP // NWK // CH, chunk, 0)
    plsc.subcore_barrier()

    @pl.when(cid == 0)
    def _():
        pltpu.sync_copy(acc.at[pl.ds(sid * rows_per_tile, rows_per_tile)],
                        p0.at[pl.ds(sid * rows_per_tile, rows_per_tile)])

    @pl.when(cid == 1)
    def _():
        pltpu.sync_copy(acc.at[pl.ds(sid * rows_per_tile, rows_per_tile)],
                        p1.at[pl.ds(sid * rows_per_tile, rows_per_tile)])


def _hop(table, idx, zrows, width):
    return pl.kernel(
        _hop_body,
        out_type=(_f32(NP, width), _f32(NP, width)),
        mesh=_mesh(),
        compiler_params=pltpu.CompilerParams(use_tc_tiling_on_sc=False),
        scratch_types=[
            pltpu.VMEM_SHARED((NP, width), jnp.float32),
            pltpu.VMEM((2, CH), jnp.int32),
            pltpu.VMEM((CH, width), jnp.float32),
            pltpu.SemaphoreType.DMA,
        ],
    )(table, idx, zrows)


def _tc(body, out_type, *args):
    return pl.pallas_call(body, out_shape=out_type)(*args)


def _nw_body(x, p, W1, b1, W2, b2, o):
    W = W1[...]
    h = (lax.dot_general(x[...], W[:, :64], (((1,), (1,)), ((), ())))
         + lax.dot_general(p[...], W[:, 64:], (((1,), (1,)), ((), ())))
         + b1[...])
    h = jax.nn.relu(h)
    W2r = jnp.broadcast_to(W2[...], (16, 64))
    nw16 = jax.nn.sigmoid(
        lax.dot_general(h, W2r, (((1,), (1,)), ((), ()))) + b2[...][0, 0])
    o[...] = jnp.concatenate(
        [nw16, jnp.zeros((NP - N, 16), jnp.float32)], axis=0)


def _t1_body(er, fu, fv, Wc1, o):
    ef = (fu[...][:N] + fv[...][:N]) * 0.5
    W = Wc1[...]
    xx = (lax.dot_general(er[...], W[:, :112], (((1,), (1,)), ((), ())))
          + lax.dot_general(ef, W[:, 112:], (((1,), (1,)), ((), ()))))
    xxp = jnp.concatenate([xx, jnp.zeros((NP - N, F1), jnp.float32)], axis=0)
    lane = lax.broadcasted_iota(jnp.int32, (NP, 16), 1)
    ones_slab = jnp.where(lane == 0, 1.0, 0.0).astype(jnp.float32)
    o[...] = jnp.concatenate([xxp, ones_slab], axis=1)


def _bcast(col, k):
    return lax.dot_general(col, jnp.ones((1, k), jnp.float32),
                           (((1,), (0,)), ((), ())))


def _t2_body(p0, p1, v16, o_tab, o_binv):
    s = p0[...] + p1[...]
    b = s[:, 128:129]
    binv = jnp.where(b == 0, 0.0, 1.0 / jnp.where(b == 0, 1.0, b))
    t = s[:, :F1] * _bcast(binv, F1)
    lane = lax.broadcasted_iota(jnp.int32, (NP, 16), 1)
    vslab = jnp.where(lane == 0, v16[...], 0.0)
    o_tab[...] = jnp.concatenate([t, vslab], axis=1)
    o_binv[...] = _bcast(binv, F2)


def _t3_body(p0, p1, bc1, Wc2, o_tab, o_dinv):
    s = p0[...] + p1[...]
    d = s[:, 128:129]
    dinv = jnp.where(d == 0, 0.0, 1.0 / jnp.where(d == 0, 1.0, d))
    er1 = jax.nn.sigmoid(s[:, :F1] * _bcast(dinv, F1) + bc1[...])
    o_tab[...] = lax.dot_general(er1, Wc2[...], (((1,), (1,)), ((), ())))
    o_dinv[...] = _bcast(dinv, F2)


def _t4_body(p0, p1, binv, o):
    o[...] = (p0[...] + p1[...]) * binv[...]


def _prefill_body(bc2, o):
    o[...] = jnp.broadcast_to(jax.nn.sigmoid(bc2[...]), (1000, F2))


def _fin_body(pre, p0, p1, dinv, bc2, o):
    o[...] = jax.nn.sigmoid((p0[...] + p1[...]) * dinv[...] + bc2[...])


def kernel(edge_index, edge_rep, x, hyper_edge, prototype, node_feature,
           W1, b1, W2, b2, Wc1, bc1, Wc2, bc2):
    ei = edge_index.astype(jnp.int32)
    he = hyper_edge.astype(jnp.int32)

    def padn(a):
        return jnp.pad(a, (0, NP - N))

    ei0 = padn(ei[0, :N])
    ei1 = padn(ei[1, :N])
    he1t = padn(he[1, :N])
    def pack(src, dst):
        s3 = jnp.pad(src, (0, MP - M)).reshape(MP // CH, 1, CH)
        d3 = jnp.pad(dst, (0, MP - M),
                     constant_values=DUMMY).reshape(MP // CH, 1, CH)
        return jnp.concatenate([s3, d3], axis=1)

    idx_a = pack(he[0], he[1])
    idx_b = pack(he[1], he[0])

    z1 = jnp.zeros((NP // 16, F1P), jnp.float32)
    z2 = jnp.zeros((NP // 16, F2), jnp.float32)

    nwt = _tc(_nw_body, _f32(NP, 16),
              x, prototype, W1, b1.reshape(1, 64), W2, b2.reshape(1, 1))

    fu, fv, vr = _prep(node_feature, nwt, ei0, ei1, he1t)

    tab1 = _tc(_t1_body, _f32(NP, F1P), edge_rep[:N], fu, fv, Wc1)

    p0, p1 = _hop(tab1, idx_a, z1, F1P)
    tab2, binv = _tc(_t2_body, (_f32(NP, F1P), _f32(NP, F2)), p0, p1, vr)
    p0, p1 = _hop(tab2, idx_b, z1, F1P)
    tab3, dinv = _tc(_t3_body, (_f32(NP, F2), _f32(NP, F2)),
                     p0, p1, bc1.reshape(1, F1), Wc2)
    p0, p1 = _hop(tab3, idx_a, z2, F2)
    tab4 = _tc(_t4_body, _f32(NP, F2), p0, p1, binv)
    p0, p1 = _hop(tab4, idx_b, z2, F2)

    bc2r = bc2.reshape(1, F2)
    pre = pl.pallas_call(
        _prefill_body,
        out_shape=_f32(E, F2),
        grid=(E // 1000,),
        in_specs=[pl.BlockSpec((1, F2), lambda i: (0, 0))],
        out_specs=pl.BlockSpec((1000, F2), lambda i: (i, 0)),
    )(bc2r)
    out = pl.pallas_call(
        _fin_body,
        out_shape=_f32(E, F2),
        grid=(N // 1000,),
        in_specs=[
            pl.BlockSpec(memory_space=pl.MemorySpace.ANY),
            pl.BlockSpec((1000, F2), lambda i: (i, 0)),
            pl.BlockSpec((1000, F2), lambda i: (i, 0)),
            pl.BlockSpec((1000, F2), lambda i: (i, 0)),
            pl.BlockSpec((1, F2), lambda i: (0, 0)),
        ],
        out_specs=pl.BlockSpec((1000, F2), lambda i: (i, 0)),
        input_output_aliases={0: 0},
    )(pre, p0, p1, dinv, bc2r)
    return out

# --- scband reference (transcript-rebuilt; emitter-appended) ---
"""Pipeline reference for scband-hyper-weight-81312320848269 (READ-ONLY COPY).

The authoritative reference and input builder live on the scoring server;
editing this copy changes nothing except your own understanding.
"""

import jax, jax.numpy as jnp
import numpy as np

N_NODES = 10000
N_EDGES = 320000
M_INC = 640000
HID = 64
NODE_IN = 16


def hypergraph_conv(xx, W, b, hidx, hw, n_nodes, n_hedges):
    # Faithful reimplementation of torch_geometric HypergraphConv (heads=1, no attention).
    xx = xx @ W.T
    w = hw[:, 0]
    wg = w[hidx[1]]
    D = jnp.zeros((n_nodes,), dtype=xx.dtype).at[hidx[0]].add(wg)
    D_safe = jnp.where(D == 0, 1.0, D)
    Dinv = jnp.where(D == 0, 0.0, 1.0 / D_safe)
    B = jnp.zeros((n_hedges,), dtype=xx.dtype).at[hidx[1]].add(jnp.ones((hidx.shape[1],), dtype=xx.dtype))
    B_safe = jnp.where(B == 0, 1.0, B)
    Binv = jnp.where(B == 0, 0.0, 1.0 / B_safe)
    m = Binv[hidx[1]][:, None] * xx[hidx[0]]
    out_e = jnp.zeros((n_hedges, xx.shape[1]), dtype=xx.dtype).at[hidx[1]].add(m)
    m2 = Dinv[hidx[0]][:, None] * out_e[hidx[1]]
    out = jnp.zeros((n_nodes, xx.shape[1]), dtype=xx.dtype).at[hidx[0]].add(m2)
    return out + b


def setup_inputs(seed: int = 0):
    key = jax.random.key(seed)
    ks = jax.random.split(key, 16)
    edge_index = jax.random.randint(ks[0], (2, N_EDGES), 0, N_NODES)
    edge_rep = jax.random.normal(ks[1], (N_EDGES, 2 * HID - NODE_IN), dtype=jnp.float32)
    x = jax.random.normal(ks[2], (N_NODES, HID), dtype=jnp.float32)
    hyper_edge = jax.random.randint(ks[3], (2, M_INC), 0, N_NODES)
    prototype = jax.random.normal(ks[4], (N_NODES, HID), dtype=jnp.float32)
    node_feature = jax.random.normal(ks[5], (N_NODES, NODE_IN), dtype=jnp.float32)
    s = 1.0 / np.sqrt(2 * HID)
    W1 = jax.random.uniform(ks[6], (HID, 2 * HID), minval=-s, maxval=s, dtype=jnp.float32)
    b1 = jax.random.uniform(ks[7], (HID,), minval=-s, maxval=s, dtype=jnp.float32)
    s2 = 1.0 / np.sqrt(HID)
    W2 = jax.random.uniform(ks[8], (1, HID), minval=-s2, maxval=s2, dtype=jnp.float32)
    b2 = jax.random.uniform(ks[9], (1,), minval=-s2, maxval=s2, dtype=jnp.float32)
    Wc1 = jax.random.uniform(ks[10], (2 * HID, 2 * HID), minval=-s, maxval=s, dtype=jnp.float32)
    bc1 = jnp.zeros((2 * HID,), dtype=jnp.float32)
    Wc2 = jax.random.uniform(ks[11], (HID, 2 * HID), minval=-s, maxval=s, dtype=jnp.float32)
    bc2 = jnp.zeros((HID,), dtype=jnp.float32)
    return {"edge_index": edge_index, "edge_rep": edge_rep, "x": x, "hyper_edge": hyper_edge, "prototype": prototype, "node_feature": node_feature, "W1": W1, "b1": b1, "W2": W2, "b2": b2, "Wc1": Wc1, "bc1": bc1, "Wc2": Wc2, "bc2": bc2}


def reference(edge_index, edge_rep, x, hyper_edge, prototype, node_feature, W1, b1, W2, b2, Wc1, bc1, Wc2, bc2):
    # node_feature branch of HyperWeight.forward
    f_u = node_feature[edge_index[0]]
    f_v = node_feature[edge_index[1]]
    edge_feature = (f_u + f_v) / 2.0
    er = jnp.concatenate([edge_rep, edge_feature], axis=1)
    # self.lin: Linear -> ReLU -> (Dropout eval) -> Linear -> Sigmoid
    h = jnp.concatenate([x, prototype], axis=-1)
    h = jax.nn.relu(h @ W1.T + b1)
    node_weight = jax.nn.sigmoid(h @ W2.T + b2)
    hyper_weight = node_weight[hyper_edge[1]]
    er = hypergraph_conv(er, Wc1, bc1, hyper_edge, hyper_weight, N_EDGES, N_NODES)
    er = jax.nn.sigmoid(er)
    er = hypergraph_conv(er, Wc2, bc2, hyper_edge, hyper_weight, N_EDGES, N_NODES)
    er = jax.nn.sigmoid(er)
    return er

if __name__ == "__main__":
    import jax
    _d = setup_inputs()
    print(jax.jit(kernel)(*tuple(_d.values())))

</pallas_src>

<mosaic_0001>
#map = affine_map<(d0, d1) -> (0, 0)>
#map1 = affine_map<(d0, d1) -> (0, 0, 0)>
module attributes {stable_mosaic.version = 14 : i64} {
  func.func @_hop_body(%arg0: i32, %arg1: i32, %arg2: memref<10240x144xf32, #tpu.memory_space<hbm>>, %arg3: memref<5024x2x128xi32, #tpu.memory_space<hbm>>, %arg4: memref<640x144xf32, #tpu.memory_space<hbm>>, %arg5: memref<10240x144xf32, #tpu.memory_space<hbm>>, %arg6: memref<10240x144xf32, #tpu.memory_space<hbm>>, %arg7: memref<10240x144xf32, #tpu.memory_space<vmem_shared>>, %arg8: memref<2x128xi32, #tpu.memory_space<vmem>>, %arg9: memref<128x144xf32, #tpu.memory_space<vmem>>, %arg10: memref<!tpu.dma_semaphore, #tpu.memory_space<semaphore_mem>>) attributes {dimension_semantics = [#tpu.dimension_semantics<core_parallel>, #tpu.dimension_semantics<subcore_parallel>], iteration_bounds = array<i64: 2, 16>, scalar_prefetch = 0 : i64, scratch_operands = 4 : i64, tpu.core_type = #tpu.core_type<sc_vector_subcore>, window_params = [{transform_indices = #map}, {transform_indices = #map1}, {transform_indices = #map}, {transform_indices = #map}, {transform_indices = #map}]} {
    %mul3A = arith.constant 2 : i32
    %mul3A_0 = arith.muli %arg1, %mul3A : i32
    %add3A = arith.addi %mul3A_0, %arg0 : i32
    %mul3A_1 = arith.constant 640 : i32
    %mul3A_2 = arith.muli %arg1, %mul3A_1 : i32
    "tpu.region"() ({
      %run_scoped3A = tpu.sem_alloc : memref<!tpu.dma_semaphore, #tpu.memory_space<semaphore_mem>>
      %dma_start3A = arith.constant 0 : i32
      %dma_start3A_17 = tpu.memref_slice %arg7[%mul3A_2, %dma_start3A] : memref<10240x144xf32, #tpu.memory_space<vmem_shared>> -> memref<640x144xf32, #tpu.memory_space<vmem_shared>>
      tpu.enqueue_dma source(%arg4 : memref<640x144xf32, #tpu.memory_space<hbm>>) target(%dma_start3A_17 : memref<640x144xf32, #tpu.memory_space<vmem_shared>>) target_semaphore(%run_scoped3A : memref<!tpu.dma_semaphore, #tpu.memory_space<semaphore_mem>>)
      %dma_wait3A = arith.constant 0 : i32
      %dma_wait3A_18 = tpu.memref_slice %arg7[%mul3A_2, %dma_wait3A] : memref<10240x144xf32, #tpu.memory_space<vmem_shared>> -> memref<640x144xf32, #tpu.memory_space<vmem_shared>>
      tpu.wait_dma2 semaphore(%run_scoped3A : memref<!tpu.dma_semaphore, #tpu.memory_space<semaphore_mem>>) src(%arg4 : memref<640x144xf32, #tpu.memory_space<hbm>>) dst(%dma_wait3A_18 : memref<640x144xf32, #tpu.memory_space<vmem_shared>>)
      tpu.yield
    }) : () -> ()
    %barrier3A = arith.constant 0 : index
    tpu.barrier barrier_id(%barrier3A)
    %scan3A = arith.constant 0 : i32
    %scan3A_3 = arith.constant 0 : i32
    %scan3A_4 = arith.constant 157 : i32
    %scan3A_5 = arith.addi %scan3A_3, %scan3A_4 : i32
    %scan3A_6 = arith.constant 1 : i32
    %scan3A_7 = scf.for %scan3A_17 = %scan3A_3 to %scan3A_5 step %scan3A_6 iter_args(%scan3A_18 = %scan3A) -> (i32)  : i32 {
      %mul3A_19 = arith.constant 157 : i32
      %mul3A_20 = arith.muli %add3A, %mul3A_19 : i32
      %add3A_21 = arith.addi %mul3A_20, %scan3A_17 : i32
      "tpu.region"() ({
        %run_scoped3A_35 = tpu.sem_alloc : memref<!tpu.dma_semaphore, #tpu.memory_space<semaphore_mem>>
        %dma_start3A_36 = arith.constant 0 : i32
        %dma_start3A_37 = arith.constant 0 : i32
        %dma_start3A_38 = tpu.memref_slice %arg3[%add3A_21, %dma_start3A_36, %dma_start3A_37] : memref<5024x2x128xi32, #tpu.memory_space<hbm>> -> memref<1x2x128xi32, #tpu.memory_space<hbm>>
        %dma_start3A_39 = tpu.memref_squeeze %dma_start3A_38 : memref<1x2x128xi32, #tpu.memory_space<hbm>> -> memref<2x128xi32, #tpu.memory_space<hbm>>
        %dma_start3A_40 = arith.constant 0 : i32
        %dma_start3A_41 = arith.constant 0 : i32
        %dma_start3A_42 = tpu.memref_slice %arg3[%add3A_21, %dma_start3A_40, %dma_start3A_41] : memref<5024x2x128xi32, #tpu.memory_space<hbm>> -> memref<1x2x128xi32, #tpu.memory_space<hbm>>
        %dma_start3A_43 = tpu.memref_squeeze %dma_start3A_42 : memref<1x2x128xi32, #tpu.memory_space<hbm>> -> memref<2x128xi32, #tpu.memory_space<hbm>>
        tpu.enqueue_dma source(%dma_start3A_43 : memref<2x128xi32, #tpu.memory_space<hbm>>) target(%arg8 : memref<2x128xi32, #tpu.memory_space<vmem>>) target_semaphore(%run_scoped3A_35 : memref<!tpu.dma_semaphore, #tpu.memory_space<semaphore_mem>>)
        %dma_wait3A_44 = arith.constant 0 : i32
        %dma_wait3A_45 = arith.constant 0 : i32
        %dma_wait3A_46 = tpu.memref_slice %arg3[%add3A_21, %dma_wait3A_44, %dma_wait3A_45] : memref<5024x2x128xi32, #tpu.memory_space<hbm>> -> memref<1x2x128xi32, #tpu.memory_space<hbm>>
        %dma_wait3A_47 = tpu.memref_squeeze %dma_wait3A_46 : memref<1x2x128xi32, #tpu.memory_space<hbm>> -> memref<2x128xi32, #tpu.memory_space<hbm>>
        %dma_wait3A_48 = arith.constant 0 : i32
        %dma_wait3A_49 = arith.constant 0 : i32
        %dma_wait3A_50 = tpu.memref_slice %arg3[%add3A_21, %dma_wait3A_48, %dma_wait3A_49] : memref<5024x2x128xi32, #tpu.memory_space<hbm>> -> memref<1x2x128xi32, #tpu.memory_space<hbm>>
        %dma_wait3A_51 = tpu.memref_squeeze %dma_wait3A_50 : memref<1x2x128xi32, #tpu.memory_space<hbm>> -> memref<2x128xi32, #tpu.memory_space<hbm>>
        tpu.wait_dma2 semaphore(%run_scoped3A_35 : memref<!tpu.dma_semaphore, #tpu.memory_space<semaphore_mem>>) src(%dma_wait3A_51 : memref<2x128xi32, #tpu.memory_space<hbm>>) dst(%arg8 : memref<2x128xi32, #tpu.memory_space<vmem>>)
        tpu.yield
      }) : () -> ()
      %dma_start3A = arith.constant 0 : i32
      %dma_start3A_22 = arith.constant 0 : i32
      %dma_start3A_23 = tpu.memref_slice %arg8[%dma_start3A, %dma_start3A_22] : memref<2x128xi32, #tpu.memory_space<vmem>> -> memref<1x128xi32, #tpu.memory_space<vmem>>
      %dma_start3A_24 = tpu.memref_squeeze %dma_start3A_23 : memref<1x128xi32, #tpu.memory_space<vmem>> -> memref<128xi32, #tpu.memory_space<vmem>>
      %dma_start3A_25 = arith.constant 0 : i32
      %dma_start3A_26 = arith.constant 0 : i32
      %dma_start3A_27 = tpu.memref_slice %arg2[%dma_start3A_25, %dma_start3A_26] : memref<10240x144xf32, #tpu.memory_space<hbm>> -> memref<10240x144xf32, #tpu.memory_space<hbm>>
      tpu.enqueue_indirect_dma source(%dma_start3A_27 : memref<10240x144xf32, #tpu.memory_space<hbm>>) target(%arg9 : memref<128x144xf32, #tpu.memory_space<vmem>>) offsets(%dma_start3A_24 : memref<128xi32, #tpu.memory_space<vmem>>) semaphore(%arg10 : memref<!tpu.dma_semaphore, #tpu.memory_space<semaphore_mem>>)
      %dma_wait3A = arith.constant 0 : i32
      %dma_wait3A_28 = arith.constant 0 : i32
      %dma_wait3A_29 = tpu.memref_slice %arg8[%dma_wait3A, %dma_wait3A_28] : memref<2x128xi32, #tpu.memory_space<vmem>> -> memref<1x128xi32, #tpu.memory_space<vmem>>
      %dma_wait3A_30 = tpu.memref_squeeze %dma_wait3A_29 : memref<1x128xi32, #tpu.memory_space<vmem>> -> memref<128xi32, #tpu.memory_space<vmem>>
      %dma_wait3A_31 = arith.constant 0 : i32
      %dma_wait3A_32 = arith.constant 0 : i32
      %dma_wait3A_33 = tpu.memref_slice %arg2[%dma_wait3A_31, %dma_wait3A_32] : memref<10240x144xf32, #tpu.memory_space<hbm>> -> memref<10240x144xf32, #tpu.memory_space<hbm>>
      tpu.wait_indirect_dma semaphore(%arg10 : memref<!tpu.dma_semaphore, #tpu.memory_space<semaphore_mem>>) src(%dma_wait3A_33 : memref<10240x144xf32, #tpu.memory_space<hbm>>) dst(%arg9 : memref<128x144xf32, #tpu.memory_space<vmem>>)
      %run_scoped3A = arith.constant 1 : i32
      "tpu.region"() ({
        %run_scoped3A_35 = tpu.sem_alloc : memref<!tpu.dma_semaphore, #tpu.memory_space<semaphore_mem>>
        %dma_start3A_36 = arith.constant 0 : i32
        %dma_start3A_37 = tpu.memref_slice %arg8[%run_scoped3A, %dma_start3A_36] : memref<2x128xi32, #tpu.memory_space<vmem>> -> memref<1x128xi32, #tpu.memory_space<vmem>>
        %dma_start3A_38 = tpu.memref_squeeze %dma_start3A_37 : memref<1x128xi32, #tpu.memory_space<vmem>> -> memref<128xi32, #tpu.memory_space<vmem>>
        %dma_start3A_39 = arith.constant 0 : i32
        %dma_start3A_40 = arith.constant 0 : i32
        %dma_start3A_41 = tpu.memref_slice %arg7[%dma_start3A_39, %dma_start3A_40] : memref<10240x144xf32, #tpu.memory_space<vmem_shared>> -> memref<10240x144xf32, #tpu.memory_space<vmem_shared>>
        tpu.enqueue_indirect_dma source(%arg9 : memref<128x144xf32, #tpu.memory_space<vmem>>) target(%dma_start3A_41 : memref<10240x144xf32, #tpu.memory_space<vmem_shared>>) offsets(%dma_start3A_38 : memref<128xi32, #tpu.memory_space<vmem>>) semaphore(%run_scoped3A_35 : memref<!tpu.dma_semaphore, #tpu.memory_space<semaphore_mem>>) {add = true}
        %dma_wait3A_42 = arith.constant 0 : i32
        %dma_wait3A_43 = tpu.memref_slice %arg8[%run_scoped3A, %dma_wait3A_42] : memref<2x128xi32, #tpu.memory_space<vmem>> -> memref<1x128xi32, #tpu.memory_space<vmem>>
        %dma_wait3A_44 = tpu.memref_squeeze %dma_wait3A_43 : memref<1x128xi32, #tpu.memory_space<vmem>> -> memref<128xi32, #tpu.memory_space<vmem>>
        %dma_wait3A_45 = arith.constant 0 : i32
        %dma_wait3A_46 = arith.constant 0 : i32
        %dma_wait3A_47 = tpu.memref_slice %arg7[%dma_wait3A_45, %dma_wait3A_46] : memref<10240x144xf32, #tpu.memory_space<vmem_shared>> -> memref<10240x144xf32, #tpu.memory_space<vmem_shared>>
        tpu.wait_indirect_dma semaphore(%run_scoped3A_35 : memref<!tpu.dma_semaphore, #tpu.memory_space<semaphore_mem>>) src(%arg9 : memref<128x144xf32, #tpu.memory_space<vmem>>) dst(%dma_wait3A_47 : memref<10240x144xf32, #tpu.memory_space<vmem_shared>>)
        tpu.yield
      }) : () -> ()
      %scan3A_34 = arith.constant 0 : i32
      scf.yield %scan3A_34 : i32
    }
    %scan3A_8 = arith.constant 157 : i32
    %barrier3A_9 = arith.constant 0 : index
    tpu.barrier barrier_id(%barrier3A_9)
    %eq3A = arith.constant 0 : i32
    %eq3A_10 = arith.cmpi eq, %arg0, %eq3A : i32
    %convert_element_type3A = arith.extui %eq3A_10 : i1 to i32
    %cond3A = arith.constant 0 : i32
    %cond3A_11 = arith.cmpi ne, %convert_element_type3A, %cond3A : i32
    scf.if %cond3A_11 {
      %mul3A_17 = arith.constant 640 : i32
      %mul3A_18 = arith.muli %arg1, %mul3A_17 : i32
      %mul3A_19 = arith.constant 640 : i32
      %mul3A_20 = arith.muli %arg1, %mul3A_19 : i32
      "tpu.region"() ({
        %run_scoped3A = tpu.sem_alloc : memref<!tpu.dma_semaphore, #tpu.memory_space<semaphore_mem>>
        %dma_start3A = arith.constant 0 : i32
        %dma_start3A_21 = tpu.memref_slice %arg5[%mul3A_20, %dma_start3A] : memref<10240x144xf32, #tpu.memory_space<hbm>> -> memref<640x144xf32, #tpu.memory_space<hbm>>
        %dma_start3A_22 = arith.constant 0 : i32
        %dma_start3A_23 = tpu.memref_slice %arg7[%mul3A_18, %dma_start3A_22] : memref<10240x144xf32, #tpu.memory_space<vmem_shared>> -> memref<640x144xf32, #tpu.memory_space<vmem_shared>>
        tpu.enqueue_dma source(%dma_start3A_23 : memref<640x144xf32, #tpu.memory_space<vmem_shared>>) target(%dma_start3A_21 : memref<640x144xf32, #tpu.memory_space<hbm>>) target_semaphore(%run_scoped3A : memref<!tpu.dma_semaphore, #tpu.memory_space<semaphore_mem>>)
        %dma_wait3A = arith.constant 0 : i32
        %dma_wait3A_24 = tpu.memref_slice %arg5[%mul3A_20, %dma_wait3A] : memref<10240x144xf32, #tpu.memory_space<hbm>> -> memref<640x144xf32, #tpu.memory_space<hbm>>
        %dma_wait3A_25 = arith.constant 0 : i32
        %dma_wait3A_26 = tpu.memref_slice %arg7[%mul3A_18, %dma_wait3A_25] : memref<10240x144xf32, #tpu.memory_space<vmem_shared>> -> memref<640x144xf32, #tpu.memory_space<vmem_shared>>
        tpu.wait_dma2 semaphore(%run_scoped3A : memref<!tpu.dma_semaphore, #tpu.memory_space<semaphore_mem>>) src(%dma_wait3A_26 : memref<640x144xf32, #tpu.memory_space<vmem_shared>>) dst(%dma_wait3A_24 : memref<640x144xf32, #tpu.memory_space<hbm>>)
        tpu.yield
      }) : () -> ()
    } else {
    }
    %eq3A_12 = arith.constant 1 : i32
    %eq3A_13 = arith.cmpi eq, %arg0, %eq3A_12 : i32
    %convert_element_type3A_14 = arith.extui %eq3A_13 : i1 to i32
    %cond3A_15 = arith.constant 0 : i32
    %cond3A_16 = arith.cmpi ne, %convert_element_type3A_14, %cond3A_15 : i32
    scf.if %cond3A_16 {
      %mul3A_17 = arith.constant 640 : i32
      %mul3A_18 = arith.muli %arg1, %mul3A_17 : i32
      %mul3A_19 = arith.constant 640 : i32
      %mul3A_20 = arith.muli %arg1, %mul3A_19 : i32
      "tpu.region"() ({
        %run_scoped3A = tpu.sem_alloc : memref<!tpu.dma_semaphore, #tpu.memory_space<semaphore_mem>>
        %dma_start3A = arith.constant 0 : i32
        %dma_start3A_21 = tpu.memref_slice %arg6[%mul3A_20, %dma_start3A] : memref<10240x144xf32, #tpu.memory_space<hbm>> -> memref<640x144xf32, #tpu.memory_space<hbm>>
        %dma_start3A_22 = arith.constant 0 : i32
        %dma_start3A_23 = tpu.memref_slice %arg7[%mul3A_18, %dma_start3A_22] : memref<10240x144xf32, #tpu.memory_space<vmem_shared>> -> memref<640x144xf32, #tpu.memory_space<vmem_shared>>
        tpu.enqueue_dma source(%dma_start3A_23 : memref<640x144xf32, #tpu.memory_space<vmem_shared>>) target(%dma_start3A_21 : memref<640x144xf32, #tpu.memory_space<hbm>>) target_semaphore(%run_scoped3A : memref<!tpu.dma_semaphore, #tpu.memory_space<semaphore_mem>>)
        %dma_wait3A = arith.constant 0 : i32
        %dma_wait3A_24 = tpu.memref_slice %arg6[%mul3A_20, %dma_wait3A] : memref<10240x144xf32, #tpu.memory_space<hbm>> -> memref<640x144xf32, #tpu.memory_space<hbm>>
        %dma_wait3A_25 = arith.constant 0 : i32
        %dma_wait3A_26 = tpu.memref_slice %arg7[%mul3A_18, %dma_wait3A_25] : memref<10240x144xf32, #tpu.memory_space<vmem_shared>> -> memref<640x144xf32, #tpu.memory_space<vmem_shared>>
        tpu.wait_dma2 semaphore(%run_scoped3A : memref<!tpu.dma_semaphore, #tpu.memory_space<semaphore_mem>>) src(%dma_wait3A_26 : memref<640x144xf32, #tpu.memory_space<vmem_shared>>) dst(%dma_wait3A_24 : memref<640x144xf32, #tpu.memory_space<hbm>>)
        tpu.yield
      }) : () -> ()
    } else {
    }
    return
  }
}

#map = affine_map<(d0, d1) -> (0, 0)>
#map1 = affine_map<(d0, d1) -> (0, 0, 0)>
module attributes {stable_mosaic.version = 14 : i64} {
  func.func @_hop_body(%arg0: i32, %arg1: i32, %arg2: memref<10240x64xf32, #tpu.memory_space<hbm>>, %arg3: memref<5024x2x128xi32, #tpu.memory_space<hbm>>, %arg4: memref<640x64xf32, #tpu.memory_space<hbm>>, %arg5: memref<10240x64xf32, #tpu.memory_space<hbm>>, %arg6: memref<10240x64xf32, #tpu.memory_space<hbm>>, %arg7: memref<10240x64xf32, #tpu.memory_space<vmem_shared>>, %arg8: memref<2x128xi32, #tpu.memory_space<vmem>>, %arg9: memref<128x64xf32, #tpu.memory_space<vmem>>, %arg10: memref<!tpu.dma_semaphore, #tpu.memory_space<semaphore_mem>>) attributes {dimension_semantics = [#tpu.dimension_semantics<core_parallel>, #tpu.dimension_semantics<subcore_parallel>], iteration_bounds = array<i64: 2, 16>, scalar_prefetch = 0 : i64, scratch_operands = 4 : i64, tpu.core_type = #tpu.core_type<sc_vector_subcore>, window_params = [{transform_indices = #map}, {transform_indices = #map1}, {transform_indices = #map}, {transform_indices = #map}, {transform_indices = #map}]} {
    %mul3A = arith.constant 2 : i32
    %mul3A_0 = arith.muli %arg1, %mul3A : i32
    %add3A = arith.addi %mul3A_0, %arg0 : i32
    %mul3A_1 = arith.constant 640 : i32
    %mul3A_2 = arith.muli %arg1, %mul3A_1 : i32
    "tpu.region"() ({
      %run_scoped3A = tpu.sem_alloc : memref<!tpu.dma_semaphore, #tpu.memory_space<semaphore_mem>>
      %dma_start3A = arith.constant 0 : i32
      %dma_start3A_17 = tpu.memref_slice %arg7[%mul3A_2, %dma_start3A] : memref<10240x64xf32, #tpu.memory_space<vmem_shared>> -> memref<640x64xf32, #tpu.memory_space<vmem_shared>>
      tpu.enqueue_dma source(%arg4 : memref<640x64xf32, #tpu.memory_space<hbm>>) target(%dma_start3A_17 : memref<640x64xf32, #tpu.memory_space<vmem_shared>>) target_semaphore(%run_scoped3A : memref<!tpu.dma_semaphore, #tpu.memory_space<semaphore_mem>>)
      %dma_wait3A = arith.constant 0 : i32
      %dma_wait3A_18 = tpu.memref_slice %arg7[%mul3A_2, %dma_wait3A] : memref<10240x64xf32, #tpu.memory_space<vmem_shared>> -> memref<640x64xf32, #tpu.memory_space<vmem_shared>>
      tpu.wait_dma2 semaphore(%run_scoped3A : memref<!tpu.dma_semaphore, #tpu.memory_space<semaphore_mem>>) src(%arg4 : memref<640x64xf32, #tpu.memory_space<hbm>>) dst(%dma_wait3A_18 : memref<640x64xf32, #tpu.memory_space<vmem_shared>>)
      tpu.yield
    }) : () -> ()
    %barrier3A = arith.constant 0 : index
    tpu.barrier barrier_id(%barrier3A)
    %scan3A = arith.constant 0 : i32
    %scan3A_3 = arith.constant 0 : i32
    %scan3A_4 = arith.constant 157 : i32
    %scan3A_5 = arith.addi %scan3A_3, %scan3A_4 : i32
    %scan3A_6 = arith.constant 1 : i32
    %scan3A_7 = scf.for %scan3A_17 = %scan3A_3 to %scan3A_5 step %scan3A_6 iter_args(%scan3A_18 = %scan3A) -> (i32)  : i32 {
      %mul3A_19 = arith.constant 157 : i32
      %mul3A_20 = arith.muli %add3A, %mul3A_19 : i32
      %add3A_21 = arith.addi %mul3A_20, %scan3A_17 : i32
      "tpu.region"() ({
        %run_scoped3A_35 = tpu.sem_alloc : memref<!tpu.dma_semaphore, #tpu.memory_space<semaphore_mem>>
        %dma_start3A_36 = arith.constant 0 : i32
        %dma_start3A_37 = arith.constant 0 : i32
        %dma_start3A_38 = tpu.memref_slice %arg3[%add3A_21, %dma_start3A_36, %dma_start3A_37] : memref<5024x2x128xi32, #tpu.memory_space<hbm>> -> memref<1x2x128xi32, #tpu.memory_space<hbm>>
        %dma_start3A_39 = tpu.memref_squeeze %dma_start3A_38 : memref<1x2x128xi32, #tpu.memory_space<hbm>> -> memref<2x128xi32, #tpu.memory_space<hbm>>
        %dma_start3A_40 = arith.constant 0 : i32
        %dma_start3A_41 = arith.constant 0 : i32
        %dma_start3A_42 = tpu.memref_slice %arg3[%add3A_21, %dma_start3A_40, %dma_start3A_41] : memref<5024x2x128xi32, #tpu.memory_space<hbm>> -> memref<1x2x128xi32, #tpu.memory_space<hbm>>
        %dma_start3A_43 = tpu.memref_squeeze %dma_start3A_42 : memref<1x2x128xi32, #tpu.memory_space<hbm>> -> memref<2x128xi32, #tpu.memory_space<hbm>>
        tpu.enqueue_dma source(%dma_start3A_43 : memref<2x128xi32, #tpu.memory_space<hbm>>) target(%arg8 : memref<2x128xi32, #tpu.memory_space<vmem>>) target_semaphore(%run_scoped3A_35 : memref<!tpu.dma_semaphore, #tpu.memory_space<semaphore_mem>>)
        %dma_wait3A_44 = arith.constant 0 : i32
        %dma_wait3A_45 = arith.constant 0 : i32
        %dma_wait3A_46 = tpu.memref_slice %arg3[%add3A_21, %dma_wait3A_44, %dma_wait3A_45] : memref<5024x2x128xi32, #tpu.memory_space<hbm>> -> memref<1x2x128xi32, #tpu.memory_space<hbm>>
        %dma_wait3A_47 = tpu.memref_squeeze %dma_wait3A_46 : memref<1x2x128xi32, #tpu.memory_space<hbm>> -> memref<2x128xi32, #tpu.memory_space<hbm>>
        %dma_wait3A_48 = arith.constant 0 : i32
        %dma_wait3A_49 = arith.constant 0 : i32
        %dma_wait3A_50 = tpu.memref_slice %arg3[%add3A_21, %dma_wait3A_48, %dma_wait3A_49] : memref<5024x2x128xi32, #tpu.memory_space<hbm>> -> memref<1x2x128xi32, #tpu.memory_space<hbm>>
        %dma_wait3A_51 = tpu.memref_squeeze %dma_wait3A_50 : memref<1x2x128xi32, #tpu.memory_space<hbm>> -> memref<2x128xi32, #tpu.memory_space<hbm>>
        tpu.wait_dma2 semaphore(%run_scoped3A_35 : memref<!tpu.dma_semaphore, #tpu.memory_space<semaphore_mem>>) src(%dma_wait3A_51 : memref<2x128xi32, #tpu.memory_space<hbm>>) dst(%arg8 : memref<2x128xi32, #tpu.memory_space<vmem>>)
        tpu.yield
      }) : () -> ()
      %dma_start3A = arith.constant 0 : i32
      %dma_start3A_22 = arith.constant 0 : i32
      %dma_start3A_23 = tpu.memref_slice %arg8[%dma_start3A, %dma_start3A_22] : memref<2x128xi32, #tpu.memory_space<vmem>> -> memref<1x128xi32, #tpu.memory_space<vmem>>
      %dma_start3A_24 = tpu.memref_squeeze %dma_start3A_23 : memref<1x128xi32, #tpu.memory_space<vmem>> -> memref<128xi32, #tpu.memory_space<vmem>>
      %dma_start3A_25 = arith.constant 0 : i32
      %dma_start3A_26 = arith.constant 0 : i32
      %dma_start3A_27 = tpu.memref_slice %arg2[%dma_start3A_25, %dma_start3A_26] : memref<10240x64xf32, #tpu.memory_space<hbm>> -> memref<10240x64xf32, #tpu.memory_space<hbm>>
      tpu.enqueue_indirect_dma source(%dma_start3A_27 : memref<10240x64xf32, #tpu.memory_space<hbm>>) target(%arg9 : memref<128x64xf32, #tpu.memory_space<vmem>>) offsets(%dma_start3A_24 : memref<128xi32, #tpu.memory_space<vmem>>) semaphore(%arg10 : memref<!tpu.dma_semaphore, #tpu.memory_space<semaphore_mem>>)
      %dma_wait3A = arith.constant 0 : i32
      %dma_wait3A_28 = arith.constant 0 : i32
      %dma_wait3A_29 = tpu.memref_slice %arg8[%dma_wait3A, %dma_wait3A_28] : memref<2x128xi32, #tpu.memory_space<vmem>> -> memref<1x128xi32, #tpu.memory_space<vmem>>
      %dma_wait3A_30 = tpu.memref_squeeze %dma_wait3A_29 : memref<1x128xi32, #tpu.memory_space<vmem>> -> memref<128xi32, #tpu.memory_space<vmem>>
      %dma_wait3A_31 = arith.constant 0 : i32
      %dma_wait3A_32 = arith.constant 0 : i32
      %dma_wait3A_33 = tpu.memref_slice %arg2[%dma_wait3A_31, %dma_wait3A_32] : memref<10240x64xf32, #tpu.memory_space<hbm>> -> memref<10240x64xf32, #tpu.memory_space<hbm>>
      tpu.wait_indirect_dma semaphore(%arg10 : memref<!tpu.dma_semaphore, #tpu.memory_space<semaphore_mem>>) src(%dma_wait3A_33 : memref<10240x64xf32, #tpu.memory_space<hbm>>) dst(%arg9 : memref<128x64xf32, #tpu.memory_space<vmem>>)
      %run_scoped3A = arith.constant 1 : i32
      "tpu.region"() ({
        %run_scoped3A_35 = tpu.sem_alloc : memref<!tpu.dma_semaphore, #tpu.memory_space<semaphore_mem>>
        %dma_start3A_36 = arith.constant 0 : i32
        %dma_start3A_37 = tpu.memref_slice %arg8[%run_scoped3A, %dma_start3A_36] : memref<2x128xi32, #tpu.memory_space<vmem>> -> memref<1x128xi32, #tpu.memory_space<vmem>>
        %dma_start3A_38 = tpu.memref_squeeze %dma_start3A_37 : memref<1x128xi32, #tpu.memory_space<vmem>> -> memref<128xi32, #tpu.memory_space<vmem>>
        %dma_start3A_39 = arith.constant 0 : i32
        %dma_start3A_40 = arith.constant 0 : i32
        %dma_start3A_41 = tpu.memref_slice %arg7[%dma_start3A_39, %dma_start3A_40] : memref<10240x64xf32, #tpu.memory_space<vmem_shared>> -> memref<10240x64xf32, #tpu.memory_space<vmem_shared>>
        tpu.enqueue_indirect_dma source(%arg9 : memref<128x64xf32, #tpu.memory_space<vmem>>) target(%dma_start3A_41 : memref<10240x64xf32, #tpu.memory_space<vmem_shared>>) offsets(%dma_start3A_38 : memref<128xi32, #tpu.memory_space<vmem>>) semaphore(%run_scoped3A_35 : memref<!tpu.dma_semaphore, #tpu.memory_space<semaphore_mem>>) {add = true}
        %dma_wait3A_42 = arith.constant 0 : i32
        %dma_wait3A_43 = tpu.memref_slice %arg8[%run_scoped3A, %dma_wait3A_42] : memref<2x128xi32, #tpu.memory_space<vmem>> -> memref<1x128xi32, #tpu.memory_space<vmem>>
        %dma_wait3A_44 = tpu.memref_squeeze %dma_wait3A_43 : memref<1x128xi32, #tpu.memory_space<vmem>> -> memref<128xi32, #tpu.memory_space<vmem>>
        %dma_wait3A_45 = arith.constant 0 : i32
        %dma_wait3A_46 = arith.constant 0 : i32
        %dma_wait3A_47 = tpu.memref_slice %arg7[%dma_wait3A_45, %dma_wait3A_46] : memref<10240x64xf32, #tpu.memory_space<vmem_shared>> -> memref<10240x64xf32, #tpu.memory_space<vmem_shared>>
        tpu.wait_indirect_dma semaphore(%run_scoped3A_35 : memref<!tpu.dma_semaphore, #tpu.memory_space<semaphore_mem>>) src(%arg9 : memref<128x64xf32, #tpu.memory_space<vmem>>) dst(%dma_wait3A_47 : memref<10240x64xf32, #tpu.memory_space<vmem_shared>>)
        tpu.yield
      }) : () -> ()
      %scan3A_34 = arith.constant 0 : i32
      scf.yield %scan3A_34 : i32
    }
    %scan3A_8 = arith.constant 157 : i32
    %barrier3A_9 = arith.constant 0 : index
    tpu.barrier barrier_id(%barrier3A_9)
    %eq3A = arith.constant 0 : i32
    %eq3A_10 = arith.cmpi eq, %arg0, %eq3A : i32
    %convert_element_type3A = arith.extui %eq3A_10 : i1 to i32
    %cond3A = arith.constant 0 : i32
    %cond3A_11 = arith.cmpi ne, %convert_element_type3A, %cond3A : i32
    scf.if %cond3A_11 {
      %mul3A_17 = arith.constant 640 : i32
      %mul3A_18 = arith.muli %arg1, %mul3A_17 : i32
      %mul3A_19 = arith.constant 640 : i32
      %mul3A_20 = arith.muli %arg1, %mul3A_19 : i32
      "tpu.region"() ({
        %run_scoped3A = tpu.sem_alloc : memref<!tpu.dma_semaphore, #tpu.memory_space<semaphore_mem>>
        %dma_start3A = arith.constant 0 : i32
        %dma_start3A_21 = tpu.memref_slice %arg5[%mul3A_20, %dma_start3A] : memref<10240x64xf32, #tpu.memory_space<hbm>> -> memref<640x64xf32, #tpu.memory_space<hbm>>
        %dma_start3A_22 = arith.constant 0 : i32
        %dma_start3A_23 = tpu.memref_slice %arg7[%mul3A_18, %dma_start3A_22] : memref<10240x64xf32, #tpu.memory_space<vmem_shared>> -> memref<640x64xf32, #tpu.memory_space<vmem_shared>>
        tpu.enqueue_dma source(%dma_start3A_23 : memref<640x64xf32, #tpu.memory_space<vmem_shared>>) target(%dma_start3A_21 : memref<640x64xf32, #tpu.memory_space<hbm>>) target_semaphore(%run_scoped3A : memref<!tpu.dma_semaphore, #tpu.memory_space<semaphore_mem>>)
        %dma_wait3A = arith.constant 0 : i32
        %dma_wait3A_24 = tpu.memref_slice %arg5[%mul3A_20, %dma_wait3A] : memref<10240x64xf32, #tpu.memory_space<hbm>> -> memref<640x64xf32, #tpu.memory_space<hbm>>
        %dma_wait3A_25 = arith.constant 0 : i32
        %dma_wait3A_26 = tpu.memref_slice %arg7[%mul3A_18, %dma_wait3A_25] : memref<10240x64xf32, #tpu.memory_space<vmem_shared>> -> memref<640x64xf32, #tpu.memory_space<vmem_shared>>
        tpu.wait_dma2 semaphore(%run_scoped3A : memref<!tpu.dma_semaphore, #tpu.memory_space<semaphore_mem>>) src(%dma_wait3A_26 : memref<640x64xf32, #tpu.memory_space<vmem_shared>>) dst(%dma_wait3A_24 : memref<640x64xf32, #tpu.memory_space<hbm>>)
        tpu.yield
      }) : () -> ()
    } else {
    }
    %eq3A_12 = arith.constant 1 : i32
    %eq3A_13 = arith.cmpi eq, %arg0, %eq3A_12 : i32
    %convert_element_type3A_14 = arith.extui %eq3A_13 : i1 to i32
    %cond3A_15 = arith.constant 0 : i32
    %cond3A_16 = arith.cmpi ne, %convert_element_type3A_14, %cond3A_15 : i32
    scf.if %cond3A_16 {
      %mul3A_17 = arith.constant 640 : i32
      %mul3A_18 = arith.muli %arg1, %mul3A_17 : i32
      %mul3A_19 = arith.constant 640 : i32
      %mul3A_20 = arith.muli %arg1, %mul3A_19 : i32
      "tpu.region"() ({
        %run_scoped3A = tpu.sem_alloc : memref<!tpu.dma_semaphore, #tpu.memory_space<semaphore_mem>>
        %dma_start3A = arith.constant 0 : i32
        %dma_start3A_21 = tpu.memref_slice %arg6[%mul3A_20, %dma_start3A] : memref<10240x64xf32, #tpu.memory_space<hbm>> -> memref<640x64xf32, #tpu.memory_space<hbm>>
        %dma_start3A_22 = arith.constant 0 : i32
        %dma_start3A_23 = tpu.memref_slice %arg7[%mul3A_18, %dma_start3A_22] : memref<10240x64xf32, #tpu.memory_space<vmem_shared>> -> memref<640x64xf32, #tpu.memory_space<vmem_shared>>
        tpu.enqueue_dma source(%dma_start3A_23 : memref<640x64xf32, #tpu.memory_space<vmem_shared>>) target(%dma_start3A_21 : memref<640x64xf32, #tpu.memory_space<hbm>>) target_semaphore(%run_scoped3A : memref<!tpu.dma_semaphore, #tpu.memory_space<semaphore_mem>>)
        %dma_wait3A = arith.constant 0 : i32
        %dma_wait3A_24 = tpu.memref_slice %arg6[%mul3A_20, %dma_wait3A] : memref<10240x64xf32, #tpu.memory_space<hbm>> -> memref<640x64xf32, #tpu.memory_space<hbm>>
        %dma_wait3A_25 = arith.constant 0 : i32
        %dma_wait3A_26 = tpu.memref_slice %arg7[%mul3A_18, %dma_wait3A_25] : memref<10240x64xf32, #tpu.memory_space<vmem_shared>> -> memref<640x64xf32, #tpu.memory_space<vmem_shared>>
        tpu.wait_dma2 semaphore(%run_scoped3A : memref<!tpu.dma_semaphore, #tpu.memory_space<semaphore_mem>>) src(%dma_wait3A_26 : memref<640x64xf32, #tpu.memory_space<vmem_shared>>) dst(%dma_wait3A_24 : memref<640x64xf32, #tpu.memory_space<hbm>>)
        tpu.yield
      }) : () -> ()
    } else {
    }
    return
  }
}

#map = affine_map<(d0, d1) -> (0, 0)>
#map1 = affine_map<(d0, d1) -> (0)>
module attributes {stable_mosaic.version = 14 : i64} {
  func.func @_prep_body(%arg0: i32, %arg1: i32, %arg2: memref<10000x16xf32, #tpu.memory_space<hbm>>, %arg3: memref<10240x16xf32, #tpu.memory_space<hbm>>, %arg4: memref<10240xi32, #tpu.memory_space<hbm>>, %arg5: memref<10240xi32, #tpu.memory_space<hbm>>, %arg6: memref<10240xi32, #tpu.memory_space<hbm>>, %arg7: memref<10240x16xf32, #tpu.memory_space<hbm>>, %arg8: memref<10240x16xf32, #tpu.memory_space<hbm>>, %arg9: memref<10240x16xf32, #tpu.memory_space<hbm>>, %arg10: memref<64xi32, #tpu.memory_space<vmem>>, %arg11: memref<64x16xf32, #tpu.memory_space<vmem>>, %arg12: memref<!tpu.dma_semaphore, #tpu.memory_space<semaphore_mem>>) attributes {dimension_semantics = [#tpu.dimension_semantics<core_parallel>, #tpu.dimension_semantics<subcore_parallel>], iteration_bounds = array<i64: 2, 16>, scalar_prefetch = 0 : i64, scratch_operands = 3 : i64, tpu.core_type = #tpu.core_type<sc_vector_subcore>, window_params = [{transform_indices = #map}, {transform_indices = #map}, {transform_indices = #map1}, {transform_indices = #map1}, {transform_indices = #map1}, {transform_indices = #map}, {transform_indices = #map}, {transform_indices = #map}]} {
    %mul3A = arith.constant 2 : i32
    %mul3A_0 = arith.muli %arg1, %mul3A : i32
    %add3A = arith.addi %mul3A_0, %arg0 : i32
    %scan3A = arith.constant 0 : i32
    %scan3A_1 = arith.constant 0 : i32
    %scan3A_2 = arith.constant 5 : i32
    %scan3A_3 = arith.addi %scan3A_1, %scan3A_2 : i32
    %scan3A_4 = arith.constant 1 : i32
    %scan3A_5 = scf.for %scan3A_21 = %scan3A_1 to %scan3A_3 step %scan3A_4 iter_args(%scan3A_22 = %scan3A) -> (i32)  : i32 {
      %mul3A_23 = arith.constant 320 : i32
      %mul3A_24 = arith.muli %add3A, %mul3A_23 : i32
      %mul3A_25 = arith.constant 64 : i32
      %mul3A_26 = arith.muli %scan3A_21, %mul3A_25 : i32
      %add3A_27 = arith.addi %mul3A_24, %mul3A_26 : i32
      "tpu.region"() ({
        %run_scoped3A = tpu.sem_alloc : memref<!tpu.dma_semaphore, #tpu.memory_space<semaphore_mem>>
        %dma_start3A_33 = tpu.memref_slice %arg4[%add3A_27] : memref<10240xi32, #tpu.memory_space<hbm>> -> memref<64xi32, #tpu.memory_space<hbm>>
        %dma_start3A_34 = tpu.memref_slice %arg4[%add3A_27] : memref<10240xi32, #tpu.memory_space<hbm>> -> memref<64xi32, #tpu.memory_space<hbm>>
        tpu.enqueue_dma source(%dma_start3A_34 : memref<64xi32, #tpu.memory_space<hbm>>) target(%arg10 : memref<64xi32, #tpu.memory_space<vmem>>) target_semaphore(%run_scoped3A : memref<!tpu.dma_semaphore, #tpu.memory_space<semaphore_mem>>)
        %dma_wait3A_35 = tpu.memref_slice %arg4[%add3A_27] : memref<10240xi32, #tpu.memory_space<hbm>> -> memref<64xi32, #tpu.memory_space<hbm>>
        %dma_wait3A_36 = tpu.memref_slice %arg4[%add3A_27] : memref<10240xi32, #tpu.memory_space<hbm>> -> memref<64xi32, #tpu.memory_space<hbm>>
        tpu.wait_dma2 semaphore(%run_scoped3A : memref<!tpu.dma_semaphore, #tpu.memory_space<semaphore_mem>>) src(%dma_wait3A_36 : memref<64xi32, #tpu.memory_space<hbm>>) dst(%arg10 : memref<64xi32, #tpu.memory_space<vmem>>)
        tpu.yield
      }) : () -> ()
      %dma_start3A = arith.constant 0 : i32
      %dma_start3A_28 = arith.constant 0 : i32
      %dma_start3A_29 = tpu.memref_slice %arg2[%dma_start3A, %dma_start3A_28] : memref<10000x16xf32, #tpu.memory_space<hbm>> -> memref<10000x16xf32, #tpu.memory_space<hbm>>
      tpu.enqueue_indirect_dma source(%dma_start3A_29 : memref<10000x16xf32, #tpu.memory_space<hbm>>) target(%arg11 : memref<64x16xf32, #tpu.memory_space<vmem>>) offsets(%arg10 : memref<64xi32, #tpu.memory_space<vmem>>) semaphore(%arg12 : memref<!tpu.dma_semaphore, #tpu.memory_space<semaphore_mem>>)
      %dma_wait3A = arith.constant 0 : i32
      %dma_wait3A_30 = arith.constant 0 : i32
      %dma_wait3A_31 = tpu.memref_slice %arg2[%dma_wait3A, %dma_wait3A_30] : memref<10000x16xf32, #tpu.memory_space<hbm>> -> memref<10000x16xf32, #tpu.memory_space<hbm>>
      tpu.wait_indirect_dma semaphore(%arg12 : memref<!tpu.dma_semaphore, #tpu.memory_space<semaphore_mem>>) src(%dma_wait3A_31 : memref<10000x16xf32, #tpu.memory_space<hbm>>) dst(%arg11 : memref<64x16xf32, #tpu.memory_space<vmem>>)
      "tpu.region"() ({
        %run_scoped3A = tpu.sem_alloc : memref<!tpu.dma_semaphore, #tpu.memory_space<semaphore_mem>>
        %dma_start3A_33 = arith.constant 0 : i32
        %dma_start3A_34 = tpu.memref_slice %arg7[%add3A_27, %dma_start3A_33] : memref<10240x16xf32, #tpu.memory_space<hbm>> -> memref<64x16xf32, #tpu.memory_space<hbm>>
        %dma_start3A_35 = arith.constant 0 : i32
        %dma_start3A_36 = tpu.memref_slice %arg7[%add3A_27, %dma_start3A_35] : memref<10240x16xf32, #tpu.memory_space<hbm>> -> memref<64x16xf32, #tpu.memory_space<hbm>>
        tpu.enqueue_dma source(%arg11 : memref<64x16xf32, #tpu.memory_space<vmem>>) target(%dma_start3A_36 : memref<64x16xf32, #tpu.memory_space<hbm>>) target_semaphore(%run_scoped3A : memref<!tpu.dma_semaphore, #tpu.memory_space<semaphore_mem>>)
        %dma_wait3A_37 = arith.constant 0 : i32
        %dma_wait3A_38 = tpu.memref_slice %arg7[%add3A_27, %dma_wait3A_37] : memref<10240x16xf32, #tpu.memory_space<hbm>> -> memref<64x16xf32, #tpu.memory_space<hbm>>
        %dma_wait3A_39 = arith.constant 0 : i32
        %dma_wait3A_40 = tpu.memref_slice %arg7[%add3A_27, %dma_wait3A_39] : memref<10240x16xf32, #tpu.memory_space<hbm>> -> memref<64x16xf32, #tpu.memory_space<hbm>>
        tpu.wait_dma2 semaphore(%run_scoped3A : memref<!tpu.dma_semaphore, #tpu.memory_space<semaphore_mem>>) src(%arg11 : memref<64x16xf32, #tpu.memory_space<vmem>>) dst(%dma_wait3A_40 : memref<64x16xf32, #tpu.memory_space<hbm>>)
        tpu.yield
      }) : () -> ()
      %scan3A_32 = arith.constant 0 : i32
      scf.yield %scan3A_32 : i32
    }
    %scan3A_6 = arith.constant 5 : i32
    %scan3A_7 = arith.constant 0 : i32
    %scan3A_8 = arith.constant 0 : i32
    %scan3A_9 = arith.constant 5 : i32
    %scan3A_10 = arith.addi %scan3A_8, %scan3A_9 : i32
    %scan3A_11 = arith.constant 1 : i32
    %scan3A_12 = scf.for %scan3A_21 = %scan3A_8 to %scan3A_10 step %scan3A_11 iter_args(%scan3A_22 = %scan3A_7) -> (i32)  : i32 {
      %mul3A_23 = arith.constant 320 : i32
      %mul3A_24 = arith.muli %add3A, %mul3A_23 : i32
      %mul3A_25 = arith.constant 64 : i32
      %mul3A_26 = arith.muli %scan3A_21, %mul3A_25 : i32
      %add3A_27 = arith.addi %mul3A_24, %mul3A_26 : i32
      "tpu.region"() ({
        %run_scoped3A = tpu.sem_alloc : memref<!tpu.dma_semaphore, #tpu.memory_space<semaphore_mem>>
        %dma_start3A_33 = tpu.memref_slice %arg5[%add3A_27] : memref<10240xi32, #tpu.memory_space<hbm>> -> memref<64xi32, #tpu.memory_space<hbm>>
        %dma_start3A_34 = tpu.memref_slice %arg5[%add3A_27] : memref<10240xi32, #tpu.memory_space<hbm>> -> memref<64xi32, #tpu.memory_space<hbm>>
        tpu.enqueue_dma source(%dma_start3A_34 : memref<64xi32, #tpu.memory_space<hbm>>) target(%arg10 : memref<64xi32, #tpu.memory_space<vmem>>) target_semaphore(%run_scoped3A : memref<!tpu.dma_semaphore, #tpu.memory_space<semaphore_mem>>)
        %dma_wait3A_35 = tpu.memref_slice %arg5[%add3A_27] : memref<10240xi32, #tpu.memory_space<hbm>> -> memref<64xi32, #tpu.memory_space<hbm>>
        %dma_wait3A_36 = tpu.memref_slice %arg5[%add3A_27] : memref<10240xi32, #tpu.memory_space<hbm>> -> memref<64xi32, #tpu.memory_space<hbm>>
        tpu.wait_dma2 semaphore(%run_scoped3A : memref<!tpu.dma_semaphore, #tpu.memory_space<semaphore_mem>>) src(%dma_wait3A_36 : memref<64xi32, #tpu.memory_space<hbm>>) dst(%arg10 : memref<64xi32, #tpu.memory_space<vmem>>)
        tpu.yield
      }) : () -> ()
      %dma_start3A = arith.constant 0 : i32
      %dma_start3A_28 = arith.constant 0 : i32
      %dma_start3A_29 = tpu.memref_slice %arg2[%dma_start3A, %dma_start3A_28] : memref<10000x16xf32, #tpu.memory_space<hbm>> -> memref<10000x16xf32, #tpu.memory_space<hbm>>
      tpu.enqueue_indirect_dma source(%dma_start3A_29 : memref<10000x16xf32, #tpu.memory_space<hbm>>) target(%arg11 : memref<64x16xf32, #tpu.memory_space<vmem>>) offsets(%arg10 : memref<64xi32, #tpu.memory_space<vmem>>) semaphore(%arg12 : memref<!tpu.dma_semaphore, #tpu.memory_space<semaphore_mem>>)
      %dma_wait3A = arith.constant 0 : i32
      %dma_wait3A_30 = arith.constant 0 : i32
      %dma_wait3A_31 = tpu.memref_slice %arg2[%dma_wait3A, %dma_wait3A_30] : memref<10000x16xf32, #tpu.memory_space<hbm>> -> memref<10000x16xf32, #tpu.memory_space<hbm>>
      tpu.wait_indirect_dma semaphore(%arg12 : memref<!tpu.dma_semaphore, #tpu.memory_space<semaphore_mem>>) src(%dma_wait3A_31 : memref<10000x16xf32, #tpu.memory_space<hbm>>) dst(%arg11 : memref<64x16xf32, #tpu.memory_space<vmem>>)
      "tpu.region"() ({
        %run_scoped3A = tpu.sem_alloc : memref<!tpu.dma_semaphore, #tpu.memory_space<semaphore_mem>>
        %dma_start3A_33 = arith.constant 0 : i32
        %dma_start3A_34 = tpu.memref_slice %arg8[%add3A_27, %dma_start3A_33] : memref<10240x16xf32, #tpu.memory_space<hbm>> -> memref<64x16xf32, #tpu.memory_space<hbm>>
        %dma_start3A_35 = arith.constant 0 : i32
        %dma_start3A_36 = tpu.memref_slice %arg8[%add3A_27, %dma_start3A_35] : memref<10240x16xf32, #tpu.memory_space<hbm>> -> memref<64x16xf32, #tpu.memory_space<hbm>>
        tpu.enqueue_dma source(%arg11 : memref<64x16xf32, #tpu.memory_space<vmem>>) target(%dma_start3A_36 : memref<64x16xf32, #tpu.memory_space<hbm>>) target_semaphore(%run_scoped3A : memref<!tpu.dma_semaphore, #tpu.memory_space<semaphore_mem>>)
        %dma_wait3A_37 = arith.constant 0 : i32
        %dma_wait3A_38 = tpu.memref_slice %arg8[%add3A_27, %dma_wait3A_37] : memref<10240x16xf32, #tpu.memory_space<hbm>> -> memref<64x16xf32, #tpu.memory_space<hbm>>
        %dma_wait3A_39 = arith.constant 0 : i32
        %dma_wait3A_40 = tpu.memref_slice %arg8[%add3A_27, %dma_wait3A_39] : memref<10240x16xf32, #tpu.memory_space<hbm>> -> memref<64x16xf32, #tpu.memory_space<hbm>>
        tpu.wait_dma2 semaphore(%run_scoped3A : memref<!tpu.dma_semaphore, #tpu.memory_space<semaphore_mem>>) src(%arg11 : memref<64x16xf32, #tpu.memory_space<vmem>>) dst(%dma_wait3A_40 : memref<64x16xf32, #tpu.memory_space<hbm>>)
        tpu.yield
      }) : () -> ()
      %scan3A_32 = arith.constant 0 : i32
      scf.yield %scan3A_32 : i32
    }
    %scan3A_13 = arith.constant 5 : i32
    %scan3A_14 = arith.constant 0 : i32
    %scan3A_15 = arith.constant 0 : i32
    %scan3A_16 = arith.constant 5 : i32
    %scan3A_17 = arith.addi %scan3A_15, %scan3A_16 : i32
    %scan3A_18 = arith.constant 1 : i32
    %scan3A_19 = scf.for %scan3A_21 = %scan3A_15 to %scan3A_17 step %scan3A_18 iter_args(%scan3A_22 = %scan3A_14) -> (i32)  : i32 {
      %mul3A_23 = arith.constant 320 : i32
      %mul3A_24 = arith.muli %add3A, %mul3A_23 : i32
      %mul3A_25 = arith.constant 64 : i32
      %mul3A_26 = arith.muli %scan3A_21, %mul3A_25 : i32
      %add3A_27 = arith.addi %mul3A_24, %mul3A_26 : i32
      "tpu.region"() ({
        %run_scoped3A = tpu.sem_alloc : memref<!tpu.dma_semaphore, #tpu.memory_space<semaphore_mem>>
        %dma_start3A_33 = tpu.memref_slice %arg6[%add3A_27] : memref<10240xi32, #tpu.memory_space<hbm>> -> memref<64xi32, #tpu.memory_space<hbm>>
        %dma_start3A_34 = tpu.memref_slice %arg6[%add3A_27] : memref<10240xi32, #tpu.memory_space<hbm>> -> memref<64xi32, #tpu.memory_space<hbm>>
        tpu.enqueue_dma source(%dma_start3A_34 : memref<64xi32, #tpu.memory_space<hbm>>) target(%arg10 : memref<64xi32, #tpu.memory_space<vmem>>) target_semaphore(%run_scoped3A : memref<!tpu.dma_semaphore, #tpu.memory_space<semaphore_mem>>)
        %dma_wait3A_35 = tpu.memref_slice %arg6[%add3A_27] : memref<10240xi32, #tpu.memory_space<hbm>> -> memref<64xi32, #tpu.memory_space<hbm>>
        %dma_wait3A_36 = tpu.memref_slice %arg6[%add3A_27] : memref<10240xi32, #tpu.memory_space<hbm>> -> memref<64xi32, #tpu.memory_space<hbm>>
        tpu.wait_dma2 semaphore(%run_scoped3A : memref<!tpu.dma_semaphore, #tpu.memory_space<semaphore_mem>>) src(%dma_wait3A_36 : memref<64xi32, #tpu.memory_space<hbm>>) dst(%arg10 : memref<64xi32, #tpu.memory_space<vmem>>)
        tpu.yield
      }) : () -> ()
      %dma_start3A = arith.constant 0 : i32
      %dma_start3A_28 = arith.constant 0 : i32
      %dma_start3A_29 = tpu.memref_slice %arg3[%dma_start3A, %dma_start3A_28] : memref<10240x16xf32, #tpu.memory_space<hbm>> -> memref<10240x16xf32, #tpu.memory_space<hbm>>
      tpu.enqueue_indirect_dma source(%dma_start3A_29 : memref<10240x16xf32, #tpu.memory_space<hbm>>) target(%arg11 : memref<64x16xf32, #tpu.memory_space<vmem>>) offsets(%arg10 : memref<64xi32, #tpu.memory_space<vmem>>) semaphore(%arg12 : memref<!tpu.dma_semaphore, #tpu.memory_space<semaphore_mem>>)
      %dma_wait3A = arith.constant 0 : i32
      %dma_wait3A_30 = arith.constant 0 : i32
      %dma_wait3A_31 = tpu.memref_slice %arg3[%dma_wait3A, %dma_wait3A_30] : memref<10240x16xf32, #tpu.memory_space<hbm>> -> memref<10240x16xf32, #tpu.memory_space<hbm>>
      tpu.wait_indirect_dma semaphore(%arg12 : memref<!tpu.dma_semaphore, #tpu.memory_space<semaphore_mem>>) src(%dma_wait3A_31 : memref<10240x16xf32, #tpu.memory_space<hbm>>) dst(%arg11 : memref<64x16xf32, #tpu.memory_space<vmem>>)
      "tpu.region"() ({
        %run_scoped3A = tpu.sem_alloc : memref<!tpu.dma_semaphore, #tpu.memory_space<semaphore_mem>>
        %dma_start3A_33 = arith.constant 0 : i32
        %dma_start3A_34 = tpu.memref_slice %arg9[%add3A_27, %dma_start3A_33] : memref<10240x16xf32, #tpu.memory_space<hbm>> -> memref<64x16xf32, #tpu.memory_space<hbm>>
        %dma_start3A_35 = arith.constant 0 : i32
        %dma_start3A_36 = tpu.memref_slice %arg9[%add3A_27, %dma_start3A_35] : memref<10240x16xf32, #tpu.memory_space<hbm>> -> memref<64x16xf32, #tpu.memory_space<hbm>>
        tpu.enqueue_dma source(%arg11 : memref<64x16xf32, #tpu.memory_space<vmem>>) target(%dma_start3A_36 : memref<64x16xf32, #tpu.memory_space<hbm>>) target_semaphore(%run_scoped3A : memref<!tpu.dma_semaphore, #tpu.memory_space<semaphore_mem>>)
        %dma_wait3A_37 = arith.constant 0 : i32
        %dma_wait3A_38 = tpu.memref_slice %arg9[%add3A_27, %dma_wait3A_37] : memref<10240x16xf32, #tpu.memory_space<hbm>> -> memref<64x16xf32, #tpu.memory_space<hbm>>
        %dma_wait3A_39 = arith.constant 0 : i32
        %dma_wait3A_40 = tpu.memref_slice %arg9[%add3A_27, %dma_wait3A_39] : memref<10240x16xf32, #tpu.memory_space<hbm>> -> memref<64x16xf32, #tpu.memory_space<hbm>>
        tpu.wait_dma2 semaphore(%run_scoped3A : memref<!tpu.dma_semaphore, #tpu.memory_space<semaphore_mem>>) src(%arg11 : memref<64x16xf32, #tpu.memory_space<vmem>>) dst(%dma_wait3A_40 : memref<64x16xf32, #tpu.memory_space<hbm>>)
        tpu.yield
      }) : () -> ()
      %scan3A_32 = arith.constant 0 : i32
      scf.yield %scan3A_32 : i32
    }
    %scan3A_20 = arith.constant 5 : i32
    return
  }
}

#map = affine_map<(d0, d1) -> (0, 0)>
#map1 = affine_map<(d0, d1) -> (0, 0, 0)>
module attributes {stable_mosaic.version = 14 : i64} {
  func.func @_hop_body(%arg0: i32, %arg1: i32, %arg2: memref<10240x144xf32, #tpu.memory_space<hbm>>, %arg3: memref<5024x2x128xi32, #tpu.memory_space<hbm>>, %arg4: memref<640x144xf32, #tpu.memory_space<hbm>>, %arg5: memref<10240x144xf32, #tpu.memory_space<hbm>>, %arg6: memref<10240x144xf32, #tpu.memory_space<hbm>>, %arg7: memref<10240x144xf32, #tpu.memory_space<vmem_shared>>, %arg8: memref<2x128xi32, #tpu.memory_space<vmem>>, %arg9: memref<128x144xf32, #tpu.memory_space<vmem>>, %arg10: memref<!tpu.dma_semaphore, #tpu.memory_space<semaphore_mem>>) attributes {dimension_semantics = [#tpu.dimension_semantics<core_parallel>, #tpu.dimension_semantics<subcore_parallel>], iteration_bounds = array<i64: 2, 16>, scalar_prefetch = 0 : i64, scratch_operands = 4 : i64, tpu.core_type = #tpu.core_type<sc_vector_subcore>, window_params = [{transform_indices = #map}, {transform_indices = #map1}, {transform_indices = #map}, {transform_indices = #map}, {transform_indices = #map}]} {
    %mul3A = arith.constant 2 : i32
    %mul3A_0 = arith.muli %arg1, %mul3A : i32
    %add3A = arith.addi %mul3A_0, %arg0 : i32
    %mul3A_1 = arith.constant 640 : i32
    %mul3A_2 = arith.muli %arg1, %mul3A_1 : i32
    "tpu.region"() ({
      %run_scoped3A = tpu.sem_alloc : memref<!tpu.dma_semaphore, #tpu.memory_space<semaphore_mem>>
      %dma_start3A = arith.constant 0 : i32
      %dma_start3A_17 = tpu.memref_slice %arg7[%mul3A_2, %dma_start3A] : memref<10240x144xf32, #tpu.memory_space<vmem_shared>> -> memref<640x144xf32, #tpu.memory_space<vmem_shared>>
      tpu.enqueue_dma source(%arg4 : memref<640x144xf32, #tpu.memory_space<hbm>>) target(%dma_start3A_17 : memref<640x144xf32, #tpu.memory_space<vmem_shared>>) target_semaphore(%run_scoped3A : memref<!tpu.dma_semaphore, #tpu.memory_space<semaphore_mem>>)
      %dma_wait3A = arith.constant 0 : i32
      %dma_wait3A_18 = tpu.memref_slice %arg7[%mul3A_2, %dma_wait3A] : memref<10240x144xf32, #tpu.memory_space<vmem_shared>> -> memref<640x144xf32, #tpu.memory_space<vmem_shared>>
      tpu.wait_dma2 semaphore(%run_scoped3A : memref<!tpu.dma_semaphore, #tpu.memory_space<semaphore_mem>>) src(%arg4 : memref<640x144xf32, #tpu.memory_space<hbm>>) dst(%dma_wait3A_18 : memref<640x144xf32, #tpu.memory_space<vmem_shared>>)
      tpu.yield
    }) : () -> ()
    %barrier3A = arith.constant 0 : index
    tpu.barrier barrier_id(%barrier3A)
    %scan3A = arith.constant 0 : i32
    %scan3A_3 = arith.constant 0 : i32
    %scan3A_4 = arith.constant 157 : i32
    %scan3A_5 = arith.addi %scan3A_3, %scan3A_4 : i32
    %scan3A_6 = arith.constant 1 : i32
    %scan3A_7 = scf.for %scan3A_17 = %scan3A_3 to %scan3A_5 step %scan3A_6 iter_args(%scan3A_18 = %scan3A) -> (i32)  : i32 {
      %mul3A_19 = arith.constant 157 : i32
      %mul3A_20 = arith.muli %add3A, %mul3A_19 : i32
      %add3A_21 = arith.addi %mul3A_20, %scan3A_17 : i32
      "tpu.region"() ({
        %run_scoped3A_35 = tpu.sem_alloc : memref<!tpu.dma_semaphore, #tpu.memory_space<semaphore_mem>>
        %dma_start3A_36 = arith.constant 0 : i32
        %dma_start3A_37 = arith.constant 0 : i32
        %dma_start3A_38 = tpu.memref_slice %arg3[%add3A_21, %dma_start3A_36, %dma_start3A_37] : memref<5024x2x128xi32, #tpu.memory_space<hbm>> -> memref<1x2x128xi32, #tpu.memory_space<hbm>>
        %dma_start3A_39 = tpu.memref_squeeze %dma_start3A_38 : memref<1x2x128xi32, #tpu.memory_space<hbm>> -> memref<2x128xi32, #tpu.memory_space<hbm>>
        %dma_start3A_40 = arith.constant 0 : i32
        %dma_start3A_41 = arith.constant 0 : i32
        %dma_start3A_42 = tpu.memref_slice %arg3[%add3A_21, %dma_start3A_40, %dma_start3A_41] : memref<5024x2x128xi32, #tpu.memory_space<hbm>> -> memref<1x2x128xi32, #tpu.memory_space<hbm>>
        %dma_start3A_43 = tpu.memref_squeeze %dma_start3A_42 : memref<1x2x128xi32, #tpu.memory_space<hbm>> -> memref<2x128xi32, #tpu.memory_space<hbm>>
        tpu.enqueue_dma source(%dma_start3A_43 : memref<2x128xi32, #tpu.memory_space<hbm>>) target(%arg8 : memref<2x128xi32, #tpu.memory_space<vmem>>) target_semaphore(%run_scoped3A_35 : memref<!tpu.dma_semaphore, #tpu.memory_space<semaphore_mem>>)
        %dma_wait3A_44 = arith.constant 0 : i32
        %dma_wait3A_45 = arith.constant 0 : i32
        %dma_wait3A_46 = tpu.memref_slice %arg3[%add3A_21, %dma_wait3A_44, %dma_wait3A_45] : memref<5024x2x128xi32, #tpu.memory_space<hbm>> -> memref<1x2x128xi32, #tpu.memory_space<hbm>>
        %dma_wait3A_47 = tpu.memref_squeeze %dma_wait3A_46 : memref<1x2x128xi32, #tpu.memory_space<hbm>> -> memref<2x128xi32, #tpu.memory_space<hbm>>
        %dma_wait3A_48 = arith.constant 0 : i32
        %dma_wait3A_49 = arith.constant 0 : i32
        %dma_wait3A_50 = tpu.memref_slice %arg3[%add3A_21, %dma_wait3A_48, %dma_wait3A_49] : memref<5024x2x128xi32, #tpu.memory_space<hbm>> -> memref<1x2x128xi32, #tpu.memory_space<hbm>>
        %dma_wait3A_51 = tpu.memref_squeeze %dma_wait3A_50 : memref<1x2x128xi32, #tpu.memory_space<hbm>> -> memref<2x128xi32, #tpu.memory_space<hbm>>
        tpu.wait_dma2 semaphore(%run_scoped3A_35 : memref<!tpu.dma_semaphore, #tpu.memory_space<semaphore_mem>>) src(%dma_wait3A_51 : memref<2x128xi32, #tpu.memory_space<hbm>>) dst(%arg8 : memref<2x128xi32, #tpu.memory_space<vmem>>)
        tpu.yield
      }) : () -> ()
      %dma_start3A = arith.constant 0 : i32
      %dma_start3A_22 = arith.constant 0 : i32
      %dma_start3A_23 = tpu.memref_slice %arg8[%dma_start3A, %dma_start3A_22] : memref<2x128xi32, #tpu.memory_space<vmem>> -> memref<1x128xi32, #tpu.memory_space<vmem>>
      %dma_start3A_24 = tpu.memref_squeeze %dma_start3A_23 : memref<1x128xi32, #tpu.memory_space<vmem>> -> memref<128xi32, #tpu.memory_space<vmem>>
      %dma_start3A_25 = arith.constant 0 : i32
      %dma_start3A_26 = arith.constant 0 : i32
      %dma_start3A_27 = tpu.memref_slice %arg2[%dma_start3A_25, %dma_start3A_26] : memref<10240x144xf32, #tpu.memory_space<hbm>> -> memref<10240x144xf32, #tpu.memory_space<hbm>>
      tpu.enqueue_indirect_dma source(%dma_start3A_27 : memref<10240x144xf32, #tpu.memory_space<hbm>>) target(%arg9 : memref<128x144xf32, #tpu.memory_space<vmem>>) offsets(%dma_start3A_24 : memref<128xi32, #tpu.memory_space<vmem>>) semaphore(%arg10 : memref<!tpu.dma_semaphore, #tpu.memory_space<semaphore_mem>>)
      %dma_wait3A = arith.constant 0 : i32
      %dma_wait3A_28 = arith.constant 0 : i32
      %dma_wait3A_29 = tpu.memref_slice %arg8[%dma_wait3A, %dma_wait3A_28] : memref<2x128xi32, #tpu.memory_space<vmem>> -> memref<1x128xi32, #tpu.memory_space<vmem>>
      %dma_wait3A_30 = tpu.memref_squeeze %dma_wait3A_29 : memref<1x128xi32, #tpu.memory_space<vmem>> -> memref<128xi32, #tpu.memory_space<vmem>>
      %dma_wait3A_31 = arith.constant 0 : i32
      %dma_wait3A_32 = arith.constant 0 : i32
      %dma_wait3A_33 = tpu.memref_slice %arg2[%dma_wait3A_31, %dma_wait3A_32] : memref<10240x144xf32, #tpu.memory_space<hbm>> -> memref<10240x144xf32, #tpu.memory_space<hbm>>
      tpu.wait_indirect_dma semaphore(%arg10 : memref<!tpu.dma_semaphore, #tpu.memory_space<semaphore_mem>>) src(%dma_wait3A_33 : memref<10240x144xf32, #tpu.memory_space<hbm>>) dst(%arg9 : memref<128x144xf32, #tpu.memory_space<vmem>>)
      %run_scoped3A = arith.constant 1 : i32
      "tpu.region"() ({
        %run_scoped3A_35 = tpu.sem_alloc : memref<!tpu.dma_semaphore, #tpu.memory_space<semaphore_mem>>
        %dma_start3A_36 = arith.constant 0 : i32
        %dma_start3A_37 = tpu.memref_slice %arg8[%run_scoped3A, %dma_start3A_36] : memref<2x128xi32, #tpu.memory_space<vmem>> -> memref<1x128xi32, #tpu.memory_space<vmem>>
        %dma_start3A_38 = tpu.memref_squeeze %dma_start3A_37 : memref<1x128xi32, #tpu.memory_space<vmem>> -> memref<128xi32, #tpu.memory_space<vmem>>
        %dma_start3A_39 = arith.constant 0 : i32
        %dma_start3A_40 = arith.constant 0 : i32
        %dma_start3A_41 = tpu.memref_slice %arg7[%dma_start3A_39, %dma_start3A_40] : memref<10240x144xf32, #tpu.memory_space<vmem_shared>> -> memref<10240x144xf32, #tpu.memory_space<vmem_shared>>
        tpu.enqueue_indirect_dma source(%arg9 : memref<128x144xf32, #tpu.memory_space<vmem>>) target(%dma_start3A_41 : memref<10240x144xf32, #tpu.memory_space<vmem_shared>>) offsets(%dma_start3A_38 : memref<128xi32, #tpu.memory_space<vmem>>) semaphore(%run_scoped3A_35 : memref<!tpu.dma_semaphore, #tpu.memory_space<semaphore_mem>>) {add = true}
        %dma_wait3A_42 = arith.constant 0 : i32
        %dma_wait3A_43 = tpu.memref_slice %arg8[%run_scoped3A, %dma_wait3A_42] : memref<2x128xi32, #tpu.memory_space<vmem>> -> memref<1x128xi32, #tpu.memory_space<vmem>>
        %dma_wait3A_44 = tpu.memref_squeeze %dma_wait3A_43 : memref<1x128xi32, #tpu.memory_space<vmem>> -> memref<128xi32, #tpu.memory_space<vmem>>
        %dma_wait3A_45 = arith.constant 0 : i32
        %dma_wait3A_46 = arith.constant 0 : i32
        %dma_wait3A_47 = tpu.memref_slice %arg7[%dma_wait3A_45, %dma_wait3A_46] : memref<10240x144xf32, #tpu.memory_space<vmem_shared>> -> memref<10240x144xf32, #tpu.memory_space<vmem_shared>>
        tpu.wait_indirect_dma semaphore(%run_scoped3A_35 : memref<!tpu.dma_semaphore, #tpu.memory_space<semaphore_mem>>) src(%arg9 : memref<128x144xf32, #tpu.memory_space<vmem>>) dst(%dma_wait3A_47 : memref<10240x144xf32, #tpu.memory_space<vmem_shared>>)
        tpu.yield
      }) : () -> ()
      %scan3A_34 = arith.constant 0 : i32
      scf.yield %scan3A_34 : i32
    }
    %scan3A_8 = arith.constant 157 : i32
    %barrier3A_9 = arith.constant 0 : index
    tpu.barrier barrier_id(%barrier3A_9)
    %eq3A = arith.constant 0 : i32
    %eq3A_10 = arith.cmpi eq, %arg0, %eq3A : i32
    %convert_element_type3A = arith.extui %eq3A_10 : i1 to i32
    %cond3A = arith.constant 0 : i32
    %cond3A_11 = arith.cmpi ne, %convert_element_type3A, %cond3A : i32
    scf.if %cond3A_11 {
      %mul3A_17 = arith.constant 640 : i32
      %mul3A_18 = arith.muli %arg1, %mul3A_17 : i32
      %mul3A_19 = arith.constant 640 : i32
      %mul3A_20 = arith.muli %arg1, %mul3A_19 : i32
      "tpu.region"() ({
        %run_scoped3A = tpu.sem_alloc : memref<!tpu.dma_semaphore, #tpu.memory_space<semaphore_mem>>
        %dma_start3A = arith.constant 0 : i32
        %dma_start3A_21 = tpu.memref_slice %arg5[%mul3A_20, %dma_start3A] : memref<10240x144xf32, #tpu.memory_space<hbm>> -> memref<640x144xf32, #tpu.memory_space<hbm>>
        %dma_start3A_22 = arith.constant 0 : i32
        %dma_start3A_23 = tpu.memref_slice %arg7[%mul3A_18, %dma_start3A_22] : memref<10240x144xf32, #tpu.memory_space<vmem_shared>> -> memref<640x144xf32, #tpu.memory_space<vmem_shared>>
        tpu.enqueue_dma source(%dma_start3A_23 : memref<640x144xf32, #tpu.memory_space<vmem_shared>>) target(%dma_start3A_21 : memref<640x144xf32, #tpu.memory_space<hbm>>) target_semaphore(%run_scoped3A : memref<!tpu.dma_semaphore, #tpu.memory_space<semaphore_mem>>)
        %dma_wait3A = arith.constant 0 : i32
        %dma_wait3A_24 = tpu.memref_slice %arg5[%mul3A_20, %dma_wait3A] : memref<10240x144xf32, #tpu.memory_space<hbm>> -> memref<640x144xf32, #tpu.memory_space<hbm>>
        %dma_wait3A_25 = arith.constant 0 : i32
        %dma_wait3A_26 = tpu.memref_slice %arg7[%mul3A_18, %dma_wait3A_25] : memref<10240x144xf32, #tpu.memory_space<vmem_shared>> -> memref<640x144xf32, #tpu.memory_space<vmem_shared>>
        tpu.wait_dma2 semaphore(%run_scoped3A : memref<!tpu.dma_semaphore, #tpu.memory_space<semaphore_mem>>) src(%dma_wait3A_26 : memref<640x144xf32, #tpu.memory_space<vmem_shared>>) dst(%dma_wait3A_24 : memref<640x144xf32, #tpu.memory_space<hbm>>)
        tpu.yield
      }) : () -> ()
    } else {
    }
    %eq3A_12 = arith.constant 1 : i32
    %eq3A_13 = arith.cmpi eq, %arg0, %eq3A_12 : i32
    %convert_element_type3A_14 = arith.extui %eq3A_13 : i1 to i32
    %cond3A_15 = arith.constant 0 : i32
    %cond3A_16 = arith.cmpi ne, %convert_element_type3A_14, %cond3A_15 : i32
    scf.if %cond3A_16 {
      %mul3A_17 = arith.constant 640 : i32
      %mul3A_18 = arith.muli %arg1, %mul3A_17 : i32
      %mul3A_19 = arith.constant 640 : i32
      %mul3A_20 = arith.muli %arg1, %mul3A_19 : i32
      "tpu.region"() ({
        %run_scoped3A = tpu.sem_alloc : memref<!tpu.dma_semaphore, #tpu.memory_space<semaphore_mem>>
        %dma_start3A = arith.constant 0 : i32
        %dma_start3A_21 = tpu.memref_slice %arg6[%mul3A_20, %dma_start3A] : memref<10240x144xf32, #tpu.memory_space<hbm>> -> memref<640x144xf32, #tpu.memory_space<hbm>>
        %dma_start3A_22 = arith.constant 0 : i32
        %dma_start3A_23 = tpu.memref_slice %arg7[%mul3A_18, %dma_start3A_22] : memref<10240x144xf32, #tpu.memory_space<vmem_shared>> -> memref<640x144xf32, #tpu.memory_space<vmem_shared>>
        tpu.enqueue_dma source(%dma_start3A_23 : memref<640x144xf32, #tpu.memory_space<vmem_shared>>) target(%dma_start3A_21 : memref<640x144xf32, #tpu.memory_space<hbm>>) target_semaphore(%run_scoped3A : memref<!tpu.dma_semaphore, #tpu.memory_space<semaphore_mem>>)
        %dma_wait3A = arith.constant 0 : i32
        %dma_wait3A_24 = tpu.memref_slice %arg6[%mul3A_20, %dma_wait3A] : memref<10240x144xf32, #tpu.memory_space<hbm>> -> memref<640x144xf32, #tpu.memory_space<hbm>>
        %dma_wait3A_25 = arith.constant 0 : i32
        %dma_wait3A_26 = tpu.memref_slice %arg7[%mul3A_18, %dma_wait3A_25] : memref<10240x144xf32, #tpu.memory_space<vmem_shared>> -> memref<640x144xf32, #tpu.memory_space<vmem_shared>>
        tpu.wait_dma2 semaphore(%run_scoped3A : memref<!tpu.dma_semaphore, #tpu.memory_space<semaphore_mem>>) src(%dma_wait3A_26 : memref<640x144xf32, #tpu.memory_space<vmem_shared>>) dst(%dma_wait3A_24 : memref<640x144xf32, #tpu.memory_space<hbm>>)
        tpu.yield
      }) : () -> ()
    } else {
    }
    return
  }
}

#map = affine_map<(d0, d1) -> (0, 0)>
#map1 = affine_map<(d0, d1) -> (0, 0, 0)>
module attributes {stable_mosaic.version = 14 : i64} {
  func.func @_hop_body(%arg0: i32, %arg1: i32, %arg2: memref<10240x64xf32, #tpu.memory_space<hbm>>, %arg3: memref<5024x2x128xi32, #tpu.memory_space<hbm>>, %arg4: memref<640x64xf32, #tpu.memory_space<hbm>>, %arg5: memref<10240x64xf32, #tpu.memory_space<hbm>>, %arg6: memref<10240x64xf32, #tpu.memory_space<hbm>>, %arg7: memref<10240x64xf32, #tpu.memory_space<vmem_shared>>, %arg8: memref<2x128xi32, #tpu.memory_space<vmem>>, %arg9: memref<128x64xf32, #tpu.memory_space<vmem>>, %arg10: memref<!tpu.dma_semaphore, #tpu.memory_space<semaphore_mem>>) attributes {dimension_semantics = [#tpu.dimension_semantics<core_parallel>, #tpu.dimension_semantics<subcore_parallel>], iteration_bounds = array<i64: 2, 16>, scalar_prefetch = 0 : i64, scratch_operands = 4 : i64, tpu.core_type = #tpu.core_type<sc_vector_subcore>, window_params = [{transform_indices = #map}, {transform_indices = #map1}, {transform_indices = #map}, {transform_indices = #map}, {transform_indices = #map}]} {
    %mul3A = arith.constant 2 : i32
    %mul3A_0 = arith.muli %arg1, %mul3A : i32
    %add3A = arith.addi %mul3A_0, %arg0 : i32
    %mul3A_1 = arith.constant 640 : i32
    %mul3A_2 = arith.muli %arg1, %mul3A_1 : i32
    "tpu.region"() ({
      %run_scoped3A = tpu.sem_alloc : memref<!tpu.dma_semaphore, #tpu.memory_space<semaphore_mem>>
      %dma_start3A = arith.constant 0 : i32
      %dma_start3A_17 = tpu.memref_slice %arg7[%mul3A_2, %dma_start3A] : memref<10240x64xf32, #tpu.memory_space<vmem_shared>> -> memref<640x64xf32, #tpu.memory_space<vmem_shared>>
      tpu.enqueue_dma source(%arg4 : memref<640x64xf32, #tpu.memory_space<hbm>>) target(%dma_start3A_17 : memref<640x64xf32, #tpu.memory_space<vmem_shared>>) target_semaphore(%run_scoped3A : memref<!tpu.dma_semaphore, #tpu.memory_space<semaphore_mem>>)
      %dma_wait3A = arith.constant 0 : i32
      %dma_wait3A_18 = tpu.memref_slice %arg7[%mul3A_2, %dma_wait3A] : memref<10240x64xf32, #tpu.memory_space<vmem_shared>> -> memref<640x64xf32, #tpu.memory_space<vmem_shared>>
      tpu.wait_dma2 semaphore(%run_scoped3A : memref<!tpu.dma_semaphore, #tpu.memory_space<semaphore_mem>>) src(%arg4 : memref<640x64xf32, #tpu.memory_space<hbm>>) dst(%dma_wait3A_18 : memref<640x64xf32, #tpu.memory_space<vmem_shared>>)
      tpu.yield
    }) : () -> ()
    %barrier3A = arith.constant 0 : index
    tpu.barrier barrier_id(%barrier3A)
    %scan3A = arith.constant 0 : i32
    %scan3A_3 = arith.constant 0 : i32
    %scan3A_4 = arith.constant 157 : i32
    %scan3A_5 = arith.addi %scan3A_3, %scan3A_4 : i32
    %scan3A_6 = arith.constant 1 : i32
    %scan3A_7 = scf.for %scan3A_17 = %scan3A_3 to %scan3A_5 step %scan3A_6 iter_args(%scan3A_18 = %scan3A) -> (i32)  : i32 {
      %mul3A_19 = arith.constant 157 : i32
      %mul3A_20 = arith.muli %add3A, %mul3A_19 : i32
      %add3A_21 = arith.addi %mul3A_20, %scan3A_17 : i32
      "tpu.region"() ({
        %run_scoped3A_35 = tpu.sem_alloc : memref<!tpu.dma_semaphore, #tpu.memory_space<semaphore_mem>>
        %dma_start3A_36 = arith.constant 0 : i32
        %dma_start3A_37 = arith.constant 0 : i32
        %dma_start3A_38 = tpu.memref_slice %arg3[%add3A_21, %dma_start3A_36, %dma_start3A_37] : memref<5024x2x128xi32, #tpu.memory_space<hbm>> -> memref<1x2x128xi32, #tpu.memory_space<hbm>>
        %dma_start3A_39 = tpu.memref_squeeze %dma_start3A_38 : memref<1x2x128xi32, #tpu.memory_space<hbm>> -> memref<2x128xi32, #tpu.memory_space<hbm>>
        %dma_start3A_40 = arith.constant 0 : i32
        %dma_start3A_41 = arith.constant 0 : i32
        %dma_start3A_42 = tpu.memref_slice %arg3[%add3A_21, %dma_start3A_40, %dma_start3A_41] : memref<5024x2x128xi32, #tpu.memory_space<hbm>> -> memref<1x2x128xi32, #tpu.memory_space<hbm>>
        %dma_start3A_43 = tpu.memref_squeeze %dma_start3A_42 : memref<1x2x128xi32, #tpu.memory_space<hbm>> -> memref<2x128xi32, #tpu.memory_space<hbm>>
        tpu.enqueue_dma source(%dma_start3A_43 : memref<2x128xi32, #tpu.memory_space<hbm>>) target(%arg8 : memref<2x128xi32, #tpu.memory_space<vmem>>) target_semaphore(%run_scoped3A_35 : memref<!tpu.dma_semaphore, #tpu.memory_space<semaphore_mem>>)
        %dma_wait3A_44 = arith.constant 0 : i32
        %dma_wait3A_45 = arith.constant 0 : i32
        %dma_wait3A_46 = tpu.memref_slice %arg3[%add3A_21, %dma_wait3A_44, %dma_wait3A_45] : memref<5024x2x128xi32, #tpu.memory_space<hbm>> -> memref<1x2x128xi32, #tpu.memory_space<hbm>>
        %dma_wait3A_47 = tpu.memref_squeeze %dma_wait3A_46 : memref<1x2x128xi32, #tpu.memory_space<hbm>> -> memref<2x128xi32, #tpu.memory_space<hbm>>
        %dma_wait3A_48 = arith.constant 0 : i32
        %dma_wait3A_49 = arith.constant 0 : i32
        %dma_wait3A_50 = tpu.memref_slice %arg3[%add3A_21, %dma_wait3A_48, %dma_wait3A_49] : memref<5024x2x128xi32, #tpu.memory_space<hbm>> -> memref<1x2x128xi32, #tpu.memory_space<hbm>>
        %dma_wait3A_51 = tpu.memref_squeeze %dma_wait3A_50 : memref<1x2x128xi32, #tpu.memory_space<hbm>> -> memref<2x128xi32, #tpu.memory_space<hbm>>
        tpu.wait_dma2 semaphore(%run_scoped3A_35 : memref<!tpu.dma_semaphore, #tpu.memory_space<semaphore_mem>>) src(%dma_wait3A_51 : memref<2x128xi32, #tpu.memory_space<hbm>>) dst(%arg8 : memref<2x128xi32, #tpu.memory_space<vmem>>)
        tpu.yield
      }) : () -> ()
      %dma_start3A = arith.constant 0 : i32
      %dma_start3A_22 = arith.constant 0 : i32
      %dma_start3A_23 = tpu.memref_slice %arg8[%dma_start3A, %dma_start3A_22] : memref<2x128xi32, #tpu.memory_space<vmem>> -> memref<1x128xi32, #tpu.memory_space<vmem>>
      %dma_start3A_24 = tpu.memref_squeeze %dma_start3A_23 : memref<1x128xi32, #tpu.memory_space<vmem>> -> memref<128xi32, #tpu.memory_space<vmem>>
      %dma_start3A_25 = arith.constant 0 : i32
      %dma_start3A_26 = arith.constant 0 : i32
      %dma_start3A_27 = tpu.memref_slice %arg2[%dma_start3A_25, %dma_start3A_26] : memref<10240x64xf32, #tpu.memory_space<hbm>> -> memref<10240x64xf32, #tpu.memory_space<hbm>>
      tpu.enqueue_indirect_dma source(%dma_start3A_27 : memref<10240x64xf32, #tpu.memory_space<hbm>>) target(%arg9 : memref<128x64xf32, #tpu.memory_space<vmem>>) offsets(%dma_start3A_24 : memref<128xi32, #tpu.memory_space<vmem>>) semaphore(%arg10 : memref<!tpu.dma_semaphore, #tpu.memory_space<semaphore_mem>>)
      %dma_wait3A = arith.constant 0 : i32
      %dma_wait3A_28 = arith.constant 0 : i32
      %dma_wait3A_29 = tpu.memref_slice %arg8[%dma_wait3A, %dma_wait3A_28] : memref<2x128xi32, #tpu.memory_space<vmem>> -> memref<1x128xi32, #tpu.memory_space<vmem>>
      %dma_wait3A_30 = tpu.memref_squeeze %dma_wait3A_29 : memref<1x128xi32, #tpu.memory_space<vmem>> -> memref<128xi32, #tpu.memory_space<vmem>>
      %dma_wait3A_31 = arith.constant 0 : i32
      %dma_wait3A_32 = arith.constant 0 : i32
      %dma_wait3A_33 = tpu.memref_slice %arg2[%dma_wait3A_31, %dma_wait3A_32] : memref<10240x64xf32, #tpu.memory_space<hbm>> -> memref<10240x64xf32, #tpu.memory_space<hbm>>
      tpu.wait_indirect_dma semaphore(%arg10 : memref<!tpu.dma_semaphore, #tpu.memory_space<semaphore_mem>>) src(%dma_wait3A_33 : memref<10240x64xf32, #tpu.memory_space<hbm>>) dst(%arg9 : memref<128x64xf32, #tpu.memory_space<vmem>>)
      %run_scoped3A = arith.constant 1 : i32
      "tpu.region"() ({
        %run_scoped3A_35 = tpu.sem_alloc : memref<!tpu.dma_semaphore, #tpu.memory_space<semaphore_mem>>
        %dma_start3A_36 = arith.constant 0 : i32
        %dma_start3A_37 = tpu.memref_slice %arg8[%run_scoped3A, %dma_start3A_36] : memref<2x128xi32, #tpu.memory_space<vmem>> -> memref<1x128xi32, #tpu.memory_space<vmem>>
        %dma_start3A_38 = tpu.memref_squeeze %dma_start3A_37 : memref<1x128xi32, #tpu.memory_space<vmem>> -> memref<128xi32, #tpu.memory_space<vmem>>
        %dma_start3A_39 = arith.constant 0 : i32
        %dma_start3A_40 = arith.constant 0 : i32
        %dma_start3A_41 = tpu.memref_slice %arg7[%dma_start3A_39, %dma_start3A_40] : memref<10240x64xf32, #tpu.memory_space<vmem_shared>> -> memref<10240x64xf32, #tpu.memory_space<vmem_shared>>
        tpu.enqueue_indirect_dma source(%arg9 : memref<128x64xf32, #tpu.memory_space<vmem>>) target(%dma_start3A_41 : memref<10240x64xf32, #tpu.memory_space<vmem_shared>>) offsets(%dma_start3A_38 : memref<128xi32, #tpu.memory_space<vmem>>) semaphore(%run_scoped3A_35 : memref<!tpu.dma_semaphore, #tpu.memory_space<semaphore_mem>>) {add = true}
        %dma_wait3A_42 = arith.constant 0 : i32
        %dma_wait3A_43 = tpu.memref_slice %arg8[%run_scoped3A, %dma_wait3A_42] : memref<2x128xi32, #tpu.memory_space<vmem>> -> memref<1x128xi32, #tpu.memory_space<vmem>>
        %dma_wait3A_44 = tpu.memref_squeeze %dma_wait3A_43 : memref<1x128xi32, #tpu.memory_space<vmem>> -> memref<128xi32, #tpu.memory_space<vmem>>
        %dma_wait3A_45 = arith.constant 0 : i32
        %dma_wait3A_46 = arith.constant 0 : i32
        %dma_wait3A_47 = tpu.memref_slice %arg7[%dma_wait3A_45, %dma_wait3A_46] : memref<10240x64xf32, #tpu.memory_space<vmem_shared>> -> memref<10240x64xf32, #tpu.memory_space<vmem_shared>>
        tpu.wait_indirect_dma semaphore(%run_scoped3A_35 : memref<!tpu.dma_semaphore, #tpu.memory_space<semaphore_mem>>) src(%arg9 : memref<128x64xf32, #tpu.memory_space<vmem>>) dst(%dma_wait3A_47 : memref<10240x64xf32, #tpu.memory_space<vmem_shared>>)
        tpu.yield
      }) : () -> ()
      %scan3A_34 = arith.constant 0 : i32
      scf.yield %scan3A_34 : i32
    }
    %scan3A_8 = arith.constant 157 : i32
    %barrier3A_9 = arith.constant 0 : index
    tpu.barrier barrier_id(%barrier3A_9)
    %eq3A = arith.constant 0 : i32
    %eq3A_10 = arith.cmpi eq, %arg0, %eq3A : i32
    %convert_element_type3A = arith.extui %eq3A_10 : i1 to i32
    %cond3A = arith.constant 0 : i32
    %cond3A_11 = arith.cmpi ne, %convert_element_type3A, %cond3A : i32
    scf.if %cond3A_11 {
      %mul3A_17 = arith.constant 640 : i32
      %mul3A_18 = arith.muli %arg1, %mul3A_17 : i32
      %mul3A_19 = arith.constant 640 : i32
      %mul3A_20 = arith.muli %arg1, %mul3A_19 : i32
      "tpu.region"() ({
        %run_scoped3A = tpu.sem_alloc : memref<!tpu.dma_semaphore, #tpu.memory_space<semaphore_mem>>
        %dma_start3A = arith.constant 0 : i32
        %dma_start3A_21 = tpu.memref_slice %arg5[%mul3A_20, %dma_start3A] : memref<10240x64xf32, #tpu.memory_space<hbm>> -> memref<640x64xf32, #tpu.memory_space<hbm>>
        %dma_start3A_22 = arith.constant 0 : i32
        %dma_start3A_23 = tpu.memref_slice %arg7[%mul3A_18, %dma_start3A_22] : memref<10240x64xf32, #tpu.memory_space<vmem_shared>> -> memref<640x64xf32, #tpu.memory_space<vmem_shared>>
        tpu.enqueue_dma source(%dma_start3A_23 : memref<640x64xf32, #tpu.memory_space<vmem_shared>>) target(%dma_start3A_21 : memref<640x64xf32, #tpu.memory_space<hbm>>) target_semaphore(%run_scoped3A : memref<!tpu.dma_semaphore, #tpu.memory_space<semaphore_mem>>)
        %dma_wait3A = arith.constant 0 : i32
        %dma_wait3A_24 = tpu.memref_slice %arg5[%mul3A_20, %dma_wait3A] : memref<10240x64xf32, #tpu.memory_space<hbm>> -> memref<640x64xf32, #tpu.memory_space<hbm>>
        %dma_wait3A_25 = arith.constant 0 : i32
        %dma_wait3A_26 = tpu.memref_slice %arg7[%mul3A_18, %dma_wait3A_25] : memref<10240x64xf32, #tpu.memory_space<vmem_shared>> -> memref<640x64xf32, #tpu.memory_space<vmem_shared>>
        tpu.wait_dma2 semaphore(%run_scoped3A : memref<!tpu.dma_semaphore, #tpu.memory_space<semaphore_mem>>) src(%dma_wait3A_26 : memref<640x64xf32, #tpu.memory_space<vmem_shared>>) dst(%dma_wait3A_24 : memref<640x64xf32, #tpu.memory_space<hbm>>)
        tpu.yield
      }) : () -> ()
    } else {
    }
    %eq3A_12 = arith.constant 1 : i32
    %eq3A_13 = arith.cmpi eq, %arg0, %eq3A_12 : i32
    %convert_element_type3A_14 = arith.extui %eq3A_13 : i1 to i32
    %cond3A_15 = arith.constant 0 : i32
    %cond3A_16 = arith.cmpi ne, %convert_element_type3A_14, %cond3A_15 : i32
    scf.if %cond3A_16 {
      %mul3A_17 = arith.constant 640 : i32
      %mul3A_18 = arith.muli %arg1, %mul3A_17 : i32
      %mul3A_19 = arith.constant 640 : i32
      %mul3A_20 = arith.muli %arg1, %mul3A_19 : i32
      "tpu.region"() ({
        %run_scoped3A = tpu.sem_alloc : memref<!tpu.dma_semaphore, #tpu.memory_space<semaphore_mem>>
        %dma_start3A = arith.constant 0 : i32
        %dma_start3A_21 = tpu.memref_slice %arg6[%mul3A_20, %dma_start3A] : memref<10240x64xf32, #tpu.memory_space<hbm>> -> memref<640x64xf32, #tpu.memory_space<hbm>>
        %dma_start3A_22 = arith.constant 0 : i32
        %dma_start3A_23 = tpu.memref_slice %arg7[%mul3A_18, %dma_start3A_22] : memref<10240x64xf32, #tpu.memory_space<vmem_shared>> -> memref<640x64xf32, #tpu.memory_space<vmem_shared>>
        tpu.enqueue_dma source(%dma_start3A_23 : memref<640x64xf32, #tpu.memory_space<vmem_shared>>) target(%dma_start3A_21 : memref<640x64xf32, #tpu.memory_space<hbm>>) target_semaphore(%run_scoped3A : memref<!tpu.dma_semaphore, #tpu.memory_space<semaphore_mem>>)
        %dma_wait3A = arith.constant 0 : i32
        %dma_wait3A_24 = tpu.memref_slice %arg6[%mul3A_20, %dma_wait3A] : memref<10240x64xf32, #tpu.memory_space<hbm>> -> memref<640x64xf32, #tpu.memory_space<hbm>>
        %dma_wait3A_25 = arith.constant 0 : i32
        %dma_wait3A_26 = tpu.memref_slice %arg7[%mul3A_18, %dma_wait3A_25] : memref<10240x64xf32, #tpu.memory_space<vmem_shared>> -> memref<640x64xf32, #tpu.memory_space<vmem_shared>>
        tpu.wait_dma2 semaphore(%run_scoped3A : memref<!tpu.dma_semaphore, #tpu.memory_space<semaphore_mem>>) src(%dma_wait3A_26 : memref<640x64xf32, #tpu.memory_space<vmem_shared>>) dst(%dma_wait3A_24 : memref<640x64xf32, #tpu.memory_space<hbm>>)
        tpu.yield
      }) : () -> ()
    } else {
    }
    return
  }
}

module attributes {stable_mosaic.version = 14 : i64} {
  func.func @_nw_body(%arg0: memref<10000x64xf32, #tpu.memory_space<vmem>>, %arg1: memref<10000x64xf32, #tpu.memory_space<vmem>>, %arg2: memref<64x128xf32, #tpu.memory_space<vmem>>, %arg3: memref<1x64xf32, #tpu.memory_space<vmem>>, %arg4: memref<1x64xf32, #tpu.memory_space<vmem>>, %arg5: memref<1x1xf32, #tpu.memory_space<vmem>>, %arg6: memref<10240x16xf32, #tpu.memory_space<vmem>>) attributes {dimension_semantics = [], scalar_prefetch = 0 : i64, scratch_operands = 0 : i64, tpu.core_type = #tpu.core_type<tc>} {
    %get3A = arith.constant 0 : index
    %get3A_0 = arith.constant 0 : index
    %get3A_1 = vector.load %arg2[%get3A, %get3A_0] : memref<64x128xf32, #tpu.memory_space<vmem>>, vector<64x128xf32>
    %get3A_2 = arith.constant 0 : index
    %get3A_3 = arith.constant 0 : index
    %get3A_4 = vector.load %arg0[%get3A_2, %get3A_3] : memref<10000x64xf32, #tpu.memory_space<vmem>>, vector<10000x64xf32>
    %slice3A = vector.extract_strided_slice %get3A_1 {offsets = [0, 0], sizes = [64, 64], strides = [1, 1]} : vector<64x128xf32> to vector<64x64xf32>
    %dot_general3A = arith.constant dense<0.000000e+00> : vector<10000x64xf32>
    %dot_general3A_5 = tpu.matmul %get3A_4, %slice3A, %dot_general3A {dimension_numbers = #tpu.dot_dimension_numbers<[1], [1], [0], [0], [0, 0, 1, 0], [], []>, transpose_lhs_hint = false} : vector<10000x64xf32>, vector<64x64xf32>, vector<10000x64xf32> -> vector<10000x64xf32>
    %get3A_6 = arith.constant 0 : index
    %get3A_7 = arith.constant 0 : index
    %get3A_8 = vector.load %arg1[%get3A_6, %get3A_7] : memref<10000x64xf32, #tpu.memory_space<vmem>>, vector<10000x64xf32>
    %slice3A_9 = vector.extract_strided_slice %get3A_1 {offsets = [0, 64], sizes = [64, 64], strides = [1, 1]} : vector<64x128xf32> to vector<64x64xf32>
    %dot_general3A_10 = arith.constant dense<0.000000e+00> : vector<10000x64xf32>
    %dot_general3A_11 = tpu.matmul %get3A_8, %slice3A_9, %dot_general3A_10 {dimension_numbers = #tpu.dot_dimension_numbers<[1], [1], [0], [0], [0, 0, 1, 0], [], []>, transpose_lhs_hint = false} : vector<10000x64xf32>, vector<64x64xf32>, vector<10000x64xf32> -> vector<10000x64xf32>
    %add3A = arith.addf %dot_general3A_5, %dot_general3A_11 : vector<10000x64xf32>
    %get3A_12 = arith.constant 0 : index
    %get3A_13 = arith.constant 0 : index
    %get3A_14 = vector.load %arg3[%get3A_12, %get3A_13] : memref<1x64xf32, #tpu.memory_space<vmem>>, vector<1x64xf32>
    %add3A_15 = vector.broadcast %get3A_14 : vector<1x64xf32> to vector<10000x64xf32>
    %add3A_16 = arith.addf %add3A, %add3A_15 : vector<10000x64xf32>
    %max3A = arith.constant 0.000000e+00 : f32
    %max3A_17 = vector.broadcast %max3A : f32 to vector<10000x64xf32>
    %max3A_18 = arith.maximumf %add3A_16, %max3A_17 : vector<10000x64xf32>
    %get3A_19 = arith.constant 0 : index
    %get3A_20 = arith.constant 0 : index
    %get3A_21 = vector.load %arg4[%get3A_19, %get3A_20] : memref<1x64xf32, #tpu.memory_space<vmem>>, vector<1x64xf32>
    %broadcast_in_dim3A = vector.shape_cast %get3A_21 : vector<1x64xf32> to vector<1x64xf32>
    %broadcast_in_dim3A_22 = vector.broadcast %broadcast_in_dim3A : vector<1x64xf32> to vector<16x64xf32>
    %dot_general3A_23 = arith.constant dense<0.000000e+00> : vector<10000x16xf32>
    %dot_general3A_24 = tpu.matmul %max3A_18, %broadcast_in_dim3A_22, %dot_general3A_23 {dimension_numbers = #tpu.dot_dimension_numbers<[1], [1], [0], [0], [0, 0, 1, 0], [], []>, transpose_lhs_hint = false} : vector<10000x64xf32>, vector<16x64xf32>, vector<10000x16xf32> -> vector<10000x16xf32>
    %get3A_25 = arith.constant 0 : index
    %get3A_26 = arith.constant 0 : index
    %get3A_27 = vector.load %arg5[%get3A_25, %get3A_26] : memref<1x1xf32, #tpu.memory_space<vmem>>, vector<1x1xf32>
    %squeeze3A = vector.extract %get3A_27[0, 0] : f32 from vector<1x1xf32>
    %add3A_28 = vector.broadcast %squeeze3A : f32 to vector<10000x16xf32>
    %add3A_29 = arith.addf %dot_general3A_24, %add3A_28 : vector<10000x16xf32>
    %logistic3A = arith.negf %add3A_29 : vector<10000x16xf32>
    %logistic3A_30 = math.exp %logistic3A : vector<10000x16xf32>
    %logistic3A_31 = arith.constant 1.000000e+00 : f32
    %logistic3A_32 = vector.broadcast %logistic3A_31 : f32 to vector<10000x16xf32>
    %logistic3A_33 = arith.addf %logistic3A_32, %logistic3A_30 : vector<10000x16xf32>
    %logistic3A_34 = arith.divf %logistic3A_32, %logistic3A_33 : vector<10000x16xf32>
    %broadcast_in_dim3A_35 = arith.constant 0.000000e+00 : f32
    %broadcast_in_dim3A_36 = vector.broadcast %broadcast_in_dim3A_35 : f32 to vector<240x16xf32>
    %concatenate3A = tpu.concatenate %logistic3A_34, %broadcast_in_dim3A_36 in 0 : vector<10000x16xf32>, vector<240x16xf32> -> vector<10240x16xf32>
    %swap3A = arith.constant 0 : index
    %swap3A_37 = arith.constant 0 : index
    %swap3A_38 = vector.load %arg6[%swap3A, %swap3A_37] : memref<10240x16xf32, #tpu.memory_space<vmem>>, vector<10240x16xf32>
    tpu.vector_store %arg6[%swap3A, %swap3A_37], %concatenate3A {strides = array<i32>} : memref<10240x16xf32, #tpu.memory_space<vmem>>, vector<10240x16xf32>,
    return
  }
}

module attributes {stable_mosaic.version = 14 : i64} {
  func.func @_t1_body(%arg0: memref<10000x112xf32, #tpu.memory_space<vmem>>, %arg1: memref<10240x16xf32, #tpu.memory_space<vmem>>, %arg2: memref<10240x16xf32, #tpu.memory_space<vmem>>, %arg3: memref<128x128xf32, #tpu.memory_space<vmem>>, %arg4: memref<10240x144xf32, #tpu.memory_space<vmem>>) attributes {dimension_semantics = [], scalar_prefetch = 0 : i64, scratch_operands = 0 : i64, tpu.core_type = #tpu.core_type<tc>} {
    %get3A = arith.constant 0 : index
    %get3A_0 = arith.constant 0 : index
    %get3A_1 = vector.load %arg1[%get3A, %get3A_0] : memref<10240x16xf32, #tpu.memory_space<vmem>>, vector<10240x16xf32>
    %slice3A = vector.extract_strided_slice %get3A_1 {offsets = [0, 0], sizes = [10000, 16], strides = [1, 1]} : vector<10240x16xf32> to vector<10000x16xf32>
    %get3A_2 = arith.constant 0 : index
    %get3A_3 = arith.constant 0 : index
    %get3A_4 = vector.load %arg2[%get3A_2, %get3A_3] : memref<10240x16xf32, #tpu.memory_space<vmem>>, vector<10240x16xf32>
    %slice3A_5 = vector.extract_strided_slice %get3A_4 {offsets = [0, 0], sizes = [10000, 16], strides = [1, 1]} : vector<10240x16xf32> to vector<10000x16xf32>
    %add3A = arith.addf %slice3A, %slice3A_5 : vector<10000x16xf32>
    %mul3A = arith.constant 5.000000e-01 : f32
    %mul3A_6 = vector.broadcast %mul3A : f32 to vector<10000x16xf32>
    %mul3A_7 = arith.mulf %add3A, %mul3A_6 : vector<10000x16xf32>
    %get3A_8 = arith.constant 0 : index
    %get3A_9 = arith.constant 0 : index
    %get3A_10 = vector.load %arg3[%get3A_8, %get3A_9] : memref<128x128xf32, #tpu.memory_space<vmem>>, vector<128x128xf32>
    %get3A_11 = arith.constant 0 : index
    %get3A_12 = arith.constant 0 : index
    %get3A_13 = vector.load %arg0[%get3A_11, %get3A_12] : memref<10000x112xf32, #tpu.memory_space<vmem>>, vector<10000x112xf32>
    %slice3A_14 = vector.extract_strided_slice %get3A_10 {offsets = [0, 0], sizes = [128, 112], strides = [1, 1]} : vector<128x128xf32> to vector<128x112xf32>
    %dot_general3A = arith.constant dense<0.000000e+00> : vector<10000x128xf32>
    %dot_general3A_15 = tpu.matmul %get3A_13, %slice3A_14, %dot_general3A {dimension_numbers = #tpu.dot_dimension_numbers<[1], [1], [0], [0], [0, 0, 1, 0], [], []>, transpose_lhs_hint = false} : vector<10000x112xf32>, vector<128x112xf32>, vector<10000x128xf32> -> vector<10000x128xf32>
    %slice3A_16 = vector.extract_strided_slice %get3A_10 {offsets = [0, 112], sizes = [128, 16], strides = [1, 1]} : vector<128x128xf32> to vector<128x16xf32>
    %dot_general3A_17 = arith.constant dense<0.000000e+00> : vector<10000x128xf32>
    %dot_general3A_18 = tpu.matmul %mul3A_7, %slice3A_16, %dot_general3A_17 {dimension_numbers = #tpu.dot_dimension_numbers<[1], [1], [0], [0], [0, 0, 1, 0], [], []>, transpose_lhs_hint = false} : vector<10000x16xf32>, vector<128x16xf32>, vector<10000x128xf32> -> vector<10000x128xf32>
    %add3A_19 = arith.addf %dot_general3A_15, %dot_general3A_18 : vector<10000x128xf32>
    %broadcast_in_dim3A = arith.constant 0.000000e+00 : f32
    %broadcast_in_dim3A_20 = vector.broadcast %broadcast_in_dim3A : f32 to vector<240x128xf32>
    %concatenate3A = tpu.concatenate %add3A_19, %broadcast_in_dim3A_20 in 0 : vector<10000x128xf32>, vector<240x128xf32> -> vector<10240x128xf32>
    %iota3A = tpu.iota {dimensions = array<i32: 1>} : vector<10240x16xi32>
    %eq3A = arith.constant 0 : i32
    %eq3A_21 = vector.broadcast %eq3A : i32 to vector<10240x16xi32>
    %eq3A_22 = arith.cmpi eq, %iota3A, %eq3A_21 : vector<10240x16xi32>
    %jit3A = arith.constant 1.000000e+00 : f32
    %jit3A_23 = arith.constant 0.000000e+00 : f32
    %broadcast_in_dim3A_24 = vector.broadcast %jit3A : f32 to vector<10240x16xf32>
    %broadcast_in_dim3A_25 = vector.broadcast %jit3A_23 : f32 to vector<10240x16xf32>
    %select_n3A = arith.select %eq3A_22, %broadcast_in_dim3A_24, %broadcast_in_dim3A_25 : vector<10240x16xi1>, vector<10240x16xf32>
    %concatenate3A_26 = tpu.concatenate %concatenate3A, %select_n3A in 1 : vector<10240x128xf32>, vector<10240x16xf32> -> vector<10240x144xf32>
    %swap3A = arith.constant 0 : index
    %swap3A_27 = arith.constant 0 : index
    %swap3A_28 = vector.load %arg4[%swap3A, %swap3A_27] : memref<10240x144xf32, #tpu.memory_space<vmem>>, vector<10240x144xf32>
    tpu.vector_store %arg4[%swap3A, %swap3A_27], %concatenate3A_26 {strides = array<i32>} : memref<10240x144xf32, #tpu.memory_space<vmem>>, vector<10240x144xf32>,
    return
  }
}

module attributes {stable_mosaic.version = 14 : i64} {
  func.func @_t2_body(%arg0: memref<10240x144xf32, #tpu.memory_space<vmem>>, %arg1: memref<10240x144xf32, #tpu.memory_space<vmem>>, %arg2: memref<10240x16xf32, #tpu.memory_space<vmem>>, %arg3: memref<10240x144xf32, #tpu.memory_space<vmem>>, %arg4: memref<10240x64xf32, #tpu.memory_space<vmem>>) attributes {dimension_semantics = [], scalar_prefetch = 0 : i64, scratch_operands = 0 : i64, tpu.core_type = #tpu.core_type<tc>} {
    %get3A = arith.constant 0 : index
    %get3A_0 = arith.constant 0 : index
    %get3A_1 = vector.load %arg0[%get3A, %get3A_0] : memref<10240x144xf32, #tpu.memory_space<vmem>>, vector<10240x144xf32>
    %get3A_2 = arith.constant 0 : index
    %get3A_3 = arith.constant 0 : index
    %get3A_4 = vector.load %arg1[%get3A_2, %get3A_3] : memref<10240x144xf32, #tpu.memory_space<vmem>>, vector<10240x144xf32>
    %add3A = arith.addf %get3A_1, %get3A_4 : vector<10240x144xf32>
    %slice3A = vector.extract_strided_slice %add3A {offsets = [0, 128], sizes = [10240, 1], strides = [1, 1]} : vector<10240x144xf32> to vector<10240x1xf32>
    %eq3A = arith.constant 0.000000e+00 : f32
    %eq3A_5 = vector.broadcast %eq3A : f32 to vector<10240x1xf32>
    %eq3A_6 = arith.cmpf oeq, %slice3A, %eq3A_5 : vector<10240x1xf32>
    %eq3A_7 = arith.constant 0.000000e+00 : f32
    %eq3A_8 = vector.broadcast %eq3A_7 : f32 to vector<10240x1xf32>
    %eq3A_9 = arith.cmpf oeq, %slice3A, %eq3A_8 : vector<10240x1xf32>
    %jit3A = arith.constant 1.000000e+00 : f32
    %broadcast_in_dim3A = vector.broadcast %jit3A : f32 to vector<10240x1xf32>
    %select_n3A = arith.select %eq3A_9, %broadcast_in_dim3A, %slice3A : vector<10240x1xi1>, vector<10240x1xf32>
    %div3A = arith.constant 1.000000e+00 : f32
    %div3A_10 = vector.broadcast %div3A : f32 to vector<10240x1xf32>
    %div3A_11 = arith.divf %div3A_10, %select_n3A : vector<10240x1xf32>
    %jit3A_12 = arith.constant 0.000000e+00 : f32
    %broadcast_in_dim3A_13 = vector.broadcast %jit3A_12 : f32 to vector<10240x1xf32>
    %select_n3A_14 = arith.select %eq3A_6, %broadcast_in_dim3A_13, %div3A_11 : vector<10240x1xi1>, vector<10240x1xf32>
    %slice3A_15 = vector.extract_strided_slice %add3A {offsets = [0, 0], sizes = [10240, 128], strides = [1, 1]} : vector<10240x144xf32> to vector<10240x128xf32>
    %broadcast_in_dim3A_16 = arith.constant 1.000000e+00 : f32
    %broadcast_in_dim3A_17 = vector.broadcast %broadcast_in_dim3A_16 : f32 to vector<1x128xf32>
    %dot_general3A = arith.constant dense<0.000000e+00> : vector<10240x128xf32>
    %dot_general3A_18 = tpu.matmul %select_n3A_14, %broadcast_in_dim3A_17, %dot_general3A {dimension_numbers = #tpu.dot_dimension_numbers<[1], [0], [0], [1], [0, 0, 1, 1], [], []>, transpose_lhs_hint = false} : vector<10240x1xf32>, vector<1x128xf32>, vector<10240x128xf32> -> vector<10240x128xf32>
    %mul3A = arith.mulf %slice3A_15, %dot_general3A_18 : vector<10240x128xf32>
    %iota3A = tpu.iota {dimensions = array<i32: 1>} : vector<10240x16xi32>
    %eq3A_19 = arith.constant 0 : i32
    %eq3A_20 = vector.broadcast %eq3A_19 : i32 to vector<10240x16xi32>
    %eq3A_21 = arith.cmpi eq, %iota3A, %eq3A_20 : vector<10240x16xi32>
    %get3A_22 = arith.constant 0 : index
    %get3A_23 = arith.constant 0 : index
    %get3A_24 = vector.load %arg2[%get3A_22, %get3A_23] : memref<10240x16xf32, #tpu.memory_space<vmem>>, vector<10240x16xf32>
    %jit3A_25 = arith.constant 0.000000e+00 : f32
    %broadcast_in_dim3A_26 = vector.broadcast %jit3A_25 : f32 to vector<10240x16xf32>
    %select_n3A_27 = arith.select %eq3A_21, %get3A_24, %broadcast_in_dim3A_26 : vector<10240x16xi1>, vector<10240x16xf32>
    %concatenate3A = tpu.concatenate %mul3A, %select_n3A_27 in 1 : vector<10240x128xf32>, vector<10240x16xf32> -> vector<10240x144xf32>
    %swap3A = arith.constant 0 : index
    %swap3A_28 = arith.constant 0 : index
    %swap3A_29 = vector.load %arg3[%swap3A, %swap3A_28] : memref<10240x144xf32, #tpu.memory_space<vmem>>, vector<10240x144xf32>
    tpu.vector_store %arg3[%swap3A, %swap3A_28], %concatenate3A {strides = array<i32>} : memref<10240x144xf32, #tpu.memory_space<vmem>>, vector<10240x144xf32>,
    %broadcast_in_dim3A_30 = arith.constant 1.000000e+00 : f32
    %broadcast_in_dim3A_31 = vector.broadcast %broadcast_in_dim3A_30 : f32 to vector<1x64xf32>
    %dot_general3A_32 = arith.constant dense<0.000000e+00> : vector<10240x64xf32>
    %dot_general3A_33 = tpu.matmul %select_n3A_14, %broadcast_in_dim3A_31, %dot_general3A_32 {dimension_numbers = #tpu.dot_dimension_numbers<[1], [0], [0], [1], [0, 0, 1, 1], [], []>, transpose_lhs_hint = false} : vector<10240x1xf32>, vector<1x64xf32>, vector<10240x64xf32> -> vector<10240x64xf32>
    %swap3A_34 = arith.constant 0 : index
    %swap3A_35 = arith.constant 0 : index
    %swap3A_36 = vector.load %arg4[%swap3A_34, %swap3A_35] : memref<10240x64xf32, #tpu.memory_space<vmem>>, vector<10240x64xf32>
    tpu.vector_store %arg4[%swap3A_34, %swap3A_35], %dot_general3A_33 {strides = array<i32>} : memref<10240x64xf32, #tpu.memory_space<vmem>>, vector<10240x64xf32>,
    return
  }
}

module attributes {stable_mosaic.version = 14 : i64} {
  func.func @_t3_body(%arg0: memref<10240x144xf32, #tpu.memory_space<vmem>>, %arg1: memref<10240x144xf32, #tpu.memory_space<vmem>>, %arg2: memref<1x128xf32, #tpu.memory_space<vmem>>, %arg3: memref<64x128xf32, #tpu.memory_space<vmem>>, %arg4: memref<10240x64xf32, #tpu.memory_space<vmem>>, %arg5: memref<10240x64xf32, #tpu.memory_space<vmem>>) attributes {dimension_semantics = [], scalar_prefetch = 0 : i64, scratch_operands = 0 : i64, tpu.core_type = #tpu.core_type<tc>} {
    %get3A = arith.constant 0 : index
    %get3A_0 = arith.constant 0 : index
    %get3A_1 = vector.load %arg0[%get3A, %get3A_0] : memref<10240x144xf32, #tpu.memory_space<vmem>>, vector<10240x144xf32>
    %get3A_2 = arith.constant 0 : index
    %get3A_3 = arith.constant 0 : index
    %get3A_4 = vector.load %arg1[%get3A_2, %get3A_3] : memref<10240x144xf32, #tpu.memory_space<vmem>>, vector<10240x144xf32>
    %add3A = arith.addf %get3A_1, %get3A_4 : vector<10240x144xf32>
    %slice3A = vector.extract_strided_slice %add3A {offsets = [0, 128], sizes = [10240, 1], strides = [1, 1]} : vector<10240x144xf32> to vector<10240x1xf32>
    %eq3A = arith.constant 0.000000e+00 : f32
    %eq3A_5 = vector.broadcast %eq3A : f32 to vector<10240x1xf32>
    %eq3A_6 = arith.cmpf oeq, %slice3A, %eq3A_5 : vector<10240x1xf32>
    %eq3A_7 = arith.constant 0.000000e+00 : f32
    %eq3A_8 = vector.broadcast %eq3A_7 : f32 to vector<10240x1xf32>
    %eq3A_9 = arith.cmpf oeq, %slice3A, %eq3A_8 : vector<10240x1xf32>
    %jit3A = arith.constant 1.000000e+00 : f32
    %broadcast_in_dim3A = vector.broadcast %jit3A : f32 to vector<10240x1xf32>
    %select_n3A = arith.select %eq3A_9, %broadcast_in_dim3A, %slice3A : vector<10240x1xi1>, vector<10240x1xf32>
    %div3A = arith.constant 1.000000e+00 : f32
    %div3A_10 = vector.broadcast %div3A : f32 to vector<10240x1xf32>
    %div3A_11 = arith.divf %div3A_10, %select_n3A : vector<10240x1xf32>
    %jit3A_12 = arith.constant 0.000000e+00 : f32
    %broadcast_in_dim3A_13 = vector.broadcast %jit3A_12 : f32 to vector<10240x1xf32>
    %select_n3A_14 = arith.select %eq3A_6, %broadcast_in_dim3A_13, %div3A_11 : vector<10240x1xi1>, vector<10240x1xf32>
    %slice3A_15 = vector.extract_strided_slice %add3A {offsets = [0, 0], sizes = [10240, 128], strides = [1, 1]} : vector<10240x144xf32> to vector<10240x128xf32>
    %broadcast_in_dim3A_16 = arith.constant 1.000000e+00 : f32
    %broadcast_in_dim3A_17 = vector.broadcast %broadcast_in_dim3A_16 : f32 to vector<1x128xf32>
    %dot_general3A = arith.constant dense<0.000000e+00> : vector<10240x128xf32>
    %dot_general3A_18 = tpu.matmul %select_n3A_14, %broadcast_in_dim3A_17, %dot_general3A {dimension_numbers = #tpu.dot_dimension_numbers<[1], [0], [0], [1], [0, 0, 1, 1], [], []>, transpose_lhs_hint = false} : vector<10240x1xf32>, vector<1x128xf32>, vector<10240x128xf32> -> vector<10240x128xf32>
    %mul3A = arith.mulf %slice3A_15, %dot_general3A_18 : vector<10240x128xf32>
    %get3A_19 = arith.constant 0 : index
    %get3A_20 = arith.constant 0 : index
    %get3A_21 = vector.load %arg2[%get3A_19, %get3A_20] : memref<1x128xf32, #tpu.memory_space<vmem>>, vector<1x128xf32>
    %add3A_22 = vector.broadcast %get3A_21 : vector<1x128xf32> to vector<10240x128xf32>
    %add3A_23 = arith.addf %mul3A, %add3A_22 : vector<10240x128xf32>
    %logistic3A = arith.negf %add3A_23 : vector<10240x128xf32>
    %logistic3A_24 = math.exp %logistic3A : vector<10240x128xf32>
    %logistic3A_25 = arith.constant 1.000000e+00 : f32
    %logistic3A_26 = vector.broadcast %logistic3A_25 : f32 to vector<10240x128xf32>
    %logistic3A_27 = arith.addf %logistic3A_26, %logistic3A_24 : vector<10240x128xf32>
    %logistic3A_28 = arith.divf %logistic3A_26, %logistic3A_27 : vector<10240x128xf32>
    %get3A_29 = arith.constant 0 : index
    %get3A_30 = arith.constant 0 : index
    %get3A_31 = vector.load %arg3[%get3A_29, %get3A_30] : memref<64x128xf32, #tpu.memory_space<vmem>>, vector<64x128xf32>
    %dot_general3A_32 = arith.constant dense<0.000000e+00> : vector<10240x64xf32>
    %dot_general3A_33 = tpu.matmul %logistic3A_28, %get3A_31, %dot_general3A_32 {dimension_numbers = #tpu.dot_dimension_numbers<[1], [1], [0], [0], [0, 0, 1, 0], [], []>, transpose_lhs_hint = false} : vector<10240x128xf32>, vector<64x128xf32>, vector<10240x64xf32> -> vector<10240x64xf32>
    %swap3A = arith.constant 0 : index
    %swap3A_34 = arith.constant 0 : index
    %swap3A_35 = vector.load %arg4[%swap3A, %swap3A_34] : memref<10240x64xf32, #tpu.memory_space<vmem>>, vector<10240x64xf32>
    tpu.vector_store %arg4[%swap3A, %swap3A_34], %dot_general3A_33 {strides = array<i32>} : memref<10240x64xf32, #tpu.memory_space<vmem>>, vector<10240x64xf32>,
    %broadcast_in_dim3A_36 = arith.constant 1.000000e+00 : f32
    %broadcast_in_dim3A_37 = vector.broadcast %broadcast_in_dim3A_36 : f32 to vector<1x64xf32>
    %dot_general3A_38 = arith.constant dense<0.000000e+00> : vector<10240x64xf32>
    %dot_general3A_39 = tpu.matmul %select_n3A_14, %broadcast_in_dim3A_37, %dot_general3A_38 {dimension_numbers = #tpu.dot_dimension_numbers<[1], [0], [0], [1], [0, 0, 1, 1], [], []>, transpose_lhs_hint = false} : vector<10240x1xf32>, vector<1x64xf32>, vector<10240x64xf32> -> vector<10240x64xf32>
    %swap3A_40 = arith.constant 0 : index
    %swap3A_41 = arith.constant 0 : index
    %swap3A_42 = vector.load %arg5[%swap3A_40, %swap3A_41] : memref<10240x64xf32, #tpu.memory_space<vmem>>, vector<10240x64xf32>
    tpu.vector_store %arg5[%swap3A_40, %swap3A_41], %dot_general3A_39 {strides = array<i32>} : memref<10240x64xf32, #tpu.memory_space<vmem>>, vector<10240x64xf32>,
    return
  }
}

module attributes {stable_mosaic.version = 14 : i64} {
  func.func @_t4_body(%arg0: memref<10240x64xf32, #tpu.memory_space<vmem>>, %arg1: memref<10240x64xf32, #tpu.memory_space<vmem>>, %arg2: memref<10240x64xf32, #tpu.memory_space<vmem>>, %arg3: memref<10240x64xf32, #tpu.memory_space<vmem>>) attributes {dimension_semantics = [], scalar_prefetch = 0 : i64, scratch_operands = 0 : i64, tpu.core_type = #tpu.core_type<tc>} {
    %get3A = arith.constant 0 : index
    %get3A_0 = arith.constant 0 : index
    %get3A_1 = vector.load %arg0[%get3A, %get3A_0] : memref<10240x64xf32, #tpu.memory_space<vmem>>, vector<10240x64xf32>
    %get3A_2 = arith.constant 0 : index
    %get3A_3 = arith.constant 0 : index
    %get3A_4 = vector.load %arg1[%get3A_2, %get3A_3] : memref<10240x64xf32, #tpu.memory_space<vmem>>, vector<10240x64xf32>
    %add3A = arith.addf %get3A_1, %get3A_4 : vector<10240x64xf32>
    %get3A_5 = arith.constant 0 : index
    %get3A_6 = arith.constant 0 : index
    %get3A_7 = vector.load %arg2[%get3A_5, %get3A_6] : memref<10240x64xf32, #tpu.memory_space<vmem>>, vector<10240x64xf32>
    %mul3A = arith.mulf %add3A, %get3A_7 : vector<10240x64xf32>
    %swap3A = arith.constant 0 : index
    %swap3A_8 = arith.constant 0 : index
    %swap3A_9 = vector.load %arg3[%swap3A, %swap3A_8] : memref<10240x64xf32, #tpu.memory_space<vmem>>, vector<10240x64xf32>
    tpu.vector_store %arg3[%swap3A, %swap3A_8], %mul3A {strides = array<i32>} : memref<10240x64xf32, #tpu.memory_space<vmem>>, vector<10240x64xf32>,
    return
  }
}

module attributes {stable_mosaic.version = 14 : i64} {
  func.func @_prefill_body(%arg0: i32, %arg1: memref<1x64xf32, #tpu.memory_space<vmem>>, %arg2: memref<1000x64xf32, #tpu.memory_space<vmem>>) attributes {dimension_semantics = [#tpu.dimension_semantics<arbitrary>], iteration_bounds = array<i64: 320>, scalar_prefetch = 0 : i64, scratch_operands = 0 : i64, tpu.core_type = #tpu.core_type<tc>, window_params = [{pipeline_mode = #tpu.pipeline_mode<synchronous>, transform_indices = @transform_0, window_bounds = array<i64: 1, 64>}, {transform_indices = @transform_1, window_bounds = array<i64: 1000, 64>}]} {
    %get3A = arith.constant 0 : index
    %get3A_0 = arith.constant 0 : index
    %get3A_1 = vector.load %arg1[%get3A, %get3A_0] : memref<1x64xf32, #tpu.memory_space<vmem>>, vector<1x64xf32>
    %logistic3A = arith.negf %get3A_1 : vector<1x64xf32>
    %logistic3A_2 = math.exp %logistic3A : vector<1x64xf32>
    %logistic3A_3 = arith.constant 1.000000e+00 : f32
    %logistic3A_4 = vector.broadcast %logistic3A_3 : f32 to vector<1x64xf32>
    %logistic3A_5 = arith.addf %logistic3A_4, %logistic3A_2 : vector<1x64xf32>
    %logistic3A_6 = arith.divf %logistic3A_4, %logistic3A_5 : vector<1x64xf32>
    %broadcast_in_dim3A = vector.shape_cast %logistic3A_6 : vector<1x64xf32> to vector<1x64xf32>
    %broadcast_in_dim3A_7 = vector.broadcast %broadcast_in_dim3A : vector<1x64xf32> to vector<1000x64xf32>
    %swap3A = arith.constant 0 : index
    %swap3A_8 = arith.constant 0 : index
    %swap3A_9 = vector.load %arg2[%swap3A, %swap3A_8] : memref<1000x64xf32, #tpu.memory_space<vmem>>, vector<1000x64xf32>
    tpu.vector_store %arg2[%swap3A, %swap3A_8], %broadcast_in_dim3A_7 {strides = array<i32>} : memref<1000x64xf32, #tpu.memory_space<vmem>>, vector<1000x64xf32>,
    return
  }
  func.func @transform_0(%arg0: i32) -> (i32, i32) {
    %c0_i32 = arith.constant 0 : i32
    %c0_i32_0 = arith.constant 0 : i32
    %c0_i32_1 = arith.constant 0 : i32
    return %c0_i32, %c0_i32_0 : i32, i32
  }
  func.func @transform_1(%arg0: i32) -> (i32, i32) {
    %c0_i32 = arith.constant 0 : i32
    %c0_i32_0 = arith.constant 0 : i32
    return %arg0, %c0_i32 : i32, i32
  }
}

module attributes {stable_mosaic.version = 14 : i64} {
  func.func @_fin_body(%arg0: i32, %arg1: memref<320000x64xf32, #tpu.memory_space<any>>, %arg2: memref<1000x64xf32, #tpu.memory_space<vmem>>, %arg3: memref<1000x64xf32, #tpu.memory_space<vmem>>, %arg4: memref<1000x64xf32, #tpu.memory_space<vmem>>, %arg5: memref<1x64xf32, #tpu.memory_space<vmem>>, %arg6: memref<1000x64xf32, #tpu.memory_space<vmem>>) attributes {dimension_semantics = [#tpu.dimension_semantics<arbitrary>], iteration_bounds = array<i64: 10>, scalar_prefetch = 0 : i64, scratch_operands = 0 : i64, tpu.core_type = #tpu.core_type<tc>, window_params = [{}, {transform_indices = @transform_1, window_bounds = array<i64: 1000, 64>}, {transform_indices = @transform_2, window_bounds = array<i64: 1000, 64>}, {transform_indices = @transform_3, window_bounds = array<i64: 1000, 64>}, {pipeline_mode = #tpu.pipeline_mode<synchronous>, transform_indices = @transform_4, window_bounds = array<i64: 1, 64>}, {transform_indices = @transform_5, window_bounds = array<i64: 1000, 64>}]} {
    %get3A = arith.constant 0 : index
    %get3A_0 = arith.constant 0 : index
    %get3A_1 = vector.load %arg2[%get3A, %get3A_0] : memref<1000x64xf32, #tpu.memory_space<vmem>>, vector<1000x64xf32>
    %get3A_2 = arith.constant 0 : index
    %get3A_3 = arith.constant 0 : index
    %get3A_4 = vector.load %arg3[%get3A_2, %get3A_3] : memref<1000x64xf32, #tpu.memory_space<vmem>>, vector<1000x64xf32>
    %add3A = arith.addf %get3A_1, %get3A_4 : vector<1000x64xf32>
    %get3A_5 = arith.constant 0 : index
    %get3A_6 = arith.constant 0 : index
    %get3A_7 = vector.load %arg4[%get3A_5, %get3A_6] : memref<1000x64xf32, #tpu.memory_space<vmem>>, vector<1000x64xf32>
    %mul3A = arith.mulf %add3A, %get3A_7 : vector<1000x64xf32>
    %get3A_8 = arith.constant 0 : index
    %get3A_9 = arith.constant 0 : index
    %get3A_10 = vector.load %arg5[%get3A_8, %get3A_9] : memref<1x64xf32, #tpu.memory_space<vmem>>, vector<1x64xf32>
    %add3A_11 = vector.broadcast %get3A_10 : vector<1x64xf32> to vector<1000x64xf32>
    %add3A_12 = arith.addf %mul3A, %add3A_11 : vector<1000x64xf32>
    %logistic3A = arith.negf %add3A_12 : vector<1000x64xf32>
    %logistic3A_13 = math.exp %logistic3A : vector<1000x64xf32>
    %logistic3A_14 = arith.constant 1.000000e+00 : f32
    %logistic3A_15 = vector.broadcast %logistic3A_14 : f32 to vector<1000x64xf32>
    %logistic3A_16 = arith.addf %logistic3A_15, %logistic3A_13 : vector<1000x64xf32>
    %logistic3A_17 = arith.divf %logistic3A_15, %logistic3A_16 : vector<1000x64xf32>
    %swap3A = arith.constant 0 : index
    %swap3A_18 = arith.constant 0 : index
    %swap3A_19 = vector.load %arg6[%swap3A, %swap3A_18] : memref<1000x64xf32, #tpu.memory_space<vmem>>, vector<1000x64xf32>
    tpu.vector_store %arg6[%swap3A, %swap3A_18], %logistic3A_17 {strides = array<i32>} : memref<1000x64xf32, #tpu.memory_space<vmem>>, vector<1000x64xf32>,
    return
  }
  func.func @transform_1(%arg0: i32) -> (i32, i32) {
    %c0_i32 = arith.constant 0 : i32
    %c0_i32_0 = arith.constant 0 : i32
    return %arg0, %c0_i32 : i32, i32
  }
  func.func @transform_2(%arg0: i32) -> (i32, i32) {
    %c0_i32 = arith.constant 0 : i32
    %c0_i32_0 = arith.constant 0 : i32
    return %arg0, %c0_i32 : i32, i32
  }
  func.func @transform_3(%arg0: i32) -> (i32, i32) {
    %c0_i32 = arith.constant 0 : i32
    %c0_i32_0 = arith.constant 0 : i32
    return %arg0, %c0_i32 : i32, i32
  }
  func.func @transform_4(%arg0: i32) -> (i32, i32) {
    %c0_i32 = arith.constant 0 : i32
    %c0_i32_0 = arith.constant 0 : i32
    %c0_i32_1 = arith.constant 0 : i32
    return %c0_i32, %c0_i32_0 : i32, i32
  }
  func.func @transform_5(%arg0: i32) -> (i32, i32) {
    %c0_i32 = arith.constant 0 : i32
    %c0_i32_0 = arith.constant 0 : i32
    return %arg0, %c0_i32 : i32, i32
  }
}

</mosaic_0001>

<sc_bundles>
// kernel: kernel.14.cloned.1.call-start
scs
__scs_entry_jumppad:
0x0: {  	(pc) =	sbr.rel $0x88, $3  }
0x1: {  	(tag) =	ssettag $0x0;
	lr =	simm.s32 $0x1  }
0x2: {  	[smem:$0x3F93] =	sst lr;
	_ =	strace $0xD0000000  }
0x3: {  	_ = 	snop  }
0x4: {  	_ = 	snop  }
0x5: {  	_ = 	snop  }
0x6: {  	_ = 	snop  }
0x7: {  	_ = 	snop  }
__scs_overlays_trampoline_lowered:
0x8: {  	[smem:$0x3FA2] =	sst s0  }
0x9: {  	[smem:$0x3FA3] =	sst s1  }
0xa: {  	[smem:$0x3FA4] =	sst s2  }
0xb: {  	[smem:$0x3FA5] =	sst s3  }
0xc: {  	[smem:$0x3FA6] =	sst s4  }
0xd: {  	[smem:$0x3FA7] =	sst s5  }
0xe: {  	[smem:$0x3FA8] =	sst s6  }
0xf: {  	[smem:$0x3FA9] =	sst s7  }
0x10: {  	[smem:$0x3FAA] =	sst s8  }
0x11: {  	[smem:$0x3FAB] =	sst s9;
	s0 =	simm.s32 @!p0 $0x0  }
0x12: {  	s1 =	sld [smem:$0x3F91];
	s0 =	simm.s32 @p0 $0x1  }
0x13: {  	[smem:$0x3FAC] =	sst s0;
	s0 =	simm.s32 @!p1 $0x0  }
0x14: {  	s2 =	sld [smem:$0x3F90];
	s0 =	simm.s32 @p1 $0x1  }
0x15: {  	[smem:$0x3FAD] =	sst s0;
	s0 =	simm.s32 @!p2 $0x0  }
0x16: {  	s3 =	sld [smem:$0x3FDB];
	s0 =	simm.s32 @p2 $0x1  }
0x17: {  	s4 =	simm.s32 $0x1BF5;
	[smem:$0x3FAF] =	sst s0  }
0x18: {  	s0 =	sld [smem:$0x3F92];
	_ =	swait.ge [sflag:s4], $0x0  }
0x19: {  	s7 =	sld [smem:$0x3F93]  }
0x1a: {  	s8 =	sadd.s32 $0xFFFFE003, lr  }
0x1b: {  	s9 =	sadd.s32 $0xFFFFFEF7, lr;
	s5 =	simm.s32 $0xFFFFFFFF;
	p2 =	slt.u32 s8, $0xFFFFF086  }
0x1c: {  	p1 =	slt.u32 s9, $0xF7A;
	s5 =	simm.s32 @!p2 $0x0  }
0x1d: {  	s5 =	simm.s32 @p1 $0x1;
	p0 =	seq.s32 s7, s2  }
0x1e: {  	s7 =	smul.u32 @!p0 $0xF7A, s2;
	p2 =	seq.s32 @!p0 s5, $0x0  }
0x1f: {  	s9 =	smul.u32 $0xF7A, s1;
	s8 =	simm.s32 @!p0 $0x1BF5;
	p2 =	por !p2, p0  }
0x20: {  	[sflag:s8] =	ssyncset.s32 @!p0 $0xFFFFF086;
	s6 =	sadd.s32 @!p0 s3, s7;
	s7 =	simm.s32 @!p0 $0x108  }
0x21: {  	s3 =	sadd.s32 s3, s9;
	s6 =	sadd.s32 @!p0 $0x88, s6;
	s7 =	simm.s32 @p2 $0x1082  }
0x22: {  	[simem:s7], [sflag:s8] =	dma.local @!p0 [hbm:s6], $0xF7A  }
0x23: {  	s9 =	sor.u32 $0xD0000000, s2;
	s6 =	simm.s32 $0x108;
	_ =	swait.ge @!p0 [sflag:s8], $0x0  }
0x24: {  	s3 =	sadd.s32 $0x88, s3;
	s6 =	simm.s32 @!p1 $0x1082;
	[sflag:s4] =	ssyncset.s32 $0xFFFFF086  }
0x25: {  	[simem:s6], [sflag:s4] =	dma.local [hbm:s3], $0xF7A  }
0x26: {  	[smem:$0x3F93] =	sst s1;
	(tag) =	ssettag s2;
	_ =	strace s9  }
0x27: {  	s1 =	sld [smem:$0x3FA3]  }
0x28: {  	s2 =	sld [smem:$0x3FA4]  }
0x29: {  	s4 =	sld [smem:$0x3FA6]  }
0x2a: {  	p0 =	seq.s32 s5, $0x0;
	s5 =	sld [smem:$0x3FA7]  }
0x2b: {  	s6 =	sld [smem:$0x3FA8]  }
0x2c: {  	s7 =	sld [smem:$0x3FA9]  }
0x2d: {  	s3 =	simm.s32 $0x108;
	s8 =	sld [smem:$0x3FAA]  }
0x2e: {  	s3 =	simm.s32 @!p0 $0x1082;
	s9 =	sld [smem:$0x3FAB]  }
0x2f: {  	lr =	sadd.s32 s0, s3;
	s0 =	sld [smem:$0x3FA2]  }
0x30: {  	s3 =	sld [smem:$0x3FA5]  }
0x31: {  	[smem:$0x3FAE] =	sst s10  }
0x32: {  	s10 =	sld [smem:$0x3FAC];
	_ =	sdelay $0x3  }
0x33: {  	p0 =	seq.s32 s10, $0x1;
	s10 =	sld [smem:$0x3FAE];
	_ =	sdelay $0x3  }
0x34: {  	[smem:$0x3FAE] =	sst s10  }
0x35: {  	s10 =	sld [smem:$0x3FAD];
	_ =	sdelay $0x3  }
0x36: {  	p1 =	seq.s32 s10, $0x1;
	s10 =	sld [smem:$0x3FAE];
	_ =	sdelay $0x3  }
0x37: {  	[smem:$0x3FAE] =	sst s10  }
0x38: {  	s10 =	sld [smem:$0x3FAF]  }
0x39: {  	_ = 	snop;
	(pc) =	sbr.ind lr, $3  }
0x3a: {  	_ = 	snop  }
0x3b: {  	_ = 	snop  }
0x3c: {  	p2 =	seq.s32 s10, $0x1;
	s10 =	sld [smem:$0x3FAE]  }
0x3d: {  	_ =	shalt  }
0x3e: {  	_ =	shalt  }
0x3f: {  	_ =	shalt  }
0x40: {  	_ =	shalt  }
0x41: {  	_ =	shalt  }
0x42: {  	_ =	shalt  }
0x43: {  	_ =	shalt  }
0x44: {  	_ =	shalt  }
0x45: {  	_ =	shalt  }
0x46: {  	_ =	shalt  }
0x47: {  	_ =	shalt  }
0x48: {  	_ =	shalt  }
0x49: {  	_ =	shalt  }
0x4a: {  	_ =	shalt  }
0x4b: {  	_ =	shalt  }
0x4c: {  	_ =	shalt  }
0x4d: {  	_ =	shalt  }
0x4e: {  	_ =	shalt  }
0x4f: {  	_ =	shalt  }
0x50: {  	_ =	shalt  }
0x51: {  	_ =	shalt  }
0x52: {  	_ =	shalt  }
0x53: {  	_ =	shalt  }
0x54: {  	_ =	shalt  }
0x55: {  	_ =	shalt  }
0x56: {  	_ =	shalt  }
0x57: {  	_ =	shalt  }
0x58: {  	_ =	shalt  }
0x59: {  	_ =	shalt  }
0x5a: {  	_ =	shalt  }
0x5b: {  	_ =	shalt  }
0x5c: {  	_ =	shalt  }
0x5d: {  	_ =	shalt  }
0x5e: {  	_ =	shalt  }
0x5f: {  	_ =	shalt  }
0x60: {  	_ =	shalt  }
0x61: {  	_ =	shalt  }
0x62: {  	_ =	shalt  }
0x63: {  	_ =	shalt  }
0x64: {  	_ =	shalt  }
0x65: {  	_ =	shalt  }
0x66: {  	_ =	shalt  }
0x67: {  	_ =	shalt  }
0x68: {  	_ =	shalt  }
0x69: {  	_ =	shalt  }
0x6a: {  	_ =	shalt  }
0x6b: {  	_ =	shalt  }
0x6c: {  	_ =	shalt  }
0x6d: {  	_ =	shalt  }
0x6e: {  	_ =	shalt  }
0x6f: {  	_ =	shalt  }
0x70: {  	_ =	shalt  }
0x71: {  	_ =	shalt  }
0x72: {  	_ =	shalt  }
0x73: {  	_ =	shalt  }
0x74: {  	_ =	shalt  }
0x75: {  	_ =	shalt  }
0x76: {  	_ =	shalt  }
0x77: {  	_ =	shalt  }
0x78: {  	_ =	shalt  }
0x79: {  	_ =	shalt  }
0x7a: {  	_ =	shalt  }
0x7b: {  	_ =	shalt  }
0x7c: {  	_ =	shalt  }
0x7d: {  	_ =	shalt  }
0x7e: {  	_ =	shalt  }
0x7f: {  	_ =	shalt  }
0x80: {  	_ =	shalt  }
0x81: {  	_ =	shalt  }
0x82: {  	_ =	shalt  }
0x83: {  	_ =	shalt  }
0x84: {  	_ =	shalt  }
0x85: {  	_ =	shalt  }
0x86: {  	_ =	shalt  }
0x87: {  	_ =	shalt  }
.Lfunc_end0:
.L_simem_size_0:
called_computation_lowered:
.L_overlay_start_0:
0x88: {  	s2 =	sld [smem:$0x3FD9]  }
0x89: {  	s3 =	sld [smem:$0x3FFE];
	_ =	sdelay $0x1  }
0x8a: {  	s1 =	srdreg.scid  }
0x8b: {  	s0 =	sand.u32 $0x1, s1  }
0x8c: {  	s17 =	sshll.u32 s0, $0xA;
	s2 =	sadd.s32 s3, s2  }
0x8d: {  	s2 =	sadd.s32 s2, s17  }
0x8e: {  	[smem:$0x3FBA] =	sst s2  }
0x8f: {  	_ = 	snop  }
0x90: {  	s2 =	sld [smem:$0x3FD0];
	(tm) =	ssettm $0x1  }
0x91: {  	s18 =	sld [smem:$0x3FFB];
	_ =	sdelay $0x3  }
0x92: {  	_ =	strace s18  }
0x93: {  	s3 =	sld [smem:$0x3FFC];
	_ =	sdelay $0x3  }
0x94: {  	_ =	strace s3  }
0x95: {  	s3 =	sld [smem:$0x3FFD];
	_ =	sdelay $0x3  }
0x96: {  	_ =	strace s3  }
0x97: {  	_ =	strace $0x8FFFFFFF  }
0x98: {  	s19 =	sld [smem:$0x3FDB];
	_ =	sdelay $0x1  }
0x99: {  	s4 =	simm.s32 $_scs_section_size  }
0x9a: {  	s5 =	simm.s32 $_size__tile_overlayer_lowered;
	s6 =	simm.s32 $_tile_overlayer_lowered  }
0x9b: {  	s22 =	simm.s32 $0x1BFF;
	s21 =	sshll.u32 s6, $0x1;
	s3 =	sadd.s32 s4, s19  }
0x9c: {  	s7 =	simm.s32 $0x0;
	s20 =	sshll.u32 s5, $0x1;
	s5 =	sadd.s32 s21, s3  }
0x9d: {  	[timem:s7], [sflag:s22] =	dma.local [hbm:s5], s20  }
0x9e: {  	_ =	swait.ge [sflag:s22], s20  }
0x9f: {  	s4 =	ssub.s32 $0x0, s20;
	[sflag:s22] =	ssyncset.done $0x0  }
0xa0: {  	[sflag:s22] =	ssyncadd.s32 s4;
	_ =	sdelay $0x1  }
0xa1: {  	s23 =	simm.s32 $0x1B8B  }
0xa2: {  	_ =	swait.ge [sflag:s23], $0x1  }
0xa3: {  	[sflag:s23] =	ssyncset.done $0x0  }
0xa4: {  	s25 =	simm.s32 $0x1B8E;
	s24 =	sld [smem:$0x3FFE];
	[sflag:s23] =	ssyncadd.s32 $0xFFFFFFFF  }
0xa5: {  	s26 =	simm.s32 $execute0_lowered;
	[smem:$0x3FD2] =	sst s25  }
0xa6: {  	s5 =	sshll.u32 s26, $0x1;
	_ =	strace $0x80000046;
	[dreg:$0x1] =	wrdreg $0xFFFFFFFF  }
0xa7: {  	s28 =	simm.s32 $_size_execute0_lowered;
	s3 =	sadd.s32 s3, s5;
	[dreg:$0x0] =	wrdreg $0x0  }
0xa8: {  	s5 =	sshll.u32 s28, $0x1;
	[dreg:$0x2] =	wrdreg s3  }
0xa9: {  	[dreg:$0x3] =	wrdreg s5  }
0xaa: {  	[dreg:$0x4] =	wrdreg $0xC0  }
0xab: {  	_ =	task [dreg:s7], $0x5FFFF  }
0xac: {  	[dreg:$0x1] =	wrdreg $0xFFFFFFFF  }
0xad: {  	[dreg:$0x0] =	wrdreg $0x60  }
0xae: {  	[dreg:$0x2] =	wrdreg s24  }
0xaf: {  	[dreg:$0x3] =	wrdreg s2  }
0xb0: {  	[dreg:$0x4] =	wrdreg $0x9  }
0xb1: {  	_ =	task.clear_ibuf [dreg:s7], $0x5FFFF;
	_ =	strace $0x90000046  }
0xb2: {  	s29 =	simm.s32 $0x9;
	_ =	strace $0x80000048  }
0xb3: {  	_ =	swait.ge [sflag:s29], $0x1  }
0xb4: {  	[sflag:s29] =	ssyncadd.s32 $0xFFFFFFFF  }
0xb5: {  	_ =	strace $0x90000048  }
0xb6: {  	_ =	sfence  }
0xb7: {  	s30 =	sld [smem:$0x0];
	_ =	sdelay $0x2  }
0xb8: {  	s31 =	sshll.u32 s1, $0xD;
	s1 =	sshrl.u32 s1, $0x2  }
0xb9: {  	s3 =	sand.u32 $0x4000, s31;
	s1 =	sadd.s32 s1, s30  }
0xba: {  	s0 =	sor.u32 s3, s0;
	s1 =	sshll.u32 s1, $0x11  }
0xbb: {  	s0 =	sor.u32 s1, s0  }
0xbc: {  	s0 =	sadd.s32 $0x8F2B, s0  }
0xbd: {  	[sflag:s0] =	ssyncadd.remote.s32 $0x1  }
0xbe: {  	_ =	sfence.sel $0xFFFF  }
0xbf: {  	[dreg:$0x0] =	wrdreg $0xFFFFFFFF;
	(pc) =	sbr.abs _section_cstart, $3  }
0xc0: {  	[dreg:$0x1] =	wrdreg $0xFFFFFFFF  }
0xc1: {  	_ =	task.clear_ibuf [dreg:s7], $0x2FFFF;
	_ =	strace $0x9FFFFFFF  }
0xc2: {  	(tm) =	ssettm $0x7FFFFFFF  }
0xc3: {  	_ =	shalt  }
tec
execute0_lowered:
.L_overlay_start_1:
0x0: {  	(tag) =	ssettag $0x1  }
0x1: {  	s0 =	srdreg.scid;
	s1 =	stileid.u32  }
0x2: {  	s14 =	rddreg [dreg:$0x0];
	s4 =	sand.u32 $0x1, s0;
	s5 =	sshll.u32 s1, $0x1  }
0x3: {  	[dreg:$0xa] =	wrdreg s4;
	s4 =	sor.u32 s4, s5  }
0x4: {  	s2 =	rddreg [dreg:$0x1];
	s3 =	simm.s32 $0x0;
	s0 =	smul.u32 $0x140, s4  }
0x5: {  	[smem:$0x7FF] =	sst s3;
	s22 =	smul.u32 $0x280, s4  }
0x6: {  	s1 =	sadd.s32 $0x5800, s14;
	s31 =	sadd.s32 $0x4C00, s14;
	s11 =	sadd.s32 $0xFE00, s14  }
0x7: {  	_ =	strace $0x80000047;
	s12 =	sshrl.u32 s0, $0x3;
	s8 =	sadd.s32 s11, s22  }
0x8: {  	s7 =	sadd.s32 $0x40, s0;
	s5 =	sadd.s32 s31, s12;
	[dreg:$0x5] =	wrdreg s8  }
0x9: {  	s6 =	sadd.s32 s1, s12;
	s23 =	sshrl.u32 s7, $0x3;
	[dreg:$0x3] =	wrdreg s5  }
0xa: {  	s24 =	sshll.u32 s7, $0x1;
	[dreg:$0x4] =	wrdreg s6;
	s9 =	sadd.s32 s1, s23  }
0xb: {  	s13 =	sadd.s32 $0x80, s0;
	s10 =	sadd.s32 s11, s24;
	[dreg:$0x6] =	wrdreg s9  }
0xc: {  	s25 =	sshrl.u32 s13, $0x3;
	[dreg:$0x7] =	wrdreg s10  }
0xd: {  	s26 =	sshll.u32 s13, $0x1;
	s15 =	sadd.s32 s1, s25;
	s16 =	rddreg [dreg:$0x4]  }
0xe: {  	s17 =	sadd.s32 s11, s26;
	[dreg:$0x8] =	wrdreg s15  }
0xf: {  	s4 =	simm.s32 $0x2;
	[dreg:$0x9] =	wrdreg s17  }
0x10: {  	[tilespmem:s3], [sflag:$0x2] =	stream.linear.gather [hbm4b:s16+s3], $0x40, $0x38;
	[tilespmem:$0x440] =	vst v63  }
0x11: {  	_ =	swait.ge [sflag:s4], $0x40  }
0x12: {  	s7 =	simm.s32 $0x1;
	[sflag:s4] =	ssyncset.done $0x0  }
0x13: {  	s5 =	sadd.s32 $0x5E00, s14;
	s6 =	simm.s32 $0x40;
	[sflag:s4] =	ssyncadd.s32 $0xFFFFFFC0  }
0x14: {  	[tilespmem:s6], [sflag:$0x1] =	stream.indirect.gather [hbm4b:s5+s6], $0x10, s3, s6, $0xb8;
	[tilespmem:$0x440] =	vst v63  }
0x15: {  	_ =	swait.ge [sflag:s7], $0x400  }
0x16: {  	[sflag:s7] =	ssyncset.done $0x0  }
0x17: {  	s8 =	rddreg [dreg:$0x5];
	[sflag:s7] =	ssyncadd.s32 $0xFFFFFC00  }
0x18: {  	[hbm4b:s8+s3] =	stream.linear.scatter [tilespmem:s6], [sflag:$0x2], $0x400, $0x38;
	[tilespmem:$0x440] =	vst v63  }
0x19: {  	_ =	swait.ge [sflag:s4], $0x400  }
0x1a: {  	[sflag:s4] =	ssyncset.done $0x0  }
0x1b: {  	s18 =	rddreg [dreg:$0x6];
	[sflag:s4] =	ssyncadd.s32 $0xFFFFFC00  }
0x1c: {  	[tilespmem:s3], [sflag:$0x2] =	stream.linear.gather [hbm4b:s18+s3], $0x40, $0x38;
	[tilespmem:$0x440] =	vst v63  }
0x1d: {  	_ =	swait.ge [sflag:s4], $0x40  }
0x1e: {  	[sflag:s4] =	ssyncset.done $0x0  }
0x1f: {  	[sflag:s4] =	ssyncadd.s32 $0xFFFFFFC0  }
0x20: {  	[tilespmem:s6], [sflag:$0x1] =	stream.indirect.gather [hbm4b:s5+s6], $0x10, s3, s6, $0xb8;
	[tilespmem:$0x440] =	vst v63  }
0x21: {  	_ =	swait.ge [sflag:s7], $0x400  }
0x22: {  	[sflag:s7] =	ssyncset.done $0x0  }
0x23: {  	s19 =	rddreg [dreg:$0x7];
	[sflag:s7] =	ssyncadd.s32 $0xFFFFFC00  }
0x24: {  	[hbm4b:s19+s3] =	stream.linear.scatter [tilespmem:s6], [sflag:$0x2], $0x400, $0x38;
	[tilespmem:$0x440] =	vst v63  }
0x25: {  	_ =	swait.ge [sflag:s4], $0x400  }
0x26: {  	[sflag:s4] =	ssyncset.done $0x0  }
0x27: {  	s20 =	rddreg [dreg:$0x8];
	[sflag:s4] =	ssyncadd.s32 $0xFFFFFC00  }
0x28: {  	[tilespmem:s3], [sflag:$0x2] =	stream.linear.gather [hbm4b:s20+s3], $0x40, $0x38;
	[tilespmem:$0x440] =	vst v63  }
0x29: {  	_ =	swait.ge [sflag:s4], $0x40  }
0x2a: {  	[sflag:s4] =	ssyncset.done $0x0  }
0x2b: {  	[sflag:s4] =	ssyncadd.s32 $0xFFFFFFC0  }
0x2c: {  	[tilespmem:s6], [sflag:$0x1] =	stream.indirect.gather [hbm4b:s5+s6], $0x10, s3, s6, $0xb8;
	[tilespmem:$0x440] =	vst v63  }
0x2d: {  	_ =	swait.ge [sflag:s7], $0x400  }
0x2e: {  	[sflag:s7] =	ssyncset.done $0x0  }
0x2f: {  	s21 =	rddreg [dreg:$0x9];
	[sflag:s7] =	ssyncadd.s32 $0xFFFFFC00  }
0x30: {  	[hbm4b:s21+s3] =	stream.linear.scatter [tilespmem:s6], [sflag:$0x2], $0x400, $0x38;
	[tilespmem:$0x440] =	vst v63  }
0x31: {  	s9 =	sadd.s32 $0xC0, s0;
	_ =	swait.ge [sflag:s4], $0x400  }
0x32: {  	s28 =	sshrl.u32 s9, $0x3;
	[sflag:s4] =	ssyncset.done $0x0  }
0x33: {  	s8 =	sadd.s32 s1, s28;
	[sflag:s4] =	ssyncadd.s32 $0xFFFFFC00  }
0x34: {  	[tilespmem:s3], [sflag:$0x2] =	stream.linear.gather [hbm4b:s8+s3], $0x40, $0x38;
	[tilespmem:$0x440] =	vst v63  }
0x35: {  	_ =	swait.ge [sflag:s4], $0x40  }
0x36: {  	[sflag:s4] =	ssyncset.done $0x0  }
0x37: {  	[sflag:s4] =	ssyncadd.s32 $0xFFFFFFC0  }
0x38: {  	[tilespmem:s6], [sflag:$0x1] =	stream.indirect.gather [hbm4b:s5+s6], $0x10, s3, s6, $0xb8;
	[tilespmem:$0x440] =	vst v63  }
0x39: {  	_ =	swait.ge [sflag:s7], $0x400  }
0x3a: {  	s29 =	sshll.u32 s9, $0x1;
	[sflag:s7] =	ssyncset.done $0x0  }
0x3b: {  	s9 =	sadd.s32 s11, s29;
	[sflag:s7] =	ssyncadd.s32 $0xFFFFFC00  }
0x3c: {  	[hbm4b:s9+s3] =	stream.linear.scatter [tilespmem:s6], [sflag:$0x2], $0x400, $0x38;
	[tilespmem:$0x440] =	vst v63  }
0x3d: {  	s13 =	sadd.s32 $0x100, s0;
	_ =	swait.ge [sflag:s4], $0x400  }
0x3e: {  	s30 =	sshrl.u32 s13, $0x3;
	[sflag:s4] =	ssyncset.done $0x0  }
0x3f: {  	s10 =	sadd.s32 s1, s30;
	[sflag:s4] =	ssyncadd.s32 $0xFFFFFC00  }
0x40: {  	[tilespmem:s3], [sflag:$0x2] =	stream.linear.gather [hbm4b:s10+s3], $0x40, $0x38;
	[tilespmem:$0x440] =	vst v63  }
0x41: {  	_ =	swait.ge [sflag:s4], $0x40  }
0x42: {  	[sflag:s4] =	ssyncset.done $0x0  }
0x43: {  	[sflag:s4] =	ssyncadd.s32 $0xFFFFFFC0  }
0x44: {  	[tilespmem:s6], [sflag:$0x1] =	stream.indirect.gather [hbm4b:s5+s6], $0x10, s3, s6, $0xb8;
	[tilespmem:$0x440] =	vst v63  }
0x45: {  	_ =	swait.ge [sflag:s7], $0x400  }
0x46: {  	s0 =	sshll.u32 s13, $0x1;
	[sflag:s7] =	ssyncset.done $0x0  }
0x47: {  	s11 =	sadd.s32 s11, s0;
	[dreg:$0xb] =	wrdreg s0;
	[sflag:s7] =	ssyncadd.s32 $0xFFFFFC00  }
0x48: {  	[hbm4b:s11+s3] =	stream.linear.scatter [tilespmem:s6], [sflag:$0x2], $0x400, $0x38;
	[tilespmem:$0x440] =	vst v63  }
0x49: {  	_ =	swait.ge [sflag:s4], $0x400  }
0x4a: {  	s20 =	sadd.s32 $0x5200, s14;
	[sflag:s4] =	ssyncset.done $0x0  }
0x4b: {  	s12 =	sadd.s32 s20, s12;
	[sflag:s4] =	ssyncadd.s32 $0xFFFFFC00  }
0x4c: {  	[tilespmem:s3], [sflag:$0x2] =	stream.linear.gather [hbm4b:s12+s3], $0x40, $0x38;
	[tilespmem:$0x440] =	vst v63  }
0x4d: {  	_ =	swait.ge [sflag:s4], $0x40  }
0x4e: {  	[sflag:s4] =	ssyncset.done $0x0  }
0x4f: {  	[sflag:s4] =	ssyncadd.s32 $0xFFFFFFC0  }
0x50: {  	[tilespmem:s6], [sflag:$0x1] =	stream.indirect.gather [hbm4b:s5+s6], $0x10, s3, s6, $0xb8;
	[tilespmem:$0x440] =	vst v63  }
0x51: {  	_ =	swait.ge [sflag:s7], $0x400  }
0x52: {  	s21 =	sadd.s32 $0xAE00, s14;
	[sflag:s7] =	ssyncset.done $0x0  }
0x53: {  	s13 =	sadd.s32 s21, s22;
	[sflag:s7] =	ssyncadd.s32 $0xFFFFFC00  }
0x54: {  	[hbm4b:s13+s3] =	stream.linear.scatter [tilespmem:s6], [sflag:$0x2], $0x400, $0x38;
	[tilespmem:$0x440] =	vst v63  }
0x55: {  	_ =	swait.ge [sflag:s4], $0x400  }
0x56: {  	[sflag:s4] =	ssyncset.done $0x0  }
0x57: {  	s1 =	smov.u32 s14;
	s14 =	sadd.s32 s20, s23;
	[sflag:s4] =	ssyncadd.s32 $0xFFFFFC00  }
0x58: {  	[tilespmem:s3], [sflag:$0x2] =	stream.linear.gather [hbm4b:s14+s3], $0x40, $0x38;
	[tilespmem:$0x440] =	vst v63  }
0x59: {  	_ =	swait.ge [sflag:s4], $0x40  }
0x5a: {  	[sflag:s4] =	ssyncset.done $0x0  }
0x5b: {  	[sflag:s4] =	ssyncadd.s32 $0xFFFFFFC0  }
0x5c: {  	[tilespmem:s6], [sflag:$0x1] =	stream.indirect.gather [hbm4b:s5+s6], $0x10, s3, s6, $0xb8;
	[tilespmem:$0x440] =	vst v63  }
0x5d: {  	_ =	swait.ge [sflag:s7], $0x400  }
0x5e: {  	[sflag:s7] =	ssyncset.done $0x0  }
0x5f: {  	s15 =	sadd.s32 s21, s24;
	[sflag:s7] =	ssyncadd.s32 $0xFFFFFC00  }
0x60: {  	[hbm4b:s15+s3] =	stream.linear.scatter [tilespmem:s6], [sflag:$0x2], $0x400, $0x38;
	[tilespmem:$0x440] =	vst v63  }
0x61: {  	_ =	swait.ge [sflag:s4], $0x400  }
0x62: {  	[sflag:s4] =	ssyncset.done $0x0  }
0x63: {  	s16 =	sadd.s32 s20, s25;
	[sflag:s4] =	ssyncadd.s32 $0xFFFFFC00  }
0x64: {  	[tilespmem:s3], [sflag:$0x2] =	stream.linear.gather [hbm4b:s16+s3], $0x40, $0x38;
	[tilespmem:$0x440] =	vst v63  }
0x65: {  	_ =	swait.ge [sflag:s4], $0x40  }
0x66: {  	[sflag:s4] =	ssyncset.done $0x0  }
0x67: {  	[sflag:s4] =	ssyncadd.s32 $0xFFFFFFC0  }
0x68: {  	[tilespmem:s6], [sflag:$0x1] =	stream.indirect.gather [hbm4b:s5+s6], $0x10, s3, s6, $0xb8;
	[tilespmem:$0x440] =	vst v63  }
0x69: {  	_ =	swait.ge [sflag:s7], $0x400  }
0x6a: {  	[sflag:s7] =	ssyncset.done $0x0  }
0x6b: {  	s17 =	sadd.s32 s21, s26;
	[sflag:s7] =	ssyncadd.s32 $0xFFFFFC00  }
0x6c: {  	[hbm4b:s17+s3] =	stream.linear.scatter [tilespmem:s6], [sflag:$0x2], $0x400, $0x38;
	[tilespmem:$0x440] =	vst v63  }
0x6d: {  	_ =	swait.ge [sflag:s4], $0x400  }
0x6e: {  	[sflag:s4] =	ssyncset.done $0x0  }
0x6f: {  	s18 =	sadd.s32 s20, s28;
	[sflag:s4] =	ssyncadd.s32 $0xFFFFFC00  }
0x70: {  	[tilespmem:s3], [sflag:$0x2] =	stream.linear.gather [hbm4b:s18+s3], $0x40, $0x38;
	[tilespmem:$0x440] =	vst v63  }
0x71: {  	_ =	swait.ge [sflag:s4], $0x40  }
0x72: {  	[sflag:s4] =	ssyncset.done $0x0  }
0x73: {  	[sflag:s4] =	ssyncadd.s32 $0xFFFFFFC0  }
0x74: {  	[tilespmem:s6], [sflag:$0x1] =	stream.indirect.gather [hbm4b:s5+s6], $0x10, s3, s6, $0xb8;
	[tilespmem:$0x440] =	vst v63  }
0x75: {  	_ =	swait.ge [sflag:s7], $0x400  }
0x76: {  	[sflag:s7] =	ssyncset.done $0x0  }
0x77: {  	s19 =	sadd.s32 s21, s29;
	[sflag:s7] =	ssyncadd.s32 $0xFFFFFC00  }
0x78: {  	[hbm4b:s19+s3] =	stream.linear.scatter [tilespmem:s6], [sflag:$0x2], $0x400, $0x38;
	[tilespmem:$0x440] =	vst v63  }
0x79: {  	_ =	swait.ge [sflag:s4], $0x400  }
0x7a: {  	[sflag:s4] =	ssyncset.done $0x0  }
0x7b: {  	s20 =	sadd.s32 s20, s30;
	[sflag:s4] =	ssyncadd.s32 $0xFFFFFC00  }
0x7c: {  	[tilespmem:s3], [sflag:$0x2] =	stream.linear.gather [hbm4b:s20+s3], $0x40, $0x38;
	[tilespmem:$0x440] =	vst v63  }
0x7d: {  	_ =	swait.ge [sflag:s4], $0x40  }
0x7e: {  	[sflag:s4] =	ssyncset.done $0x0  }
0x7f: {  	[sflag:s4] =	ssyncadd.s32 $0xFFFFFFC0  }
0x80: {  	[tilespmem:s6], [sflag:$0x1] =	stream.indirect.gather [hbm4b:s5+s6], $0x10, s3, s6, $0xb8;
	[tilespmem:$0x440] =	vst v63  }
0x81: {  	_ =	swait.ge [sflag:s7], $0x400  }
0x82: {  	[sflag:s7] =	ssyncset.done $0x0  }
0x83: {  	s21 =	sadd.s32 s21, s0;
	[sflag:s7] =	ssyncadd.s32 $0xFFFFFC00  }
0x84: {  	[hbm4b:s21+s3] =	stream.linear.scatter [tilespmem:s6], [sflag:$0x2], $0x400, $0x38;
	[tilespmem:$0x440] =	vst v63  }
0x85: {  	_ =	swait.ge [sflag:s4], $0x400  }
0x86: {  	[sflag:s4] =	ssyncset.done $0x0  }
0x87: {  	s0 =	rddreg [dreg:$0x3];
	[sflag:s4] =	ssyncadd.s32 $0xFFFFFC00  }
0x88: {  	[tilespmem:s3], [sflag:$0x2] =	stream.linear.gather [hbm4b:s0+s3], $0x40, $0x38;
	[tilespmem:$0x440] =	vst v63  }
0x89: {  	_ =	swait.ge [sflag:s4], $0x40  }
0x8a: {  	[sflag:s4] =	ssyncset.done $0x0  }
0x8b: {  	[sflag:s4] =	ssyncadd.s32 $0xFFFFFFC0  }
0x8c: {  	[tilespmem:s6], [sflag:$0x1] =	stream.indirect.gather [hbm4b:s2+s6], $0x10, s3, s6, $0xb8;
	[tilespmem:$0x440] =	vst v63  }
0x8d: {  	_ =	swait.ge [sflag:s7], $0x400  }
0x8e: {  	s0 =	sadd.s32 $0x14E00, s1;
	[sflag:s7] =	ssyncset.done $0x0  }
0x8f: {  	s22 =	sadd.s32 s0, s22;
	[sflag:s7] =	ssyncadd.s32 $0xFFFFFC00  }
0x90: {  	[hbm4b:s22+s3] =	stream.linear.scatter [tilespmem:s6], [sflag:$0x2], $0x400, $0x38;
	[tilespmem:$0x440] =	vst v63  }
0x91: {  	_ =	swait.ge [sflag:s4], $0x400  }
0x92: {  	[sflag:s4] =	ssyncset.done $0x0  }
0x93: {  	s23 =	sadd.s32 s31, s23;
	[sflag:s4] =	ssyncadd.s32 $0xFFFFFC00  }
0x94: {  	[tilespmem:s3], [sflag:$0x2] =	stream.linear.gather [hbm4b:s23+s3], $0x40, $0x38;
	[tilespmem:$0x440] =	vst v63  }
0x95: {  	_ =	swait.ge [sflag:s4], $0x40  }
0x96: {  	[sflag:s4] =	ssyncset.done $0x0  }
0x97: {  	[sflag:s4] =	ssyncadd.s32 $0xFFFFFFC0  }
0x98: {  	[tilespmem:s6], [sflag:$0x1] =	stream.indirect.gather [hbm4b:s2+s6], $0x10, s3, s6, $0xb8;
	[tilespmem:$0x440] =	vst v63  }
0x99: {  	_ =	swait.ge [sflag:s7], $0x400  }
0x9a: {  	[sflag:s7] =	ssyncset.done $0x0  }
0x9b: {  	s24 =	sadd.s32 s0, s24;
	[sflag:s7] =	ssyncadd.s32 $0xFFFFFC00  }
0x9c: {  	[hbm4b:s24+s3] =	stream.linear.scatter [tilespmem:s6], [sflag:$0x2], $0x400, $0x38;
	[tilespmem:$0x440] =	vst v63  }
0x9d: {  	_ =	swait.ge [sflag:s4], $0x400  }
0x9e: {  	[sflag:s4] =	ssyncset.done $0x0  }
0x9f: {  	s25 =	sadd.s32 s31, s25;
	[sflag:s4] =	ssyncadd.s32 $0xFFFFFC00  }
0xa0: {  	[tilespmem:s3], [sflag:$0x2] =	stream.linear.gather [hbm4b:s25+s3], $0x40, $0x38;
	[tilespmem:$0x440] =	vst v63  }
0xa1: {  	_ =	swait.ge [sflag:s4], $0x40  }
0xa2: {  	[sflag:s4] =	ssyncset.done $0x0  }
0xa3: {  	[sflag:s4] =	ssyncadd.s32 $0xFFFFFFC0  }
0xa4: {  	[tilespmem:s6], [sflag:$0x1] =	stream.indirect.gather [hbm4b:s2+s6], $0x10, s3, s6, $0xb8;
	[tilespmem:$0x440] =	vst v63  }
0xa5: {  	_ =	swait.ge [sflag:s7], $0x400  }
0xa6: {  	[sflag:s7] =	ssyncset.done $0x0  }
0xa7: {  	s26 =	sadd.s32 s0, s26;
	[sflag:s7] =	ssyncadd.s32 $0xFFFFFC00  }
0xa8: {  	[hbm4b:s26+s3] =	stream.linear.scatter [tilespmem:s6], [sflag:$0x2], $0x400, $0x38;
	[tilespmem:$0x440] =	vst v63  }
0xa9: {  	_ =	swait.ge [sflag:s4], $0x400  }
0xaa: {  	[sflag:s4] =	ssyncset.done $0x0  }
0xab: {  	s28 =	sadd.s32 s31, s28;
	[sflag:s4] =	ssyncadd.s32 $0xFFFFFC00  }
0xac: {  	[tilespmem:s3], [sflag:$0x2] =	stream.linear.gather [hbm4b:s28+s3], $0x40, $0x38;
	[tilespmem:$0x440] =	vst v63  }
0xad: {  	_ =	swait.ge [sflag:s4], $0x40  }
0xae: {  	[sflag:s4] =	ssyncset.done $0x0  }
0xaf: {  	[sflag:s4] =	ssyncadd.s32 $0xFFFFFFC0  }
0xb0: {  	[tilespmem:s6], [sflag:$0x1] =	stream.indirect.gather [hbm4b:s2+s6], $0x10, s3, s6, $0xb8;
	[tilespmem:$0x440] =	vst v63  }
0xb1: {  	_ =	swait.ge [sflag:s7], $0x400  }
0xb2: {  	[sflag:s7] =	ssyncset.done $0x0  }
0xb3: {  	s29 =	sadd.s32 s0, s29;
	[sflag:s7] =	ssyncadd.s32 $0xFFFFFC00  }
0xb4: {  	[hbm4b:s29+s3] =	stream.linear.scatter [tilespmem:s6], [sflag:$0x2], $0x400, $0x38;
	[tilespmem:$0x440] =	vst v63  }
0xb5: {  	_ =	swait.ge [sflag:s4], $0x400  }
0xb6: {  	[sflag:s4] =	ssyncset.done $0x0  }
0xb7: {  	s30 =	sadd.s32 s31, s30;
	[sflag:s4] =	ssyncadd.s32 $0xFFFFFC00  }
0xb8: {  	[tilespmem:s3], [sflag:$0x2] =	stream.linear.gather [hbm4b:s30+s3], $0x40, $0x38;
	[tilespmem:$0x440] =	vst v63  }
0xb9: {  	_ =	swait.ge [sflag:s4], $0x40  }
0xba: {  	[sflag:s4] =	ssyncset.done $0x0;
	s1 =	rddreg [dreg:$0xa]  }
0xbb: {  	s31 =	ssub.s32 $0x2, s1;
	[sflag:s4] =	ssyncadd.s32 $0xFFFFFFC0  }
0xbc: {  	[tilespmem:s6], [sflag:$0x1] =	stream.indirect.gather [hbm4b:s2+s6], $0x10, s3, s6, $0xb8;
	[tilespmem:$0x440] =	vst v63  }
0xbd: {  	s1 =	sshrl.u32 s31, $0x1  }
0xbe: {  	s1 =	ssub.s32 s31, s1  }
0xbf: {  	s1 =	smax.u32 s1, $0x1  }
0xc0: {  	p0 =	sne.s32 s1, $0x1  }
.Ltmp0:
0xc1: {  	_ =	swait.ge [sflag:s7], $0x400;
	(pc) =	sbr.rel @!p0 .LBB2_2-.Ltmp0, $4  }
0xc2: {  	[sflag:s7] =	ssyncset.done $0x0;
	s31 =	rddreg [dreg:$0xb]  }
0xc3: {  	s31 =	sadd.s32 s0, s31;
	[sflag:s7] =	ssyncadd.s32 $0xFFFFFC00  }
0xc4: {  	[hbm4b:s31+s3] =	stream.linear.scatter [tilespmem:s6], [sflag:$0x2], $0x400, $0x38;
	[tilespmem:$0x440] =	vst v63  }
0xc5: {  	s1 =	sadd.s32 $0xFFFFFFFF, s1;
	_ =	swait.ge [sflag:s4], $0x400  }
.LBB2_1:
0xc6: {  	[sflag:s4] =	ssyncset.done $0x0  }
0xc7: {  	s0 =	rddreg [dreg:$0x4];
	[sflag:s4] =	ssyncadd.s32 $0xFFFFFC00  }
0xc8: {  	[tilespmem:s3], [sflag:$0x2] =	stream.linear.gather [hbm4b:s0+s3], $0x40, $0x38;
	[tilespmem:$0x440] =	vst v63  }
0xc9: {  	_ =	swait.ge [sflag:s4], $0x40  }
0xca: {  	[sflag:s4] =	ssyncset.done $0x0  }
0xcb: {  	[sflag:s4] =	ssyncadd.s32 $0xFFFFFFC0  }
0xcc: {  	[tilespmem:s6], [sflag:$0x1] =	stream.indirect.gather [hbm4b:s5+s6], $0x10, s3, s6, $0xb8;
	[tilespmem:$0x440] =	vst v63  }
0xcd: {  	_ =	swait.ge [sflag:s7], $0x400  }
0xce: {  	[sflag:s7] =	ssyncset.done $0x0  }
0xcf: {  	s0 =	rddreg [dreg:$0x5];
	[sflag:s7] =	ssyncadd.s32 $0xFFFFFC00  }
0xd0: {  	[hbm4b:s0+s3] =	stream.linear.scatter [tilespmem:s6], [sflag:$0x2], $0x400, $0x38;
	[tilespmem:$0x440] =	vst v63  }
0xd1: {  	_ =	swait.ge [sflag:s4], $0x400  }
0xd2: {  	[sflag:s4] =	ssyncset.done $0x0  }
0xd3: {  	s0 =	rddreg [dreg:$0x6];
	[sflag:s4] =	ssyncadd.s32 $0xFFFFFC00  }
0xd4: {  	[tilespmem:s3], [sflag:$0x2] =	stream.linear.gather [hbm4b:s0+s3], $0x40, $0x38;
	[tilespmem:$0x440] =	vst v63  }
0xd5: {  	_ =	swait.ge [sflag:s4], $0x40  }
0xd6: {  	[sflag:s4] =	ssyncset.done $0x0  }
0xd7: {  	[sflag:s4] =	ssyncadd.s32 $0xFFFFFFC0  }
0xd8: {  	[tilespmem:s6], [sflag:$0x1] =	stream.indirect.gather [hbm4b:s5+s6], $0x10, s3, s6, $0xb8;
	[tilespmem:$0x440] =	vst v63  }
0xd9: {  	_ =	swait.ge [sflag:s7], $0x400  }
0xda: {  	[sflag:s7] =	ssyncset.done $0x0  }
0xdb: {  	s0 =	rddreg [dreg:$0x7];
	[sflag:s7] =	ssyncadd.s32 $0xFFFFFC00  }
0xdc: {  	[hbm4b:s0+s3] =	stream.linear.scatter [tilespmem:s6], [sflag:$0x2], $0x400, $0x38;
	[tilespmem:$0x440] =	vst v63  }
0xdd: {  	_ =	swait.ge [sflag:s4], $0x400  }
0xde: {  	[sflag:s4] =	ssyncset.done $0x0  }
0xdf: {  	s0 =	rddreg [dreg:$0x8];
	[sflag:s4] =	ssyncadd.s32 $0xFFFFFC00  }
0xe0: {  	[tilespmem:s3], [sflag:$0x2] =	stream.linear.gather [hbm4b:s0+s3], $0x40, $0x38;
	[tilespmem:$0x440] =	vst v63  }
0xe1: {  	_ =	swait.ge [sflag:s4], $0x40  }
0xe2: {  	[sflag:s4] =	ssyncset.done $0x0  }
0xe3: {  	[sflag:s4] =	ssyncadd.s32 $0xFFFFFFC0  }
0xe4: {  	[tilespmem:s6], [sflag:$0x1] =	stream.indirect.gather [hbm4b:s5+s6], $0x10, s3, s6, $0xb8;
	[tilespmem:$0x440] =	vst v63  }
0xe5: {  	_ =	swait.ge [sflag:s7], $0x400  }
0xe6: {  	[sflag:s7] =	ssyncset.done $0x0  }
0xe7: {  	s0 =	rddreg [dreg:$0x9];
	[sflag:s7] =	ssyncadd.s32 $0xFFFFFC00  }
0xe8: {  	[hbm4b:s0+s3] =	stream.linear.scatter [tilespmem:s6], [sflag:$0x2], $0x400, $0x38;
	[tilespmem:$0x440] =	vst v63  }
0xe9: {  	_ =	swait.ge [sflag:s4], $0x400  }
0xea: {  	[sflag:s4] =	ssyncset.done $0x0  }
0xeb: {  	[sflag:s4] =	ssyncadd.s32 $0xFFFFFC00  }
0xec: {  	[tilespmem:s3], [sflag:$0x2] =	stream.linear.gather [hbm4b:s8+s3], $0x40, $0x38;
	[tilespmem:$0x440] =	vst v63  }
0xed: {  	_ =	swait.ge [sflag:s4], $0x40  }
0xee: {  	[sflag:s4] =	ssyncset.done $0x0  }
0xef: {  	[sflag:s4] =	ssyncadd.s32 $0xFFFFFFC0  }
0xf0: {  	[tilespmem:s6], [sflag:$0x1] =	stream.indirect.gather [hbm4b:s5+s6], $0x10, s3, s6, $0xb8;
	[tilespmem:$0x440] =	vst v63  }
0xf1: {  	_ =	swait.ge [sflag:s7], $0x400  }
0xf2: {  	[sflag:s7] =	ssyncset.done $0x0  }
0xf3: {  	[sflag:s7] =	ssyncadd.s32 $0xFFFFFC00  }
0xf4: {  	[hbm4b:s9+s3] =	stream.linear.scatter [tilespmem:s6], [sflag:$0x2], $0x400, $0x38;
	[tilespmem:$0x440] =	vst v63  }
0xf5: {  	_ =	swait.ge [sflag:s4], $0x400  }
0xf6: {  	[sflag:s4] =	ssyncset.done $0x0  }
0xf7: {  	[sflag:s4] =	ssyncadd.s32 $0xFFFFFC00  }
0xf8: {  	[tilespmem:s3], [sflag:$0x2] =	stream.linear.gather [hbm4b:s10+s3], $0x40, $0x38;
	[tilespmem:$0x440] =	vst v63  }
0xf9: {  	_ =	swait.ge [sflag:s4], $0x40  }
0xfa: {  	[sflag:s4] =	ssyncset.done $0x0  }
0xfb: {  	[sflag:s4] =	ssyncadd.s32 $0xFFFFFFC0  }
0xfc: {  	[tilespmem:s6], [sflag:$0x1] =	stream.indirect.gather [hbm4b:s5+s6], $0x10, s3, s6, $0xb8;
	[tilespmem:$0x440] =	vst v63  }
0xfd: {  	_ =	swait.ge [sflag:s7], $0x400  }
0xfe: {  	[sflag:s7] =	ssyncset.done $0x0  }
0xff: {  	[sflag:s7] =	ssyncadd.s32 $0xFFFFFC00  }
0x100: {  	[hbm4b:s11+s3] =	stream.linear.scatter [tilespmem:s6], [sflag:$0x2], $0x400, $0x38;
	[tilespmem:$0x440] =	vst v63  }
0x101: {  	_ =	swait.ge [sflag:s4], $0x400  }
0x102: {  	[sflag:s4] =	ssyncset.done $0x0  }
0x103: {  	[sflag:s4] =	ssyncadd.s32 $0xFFFFFC00  }
0x104: {  	[tilespmem:s3], [sflag:$0x2] =	stream.linear.gather [hbm4b:s12+s3], $0x40, $0x38;
	[tilespmem:$0x440] =	vst v63  }
0x105: {  	_ =	swait.ge [sflag:s4], $0x40  }
0x106: {  	[sflag:s4] =	ssyncset.done $0x0  }
0x107: {  	[sflag:s4] =	ssyncadd.s32 $0xFFFFFFC0  }
0x108: {  	[tilespmem:s6], [sflag:$0x1] =	stream.indirect.gather [hbm4b:s5+s6], $0x10, s3, s6, $0xb8;
	[tilespmem:$0x440] =	vst v63  }
0x109: {  	_ =	swait.ge [sflag:s7], $0x400  }
0x10a: {  	[sflag:s7] =	ssyncset.done $0x0  }
0x10b: {  	[sflag:s7] =	ssyncadd.s32 $0xFFFFFC00  }
0x10c: {  	[hbm4b:s13+s3] =	stream.linear.scatter [tilespmem:s6], [sflag:$0x2], $0x400, $0x38;
	[tilespmem:$0x440] =	vst v63  }
0x10d: {  	_ =	swait.ge [sflag:s4], $0x400  }
0x10e: {  	[sflag:s4] =	ssyncset.done $0x0  }
0x10f: {  	[sflag:s4] =	ssyncadd.s32 $0xFFFFFC00  }
0x110: {  	[tilespmem:s3], [sflag:$0x2] =	stream.linear.gather [hbm4b:s14+s3], $0x40, $0x38;
	[tilespmem:$0x440] =	vst v63  }
0x111: {  	_ =	swait.ge [sflag:s4], $0x40  }
0x112: {  	[sflag:s4] =	ssyncset.done $0x0  }
0x113: {  	[sflag:s4] =	ssyncadd.s32 $0xFFFFFFC0  }
0x114: {  	[tilespmem:s6], [sflag:$0x1] =	stream.indirect.gather [hbm4b:s5+s6], $0x10, s3, s6, $0xb8;
	[tilespmem:$0x440] =	vst v63  }
0x115: {  	_ =	swait.ge [sflag:s7], $0x400  }
0x116: {  	[sflag:s7] =	ssyncset.done $0x0  }
0x117: {  	[sflag:s7] =	ssyncadd.s32 $0xFFFFFC00  }
0x118: {  	[hbm4b:s15+s3] =	stream.linear.scatter [tilespmem:s6], [sflag:$0x2], $0x400, $0x38;
	[tilespmem:$0x440] =	vst v63  }
0x119: {  	_ =	swait.ge [sflag:s4], $0x400  }
0x11a: {  	[sflag:s4] =	ssyncset.done $0x0  }
0x11b: {  	[sflag:s4] =	ssyncadd.s32 $0xFFFFFC00  }
0x11c: {  	[tilespmem:s3], [sflag:$0x2] =	stream.linear.gather [hbm4b:s16+s3], $0x40, $0x38;
	[tilespmem:$0x440] =	vst v63  }
0x11d: {  	_ =	swait.ge [sflag:s4], $0x40  }
0x11e: {  	[sflag:s4] =	ssyncset.done $0x0  }
0x11f: {  	[sflag:s4] =	ssyncadd.s32 $0xFFFFFFC0  }
0x120: {  	[tilespmem:s6], [sflag:$0x1] =	stream.indirect.gather [hbm4b:s5+s6], $0x10, s3, s6, $0xb8;
	[tilespmem:$0x440] =	vst v63  }
0x121: {  	_ =	swait.ge [sflag:s7], $0x400  }
0x122: {  	[sflag:s7] =	ssyncset.done $0x0  }
0x123: {  	[sflag:s7] =	ssyncadd.s32 $0xFFFFFC00  }
0x124: {  	[hbm4b:s17+s3] =	stream.linear.scatter [tilespmem:s6], [sflag:$0x2], $0x400, $0x38;
	[tilespmem:$0x440] =	vst v63  }
0x125: {  	_ =	swait.ge [sflag:s4], $0x400  }
0x126: {  	[sflag:s4] =	ssyncset.done $0x0  }
0x127: {  	[sflag:s4] =	ssyncadd.s32 $0xFFFFFC00  }
0x128: {  	[tilespmem:s3], [sflag:$0x2] =	stream.linear.gather [hbm4b:s18+s3], $0x40, $0x38;
	[tilespmem:$0x440] =	vst v63  }
0x129: {  	_ =	swait.ge [sflag:s4], $0x40  }
0x12a: {  	[sflag:s4] =	ssyncset.done $0x0  }
0x12b: {  	[sflag:s4] =	ssyncadd.s32 $0xFFFFFFC0  }
0x12c: {  	[tilespmem:s6], [sflag:$0x1] =	stream.indirect.gather [hbm4b:s5+s6], $0x10, s3, s6, $0xb8;
	[tilespmem:$0x440] =	vst v63  }
0x12d: {  	_ =	swait.ge [sflag:s7], $0x400  }
0x12e: {  	[sflag:s7] =	ssyncset.done $0x0  }
0x12f: {  	[sflag:s7] =	ssyncadd.s32 $0xFFFFFC00  }
0x130: {  	[hbm4b:s19+s3] =	stream.linear.scatter [tilespmem:s6], [sflag:$0x2], $0x400, $0x38;
	[tilespmem:$0x440] =	vst v63  }
0x131: {  	_ =	swait.ge [sflag:s4], $0x400  }
0x132: {  	[sflag:s4] =	ssyncset.done $0x0  }
0x133: {  	[sflag:s4] =	ssyncadd.s32 $0xFFFFFC00  }
0x134: {  	[tilespmem:s3], [sflag:$0x2] =	stream.linear.gather [hbm4b:s20+s3], $0x40, $0x38;
	[tilespmem:$0x440] =	vst v63  }
0x135: {  	_ =	swait.ge [sflag:s4], $0x40  }
0x136: {  	[sflag:s4] =	ssyncset.done $0x0  }
0x137: {  	[sflag:s4] =	ssyncadd.s32 $0xFFFFFFC0  }
0x138: {  	[tilespmem:s6], [sflag:$0x1] =	stream.indirect.gather [hbm4b:s5+s6], $0x10, s3, s6, $0xb8;
	[tilespmem:$0x440] =	vst v63  }
0x139: {  	_ =	swait.ge [sflag:s7], $0x400  }
0x13a: {  	[sflag:s7] =	ssyncset.done $0x0  }
0x13b: {  	[sflag:s7] =	ssyncadd.s32 $0xFFFFFC00  }
0x13c: {  	[hbm4b:s21+s3] =	stream.linear.scatter [tilespmem:s6], [sflag:$0x2], $0x400, $0x38;
	[tilespmem:$0x440] =	vst v63  }
0x13d: {  	_ =	swait.ge [sflag:s4], $0x400  }
0x13e: {  	[sflag:s4] =	ssyncset.done $0x0  }
0x13f: {  	s0 =	rddreg [dreg:$0x3];
	[sflag:s4] =	ssyncadd.s32 $0xFFFFFC00  }
0x140: {  	[tilespmem:s3], [sflag:$0x2] =	stream.linear.gather [hbm4b:s0+s3], $0x40, $0x38;
	[tilespmem:$0x440] =	vst v63  }
0x141: {  	_ =	swait.ge [sflag:s4], $0x40  }
0x142: {  	[sflag:s4] =	ssyncset.done $0x0  }
0x143: {  	[sflag:s4] =	ssyncadd.s32 $0xFFFFFFC0  }
0x144: {  	[tilespmem:s6], [sflag:$0x1] =	stream.indirect.gather [hbm4b:s2+s6], $0x10, s3, s6, $0xb8;
	[tilespmem:$0x440] =	vst v63  }
0x145: {  	_ =	swait.ge [sflag:s7], $0x400  }
0x146: {  	[sflag:s7] =	ssyncset.done $0x0  }
0x147: {  	[sflag:s7] =	ssyncadd.s32 $0xFFFFFC00  }
0x148: {  	[hbm4b:s22+s3] =	stream.linear.scatter [tilespmem:s6], [sflag:$0x2], $0x400, $0x38;
	[tilespmem:$0x440] =	vst v63  }
0x149: {  	_ =	swait.ge [sflag:s4], $0x400  }
0x14a: {  	[sflag:s4] =	ssyncset.done $0x0  }
0x14b: {  	[sflag:s4] =	ssyncadd.s32 $0xFFFFFC00  }
0x14c: {  	[tilespmem:s3], [sflag:$0x2] =	stream.linear.gather [hbm4b:s23+s3], $0x40, $0x38;
	[tilespmem:$0x440] =	vst v63  }
0x14d: {  	_ =	swait.ge [sflag:s4], $0x40  }
0x14e: {  	[sflag:s4] =	ssyncset.done $0x0  }
0x14f: {  	[sflag:s4] =	ssyncadd.s32 $0xFFFFFFC0  }
0x150: {  	[tilespmem:s6], [sflag:$0x1] =	stream.indirect.gather [hbm4b:s2+s6], $0x10, s3, s6, $0xb8;
	[tilespmem:$0x440] =	vst v63  }
0x151: {  	_ =	swait.ge [sflag:s7], $0x400  }
0x152: {  	[sflag:s7] =	ssyncset.done $0x0  }
0x153: {  	[sflag:s7] =	ssyncadd.s32 $0xFFFFFC00  }
0x154: {  	[hbm4b:s24+s3] =	stream.linear.scatter [tilespmem:s6], [sflag:$0x2], $0x400, $0x38;
	[tilespmem:$0x440] =	vst v63  }
0x155: {  	_ =	swait.ge [sflag:s4], $0x400  }
0x156: {  	[sflag:s4] =	ssyncset.done $0x0  }
0x157: {  	[sflag:s4] =	ssyncadd.s32 $0xFFFFFC00  }
0x158: {  	[tilespmem:s3], [sflag:$0x2] =	stream.linear.gather [hbm4b:s25+s3], $0x40, $0x38;
	[tilespmem:$0x440] =	vst v63  }
0x159: {  	_ =	swait.ge [sflag:s4], $0x40  }
0x15a: {  	[sflag:s4] =	ssyncset.done $0x0  }
0x15b: {  	[sflag:s4] =	ssyncadd.s32 $0xFFFFFFC0  }
0x15c: {  	[tilespmem:s6], [sflag:$0x1] =	stream.indirect.gather [hbm4b:s2+s6], $0x10, s3, s6, $0xb8;
	[tilespmem:$0x440] =	vst v63  }
0x15d: {  	_ =	swait.ge [sflag:s7], $0x400  }
0x15e: {  	[sflag:s7] =	ssyncset.done $0x0  }
0x15f: {  	[sflag:s7] =	ssyncadd.s32 $0xFFFFFC00  }
0x160: {  	[hbm4b:s26+s3] =	stream.linear.scatter [tilespmem:s6], [sflag:$0x2], $0x400, $0x38;
	[tilespmem:$0x440] =	vst v63  }
0x161: {  	_ =	swait.ge [sflag:s4], $0x400  }
0x162: {  	[sflag:s4] =	ssyncset.done $0x0  }
0x163: {  	[sflag:s4] =	ssyncadd.s32 $0xFFFFFC00  }
0x164: {  	[tilespmem:s3], [sflag:$0x2] =	stream.linear.gather [hbm4b:s28+s3], $0x40, $0x38;
	[tilespmem:$0x440] =	vst v63  }
0x165: {  	_ =	swait.ge [sflag:s4], $0x40  }
0x166: {  	[sflag:s4] =	ssyncset.done $0x0  }
0x167: {  	[sflag:s4] =	ssyncadd.s32 $0xFFFFFFC0  }
0x168: {  	[tilespmem:s6], [sflag:$0x1] =	stream.indirect.gather [hbm4b:s2+s6], $0x10, s3, s6, $0xb8;
	[tilespmem:$0x440] =	vst v63  }
0x169: {  	_ =	swait.ge [sflag:s7], $0x400  }
0x16a: {  	[sflag:s7] =	ssyncset.done $0x0  }
0x16b: {  	[sflag:s7] =	ssyncadd.s32 $0xFFFFFC00  }
0x16c: {  	[hbm4b:s29+s3] =	stream.linear.scatter [tilespmem:s6], [sflag:$0x2], $0x400, $0x38;
	[tilespmem:$0x440] =	vst v63  }
0x16d: {  	_ =	swait.ge [sflag:s4], $0x400  }
0x16e: {  	[sflag:s4] =	ssyncset.done $0x0  }
0x16f: {  	[sflag:s4] =	ssyncadd.s32 $0xFFFFFC00  }
0x170: {  	[tilespmem:s3], [sflag:$0x2] =	stream.linear.gather [hbm4b:s30+s3], $0x40, $0x38;
	[tilespmem:$0x440] =	vst v63  }
0x171: {  	_ =	swait.ge [sflag:s4], $0x40  }
0x172: {  	[sflag:s4] =	ssyncset.done $0x0  }
0x173: {  	p0 =	sne.s32 s1, $0x1;
	[sflag:s4] =	ssyncadd.s32 $0xFFFFFFC0  }
0x174: {  	[tilespmem:s6], [sflag:$0x1] =	stream.indirect.gather [hbm4b:s2+s6], $0x10, s3, s6, $0xb8;
	[tilespmem:$0x440] =	vst v63  }
.Ltmp1:
0x175: {  	_ =	swait.ge [sflag:s7], $0x400;
	(pc) =	sbr.rel @p0 .LBB2_1-.Ltmp1, $4  }
0x176: {  	[sflag:s7] =	ssyncset.done $0x0  }
0x177: {  	[sflag:s7] =	ssyncadd.s32 $0xFFFFFC00  }
0x178: {  	[hbm4b:s31+s3] =	stream.linear.scatter [tilespmem:s6], [sflag:$0x2], $0x400, $0x38;
	[tilespmem:$0x440] =	vst v63  }
0x179: {  	s1 =	sadd.s32 $0xFFFFFFFF, s1;
	_ =	swait.ge [sflag:s4], $0x400  }
.LBB2_2:
0x17a: {  	[sflag:s4] =	ssyncset.done $0x0  }
0x17b: {  	[sflag:s4] =	ssyncadd.s32 $0xFFFFFC00  }
0x17c: {  	_ =	sfence.sel $0x180000  }
0x17d: {  	[bflag:$0x0] =	sbarrier.arrive $0xFFFF  }
0x17e: {  	_ =	strace $0x90000047  }
0x17f: {  	s0 =	stileid.u32;
	[bflag:$0x2] =	sbarrier.arrive $0xFFFF  }
0x180: {  	p0 =	sne.s32 s0, $0x0;
	s0 =	rddreg [dreg:$0x2]  }
0x181: {  	s0 =	sadd.s32 @!p0 $0x100000, s0  }
0x182: {  	[sflag:s0] =	ssyncadd.tile.s32 @!p0 $0x1;
	_ =	shalt  }
.Lfunc_end2:
_tile_overlayer_lowered:
.L_overlay_start_2:
0x183: {  	(tag) =	ssettag $0x2  }
0x184: {  	s0 =	rddreg [dreg:$0x0];
	s2 =	stileid.u32  }
0x185: {  	s1 =	rddreg [dreg:$0x1];
	p0 =	sne.s32 s2, $0x0  }
0x186: {  	s3 =	rddreg [dreg:$0x2];
	[bflag:$0x3] =	sbarrier.arrive $0xFFFF;
	s2 =	simm.s32 @!p0 $0x1C02  }
0x187: {  	[timem:s3], [sflag:s2] =	dma.local @!p0 [hbm:s0], s1  }
0x188: {  	s0 =	simm.s32 @!p0 $0x2  }
0x189: {  	_ =	swait.ge @!p0 [sflag:s0], s1  }
0x18a: {  	s1 =	ssub.s32 @!p0 $0x0, s1;
	[sflag:s0] =	ssyncset.done @!p0 $0x0  }
0x18b: {  	[sflag:s0] =	ssyncadd.s32 @!p0 s1  }
0x18c: {  	[bflag:$0x3] =	sbarrier.arrive $0xFFFF  }
0x18d: {  	_ =	shalt  }

// kernel: kernel.17.cloned.1.call-start
scs
__scs_entry_jumppad:
0x0: {  	(pc) =	sbr.rel $0x88, $3  }
0x1: {  	(tag) =	ssettag $0x0;
	lr =	simm.s32 $0x1  }
0x2: {  	[smem:$0x3F93] =	sst lr;
	_ =	strace $0xD0000000  }
0x3: {  	_ = 	snop  }
0x4: {  	_ = 	snop  }
0x5: {  	_ = 	snop  }
0x6: {  	_ = 	snop  }
0x7: {  	_ = 	snop  }
__scs_overlays_trampoline_lowered:
0x8: {  	[smem:$0x3FA2] =	sst s0  }
0x9: {  	[smem:$0x3FA3] =	sst s1  }
0xa: {  	[smem:$0x3FA4] =	sst s2  }
0xb: {  	[smem:$0x3FA5] =	sst s3  }
0xc: {  	[smem:$0x3FA6] =	sst s4  }
0xd: {  	[smem:$0x3FA7] =	sst s5  }
0xe: {  	[smem:$0x3FA8] =	sst s6  }
0xf: {  	[smem:$0x3FA9] =	sst s7  }
0x10: {  	[smem:$0x3FAA] =	sst s8  }
0x11: {  	[smem:$0x3FAB] =	sst s9;
	s0 =	simm.s32 @!p0 $0x0  }
0x12: {  	s1 =	sld [smem:$0x3F91];
	s0 =	simm.s32 @p0 $0x1  }
0x13: {  	[smem:$0x3FAC] =	sst s0;
	s0 =	simm.s32 @!p1 $0x0  }
0x14: {  	s2 =	sld [smem:$0x3F90];
	s0 =	simm.s32 @p1 $0x1  }
0x15: {  	[smem:$0x3FAD] =	sst s0;
	s0 =	simm.s32 @!p2 $0x0  }
0x16: {  	s3 =	sld [smem:$0x3FDB];
	s0 =	simm.s32 @p2 $0x1  }
0x17: {  	s4 =	simm.s32 $0x1BF5;
	[smem:$0x3FAF] =	sst s0  }
0x18: {  	s0 =	sld [smem:$0x3F92];
	_ =	swait.ge [sflag:s4], $0x0  }
0x19: {  	s7 =	sld [smem:$0x3F93]  }
0x1a: {  	s8 =	sadd.s32 $0xFFFFE003, lr  }
0x1b: {  	s9 =	sadd.s32 $0xFFFFFEF7, lr;
	s5 =	simm.s32 $0xFFFFFFFF;
	p2 =	slt.u32 s8, $0xFFFFF086  }
0x1c: {  	p1 =	slt.u32 s9, $0xF7A;
	s5 =	simm.s32 @!p2 $0x0  }
0x1d: {  	s5 =	simm.s32 @p1 $0x1;
	p0 =	seq.s32 s7, s2  }
0x1e: {  	s7 =	smul.u32 @!p0 $0xF7A, s2;
	p2 =	seq.s32 @!p0 s5, $0x0  }
0x1f: {  	s9 =	smul.u32 $0xF7A, s1;
	s8 =	simm.s32 @!p0 $0x1BF5;
	p2 =	por !p2, p0  }
0x20: {  	[sflag:s8] =	ssyncset.s32 @!p0 $0xFFFFF086;
	s6 =	sadd.s32 @!p0 s3, s7;
	s7 =	simm.s32 @!p0 $0x108  }
0x21: {  	s3 =	sadd.s32 s3, s9;
	s6 =	sadd.s32 @!p0 $0x88, s6;
	s7 =	simm.s32 @p2 $0x1082  }
0x22: {  	[simem:s7], [sflag:s8] =	dma.local @!p0 [hbm:s6], $0xF7A  }
0x23: {  	s9 =	sor.u32 $0xD0000000, s2;
	s6 =	simm.s32 $0x108;
	_ =	swait.ge @!p0 [sflag:s8], $0x0  }
0x24: {  	s3 =	sadd.s32 $0x88, s3;
	s6 =	simm.s32 @!p1 $0x1082;
	[sflag:s4] =	ssyncset.s32 $0xFFFFF086  }
0x25: {  	[simem:s6], [sflag:s4] =	dma.local [hbm:s3], $0xF7A  }
0x26: {  	[smem:$0x3F93] =	sst s1;
	(tag) =	ssettag s2;
	_ =	strace s9  }
0x27: {  	s1 =	sld [smem:$0x3FA3]  }
0x28: {  	s2 =	sld [smem:$0x3FA4]  }
0x29: {  	s4 =	sld [smem:$0x3FA6]  }
0x2a: {  	p0 =	seq.s32 s5, $0x0;
	s5 =	sld [smem:$0x3FA7]  }
0x2b: {  	s6 =	sld [smem:$0x3FA8]  }
0x2c: {  	s7 =	sld [smem:$0x3FA9]  }
0x2d: {  	s3 =	simm.s32 $0x108;
	s8 =	sld [smem:$0x3FAA]  }
0x2e: {  	s3 =	simm.s32 @!p0 $0x1082;
	s9 =	sld [smem:$0x3FAB]  }
0x2f: {  	lr =	sadd.s32 s0, s3;
	s0 =	sld [smem:$0x3FA2]  }
0x30: {  	s3 =	sld [smem:$0x3FA5]  }
0x31: {  	[smem:$0x3FAE] =	sst s10  }
0x32: {  	s10 =	sld [smem:$0x3FAC];
	_ =	sdelay $0x3  }
0x33: {  	p0 =	seq.s32 s10, $0x1;
	s10 =	sld [smem:$0x3FAE];
	_ =	sdelay $0x3  }
0x34: {  	[smem:$0x3FAE] =	sst s10  }
0x35: {  	s10 =	sld [smem:$0x3FAD];
	_ =	sdelay $0x3  }
0x36: {  	p1 =	seq.s32 s10, $0x1;
	s10 =	sld [smem:$0x3FAE];
	_ =	sdelay $0x3  }
0x37: {  	[smem:$0x3FAE] =	sst s10  }
0x38: {  	s10 =	sld [smem:$0x3FAF]  }
0x39: {  	_ = 	snop;
	(pc) =	sbr.ind lr, $3  }
0x3a: {  	_ = 	snop  }
0x3b: {  	_ = 	snop  }
0x3c: {  	p2 =	seq.s32 s10, $0x1;
	s10 =	sld [smem:$0x3FAE]  }
0x3d: {  	_ =	shalt  }
0x3e: {  	_ =	shalt  }
0x3f: {  	_ =	shalt  }
0x40: {  	_ =	shalt  }
0x41: {  	_ =	shalt  }
0x42: {  	_ =	shalt  }
0x43: {  	_ =	shalt  }
0x44: {  	_ =	shalt  }
0x45: {  	_ =	shalt  }
0x46: {  	_ =	shalt  }
0x47: {  	_ =	shalt  }
0x48: {  	_ =	shalt  }
0x49: {  	_ =	shalt  }
0x4a: {  	_ =	shalt  }
0x4b: {  	_ =	shalt  }
0x4c: {  	_ =	shalt  }
0x4d: {  	_ =	shalt  }
0x4e: {  	_ =	shalt  }
0x4f: {  	_ =	shalt  }
0x50: {  	_ =	shalt  }
0x51: {  	_ =	shalt  }
0x52: {  	_ =	shalt  }
0x53: {  	_ =	shalt  }
0x54: {  	_ =	shalt  }
0x55: {  	_ =	shalt  }
0x56: {  	_ =	shalt  }
0x57: {  	_ =	shalt  }
0x58: {  	_ =	shalt  }
0x59: {  	_ =	shalt  }
0x5a: {  	_ =	shalt  }
0x5b: {  	_ =	shalt  }
0x5c: {  	_ =	shalt  }
0x5d: {  	_ =	shalt  }
0x5e: {  	_ =	shalt  }
0x5f: {  	_ =	shalt  }
0x60: {  	_ =	shalt  }
0x61: {  	_ =	shalt  }
0x62: {  	_ =	shalt  }
0x63: {  	_ =	shalt  }
0x64: {  	_ =	shalt  }
0x65: {  	_ =	shalt  }
0x66: {  	_ =	shalt  }
0x67: {  	_ =	shalt  }
0x68: {  	_ =	shalt  }
0x69: {  	_ =	shalt  }
0x6a: {  	_ =	shalt  }
0x6b: {  	_ =	shalt  }
0x6c: {  	_ =	shalt  }
0x6d: {  	_ =	shalt  }
0x6e: {  	_ =	shalt  }
0x6f: {  	_ =	shalt  }
0x70: {  	_ =	shalt  }
0x71: {  	_ =	shalt  }
0x72: {  	_ =	shalt  }
0x73: {  	_ =	shalt  }
0x74: {  	_ =	shalt  }
0x75: {  	_ =	shalt  }
0x76: {  	_ =	shalt  }
0x77: {  	_ =	shalt  }
0x78: {  	_ =	shalt  }
0x79: {  	_ =	shalt  }
0x7a: {  	_ =	shalt  }
0x7b: {  	_ =	shalt  }
0x7c: {  	_ =	shalt  }
0x7d: {  	_ =	shalt  }
0x7e: {  	_ =	shalt  }
0x7f: {  	_ =	shalt  }
0x80: {  	_ =	shalt  }
0x81: {  	_ =	shalt  }
0x82: {  	_ =	shalt  }
0x83: {  	_ =	shalt  }
0x84: {  	_ =	shalt  }
0x85: {  	_ =	shalt  }
0x86: {  	_ =	shalt  }
0x87: {  	_ =	shalt  }
.Lfunc_end0:
.L_simem_size_0:
called_computation.1_lowered:
.L_overlay_start_0:
0x88: {  	s2 =	sld [smem:$0x3FD9]  }
0x89: {  	s3 =	sld [smem:$0x3FFE];
	_ =	sdelay $0x1  }
0x8a: {  	s1 =	srdreg.scid  }
0x8b: {  	s0 =	sand.u32 $0x1, s1  }
0x8c: {  	s17 =	sshll.u32 s0, $0xA;
	s2 =	sadd.s32 s3, s2  }
0x8d: {  	s2 =	sadd.s32 s2, s17  }
0x8e: {  	[smem:$0x3FBA] =	sst s2  }
0x8f: {  	_ = 	snop  }
0x90: {  	s2 =	sld [smem:$0x3FD0];
	(tm) =	ssettm $0x1  }
0x91: {  	s18 =	sld [smem:$0x3FFB];
	_ =	sdelay $0x3  }
0x92: {  	_ =	strace s18  }
0x93: {  	s3 =	sld [smem:$0x3FFC];
	_ =	sdelay $0x3  }
0x94: {  	_ =	strace s3  }
0x95: {  	s3 =	sld [smem:$0x3FFD];
	_ =	sdelay $0x3  }
0x96: {  	_ =	strace s3  }
0x97: {  	_ =	strace $0x8FFFFFFF  }
0x98: {  	s19 =	sld [smem:$0x3FDB];
	_ =	sdelay $0x1  }
0x99: {  	s4 =	simm.s32 $_scs_section_size  }
0x9a: {  	s5 =	simm.s32 $_size__tile_overlayer_lowered;
	s6 =	simm.s32 $_tile_overlayer_lowered  }
0x9b: {  	s22 =	simm.s32 $0x1BFF;
	s21 =	sshll.u32 s6, $0x1;
	s3 =	sadd.s32 s4, s19  }
0x9c: {  	s7 =	simm.s32 $0x0;
	s20 =	sshll.u32 s5, $0x1;
	s5 =	sadd.s32 s21, s3  }
0x9d: {  	[timem:s7], [sflag:s22] =	dma.local [hbm:s5], s20  }
0x9e: {  	_ =	swait.ge [sflag:s22], s20  }
0x9f: {  	s4 =	ssub.s32 $0x0, s20;
	[sflag:s22] =	ssyncset.done $0x0  }
0xa0: {  	[sflag:s22] =	ssyncadd.s32 s4;
	_ =	sdelay $0x1  }
0xa1: {  	s23 =	simm.s32 $0x1B8B  }
0xa2: {  	_ =	swait.ge [sflag:s23], $0x1  }
0xa3: {  	[sflag:s23] =	ssyncset.done $0x0  }
0xa4: {  	s25 =	simm.s32 $0x1B8E;
	s24 =	sld [smem:$0x3FFE];
	[sflag:s23] =	ssyncadd.s32 $0xFFFFFFFF  }
0xa5: {  	s26 =	simm.s32 $execute0_lowered;
	[smem:$0x3FD2] =	sst s25  }
0xa6: {  	s5 =	sshll.u32 s26, $0x1;
	_ =	strace $0x80000049;
	[dreg:$0x1] =	wrdreg $0xFFFFFFFF  }
0xa7: {  	s28 =	simm.s32 $_size_execute0_lowered;
	s3 =	sadd.s32 s3, s5;
	[dreg:$0x0] =	wrdreg $0x0  }
0xa8: {  	s5 =	sshll.u32 s28, $0x1;
	[dreg:$0x2] =	wrdreg s3  }
0xa9: {  	[dreg:$0x3] =	wrdreg s5  }
0xaa: {  	[dreg:$0x4] =	wrdreg $0xC0  }
0xab: {  	_ =	task [dreg:s7], $0x5FFFF  }
0xac: {  	[dreg:$0x1] =	wrdreg $0xFFFFFFFF  }
0xad: {  	[dreg:$0x0] =	wrdreg $0x60  }
0xae: {  	[dreg:$0x2] =	wrdreg s24  }
0xaf: {  	[dreg:$0x3] =	wrdreg s2  }
0xb0: {  	[dreg:$0x4] =	wrdreg $0x0  }
0xb1: {  	[dreg:$0x5] =	wrdreg $0x9  }
0xb2: {  	_ =	task.clear_ibuf [dreg:s7], $0x6FFFF;
	_ =	strace $0x90000049  }
0xb3: {  	s29 =	simm.s32 $0x9;
	_ =	strace $0x8000004B  }
0xb4: {  	_ =	swait.ge [sflag:s29], $0x1  }
0xb5: {  	[sflag:s29] =	ssyncadd.s32 $0xFFFFFFFF  }
0xb6: {  	_ =	strace $0x9000004B  }
0xb7: {  	_ =	sfence  }
0xb8: {  	s30 =	sld [smem:$0x0];
	_ =	sdelay $0x2  }
0xb9: {  	s31 =	sshll.u32 s1, $0xD;
	s1 =	sshrl.u32 s1, $0x2  }
0xba: {  	s3 =	sand.u32 $0x4000, s31;
	s1 =	sadd.s32 s1, s30  }
0xbb: {  	s0 =	sor.u32 s3, s0;
	s1 =	sshll.u32 s1, $0x11  }
0xbc: {  	s0 =	sor.u32 s1, s0  }
0xbd: {  	s0 =	sadd.s32 $0x8F2B, s0  }
0xbe: {  	[sflag:s0] =	ssyncadd.remote.s32 $0x1  }
0xbf: {  	_ =	sfence.sel $0xFFFF  }
0xc0: {  	[dreg:$0x0] =	wrdreg $0xFFFFFFFF;
	(pc) =	sbr.abs _section_cstart, $3  }
0xc1: {  	[dreg:$0x1] =	wrdreg $0xFFFFFFFF  }
0xc2: {  	_ =	task.clear_ibuf [dreg:s7], $0x2FFFF;
	_ =	strace $0x9FFFFFFF  }
0xc3: {  	(tm) =	ssettm $0x7FFFFFFF  }
tec
execute0_lowered:
.L_overlay_start_1:
0x0: {  	(tag) =	ssettag $0x1  }
0x1: {  	s6 =	rddreg [dreg:$0x0]  }
0x2: {  	s8 =	rddreg [dreg:$0x1]  }
0x3: {  	s2 =	rddreg [dreg:$0x2]  }
0x4: {  	s0 =	rddreg [dreg:$0x3];
	s3 =	simm.s32 $0x0  }
0x5: {  	s1 =	stileid.u32;
	s4 =	srdreg.scid;
	s15 =	simm.s32 $0x1  }
0x6: {  	s16 =	simm.s32 $0x16880;
	s17 =	simm.s32 $0x0;
	[smem:$0x7FF] =	sst s3  }
0x7: {  	s5 =	smul.u32 $0x2740, s1;
	s7 =	sand.u32 $0x1, s4;
	s4 =	sadd.s32 $0x41200, s6  }
0x8: {  	s10 =	smul.u32 $0x16800, s1;
	s13 =	sadd.s32 $0x6E200, s6;
	s30 =	sshll.u32 s1, $0x6  }
0x9: {  	_ =	strace $0x8000004A;
	s9 =	ssub.s32 $0x2, s7;
	p0 =	seq.s32 s7, $0x1  }
0xa: {  	s14 =	smul.u32 $0x13A0, s7;
	s11 =	sadd.s32 s5, s6;
	s5 =	sadd.s32 $0x4C00, s6  }
0xb: {  	s12 =	sshrl.u32 s9, $0x1;
	s29 =	sadd.s32 s10, s2;
	s6 =	sor.u32 $0x1C02, s30  }
0xc: {  	s10 =	sshrl.u32 s10, $0x3;
	s8 =	smov.u32 @p0 s13;
	s13 =	simm.s32 $0x80  }
0xd: {  	s9 =	ssub.s32 s9, s12;
	s8 =	sadd.s32 s8, s10;
	s31 =	sadd.s32 s14, s11  }
0xe: {  	s10 =	sshrl.u32 s29, $0x3;
	s11 =	simm.s32 $0x2;
	s12 =	simm.s32 $0x16800  }
0xf: {  	s14 =	simm.s32 $0x16900;
	s7 =	smax.u32 s9, $0x1;
	s9 =	sadd.s32 $0x19E00, s31  }
.LBB2_1:
0x10: {  	[spmem:s10], [sflag:s6] =	dma.local [hbm:s5], $0x2D00  }
0x11: {  	_ =	swait.ge [sflag:s11], $0x2D00  }
0x12: {  	[sflag:s11] =	ssyncset.done $0x0  }
0x13: {  	[sflag:s11] =	ssyncadd.s32 $0xFFFFD300  }
0x14: {  	s18 =	sadd.s32 $0x0, s9;
	[bflag:$0x0] =	sbarrier.arrive $0xFFFF  }
0x15: {  	[tilespmem:s12], [sflag:$0x2] =	stream.linear.gather [hbm4b:s18+s3], $0x100, $0x38;
	[tilespmem:$0x1B100] =	vst v63  }
0x16: {  	_ =	swait.ge [sflag:s11], $0x100  }
0x17: {  	[sflag:s11] =	ssyncset.done $0x0  }
0x18: {  	[sflag:s11] =	ssyncadd.s32 $0xFFFFFF00  }
0x19: {  	[tilespmem:s14], [sflag:$0x1] =	stream.indirect.gather [hbm4b:s4+s13], $0x90, s12, s13, $0xb8;
	[tilespmem:$0x1B100] =	vst v63  }
0x1a: {  	_ =	swait.ge [sflag:s15], $0x4800  }
0x1b: {  	[sflag:s15] =	ssyncset.done $0x0  }
0x1c: {  	[sflag:s15] =	ssyncadd.s32 $0xFFFFB800  }
0x1d: {  	[spmem:s2] =	stream.indirect.scatter.add.f32 [tilespmem:s14], [sflag:$0x2], $0x90, s16, s13, $0xb8;
	[tilespmem:$0x1B100] =	vst v63  }
0x1e: {  	_ =	swait.ge [sflag:s11], $0x4800  }
0x1f: {  	s19 =	simm.s32 $0x40;
	s18 =	simm.s32 $0x20;
	[sflag:s11] =	ssyncset.done $0x0  }
.LBB2_2:
0x20: {  	s20 =	sadd.s32 s18, s9  }
0x21: {  	[sflag:s11] =	ssyncadd.s32 $0xFFFFB800;
	s18 =	smov.u32 s19;
	s21 =	sadd.s32 $0x20, s19  }
0x22: {  	[tilespmem:s12], [sflag:$0x2] =	stream.linear.gather [hbm4b:s20+s3], $0x100, $0x38;
	[tilespmem:$0x1B100] =	vst v63  }
0x23: {  	p0 =	sne.s32 s19, $0x1380;
	_ =	swait.ge [sflag:s11], $0x100  }
0x24: {  	[sflag:s11] =	ssyncset.done $0x0  }
0x25: {  	[sflag:s11] =	ssyncadd.s32 $0xFFFFFF00  }
0x26: {  	[tilespmem:s14], [sflag:$0x1] =	stream.indirect.gather [hbm4b:s4+s13], $0x90, s12, s13, $0xb8;
	[tilespmem:$0x1B100] =	vst v63  }
0x27: {  	_ =	swait.ge [sflag:s15], $0x4800  }
.Ltmp0:
0x28: {  	[sflag:s15] =	ssyncset.done $0x0;
	(pc) =	sbr.rel @p0 .LBB2_2-.Ltmp0, $4  }
0x29: {  	[sflag:s15] =	ssyncadd.s32 $0xFFFFB800  }
0x2a: {  	[spmem:s2] =	stream.indirect.scatter.add.f32 [tilespmem:s14], [sflag:$0x2], $0x90, s16, s13, $0xb8;
	[tilespmem:$0x1B100] =	vst v63  }
0x2b: {  	_ =	swait.ge [sflag:s11], $0x4800  }
0x2c: {  	s19 =	smov.u32 s21;
	[sflag:s11] =	ssyncset.done $0x0  }
0x2d: {  	s18 =	sadd.s32 s18, s9;
	[sflag:s11] =	ssyncadd.s32 $0xFFFFB800  }
0x2e: {  	[tilespmem:s12], [sflag:$0x2] =	stream.linear.gather [hbm4b:s18+s3], $0x100, $0x38;
	[tilespmem:$0x1B100] =	vst v63  }
0x2f: {  	_ =	swait.ge [sflag:s11], $0x100  }
0x30: {  	[sflag:s11] =	ssyncset.done $0x0  }
0x31: {  	[sflag:s11] =	ssyncadd.s32 $0xFFFFFF00  }
0x32: {  	[tilespmem:s14], [sflag:$0x1] =	stream.indirect.gather [hbm4b:s4+s13], $0x90, s12, s13, $0xb8;
	[tilespmem:$0x1B100] =	vst v63  }
0x33: {  	_ =	swait.ge [sflag:s15], $0x4800  }
0x34: {  	[sflag:s15] =	ssyncset.done $0x0  }
0x35: {  	[sflag:s15] =	ssyncadd.s32 $0xFFFFB800  }
0x36: {  	[spmem:s2] =	stream.indirect.scatter.add.f32 [tilespmem:s14], [sflag:$0x2], $0x90, s16, s13, $0xb8;
	[tilespmem:$0x1B100] =	vst v63  }
0x37: {  	_ =	swait.ge [sflag:s11], $0x4800  }
0x38: {  	s17 =	sadd.s32 $0x1, s17;
	[sflag:s11] =	ssyncset.done $0x0  }
0x39: {  	p0 =	sne.s32 s17, s7;
	[sflag:s11] =	ssyncadd.s32 $0xFFFFB800  }
.Ltmp1:
0x3a: {  	[bflag:$0x0] =	sbarrier.arrive $0xFFFF;
	(pc) =	sbr.rel @p0 .LBB2_1-.Ltmp1, $4  }
0x3b: {  	[hbm:s8], [sflag:s6] =	dma.local [spmem:s10], $0x2D00  }
0x3c: {  	_ =	swait.ge [sflag:s11], $0x2D00  }
0x3d: {  	[sflag:s11] =	ssyncset.done $0x0  }
0x3e: {  	[sflag:s11] =	ssyncadd.s32 $0xFFFFD300  }
0x3f: {  	_ =	sfence.sel $0x180000  }
0x40: {  	[bflag:$0x0] =	sbarrier.arrive $0xFFFF  }
0x41: {  	p0 =	sne.s32 s1, $0x0;
	_ =	strace $0x9000004A  }
0x42: {  	s0 =	sadd.s32 @!p0 $0x100000, s0;
	[bflag:$0x2] =	sbarrier.arrive $0xFFFF  }
0x43: {  	[sflag:s0] =	ssyncadd.tile.s32 @!p0 $0x1;
	_ =	shalt  }
.Lfunc_end2:
_tile_overlayer_lowered:
.L_overlay_start_2:
0x44: {  	(tag) =	ssettag $0x2  }
0x45: {  	s0 =	rddreg [dreg:$0x0];
	s2 =	stileid.u32  }
0x46: {  	s1 =	rddreg [dreg:$0x1];
	p0 =	sne.s32 s2, $0x0  }
0x47: {  	s3 =	rddreg [dreg:$0x2];
	[bflag:$0x3] =	sbarrier.arrive $0xFFFF;
	s2 =	simm.s32 @!p0 $0x1C02  }
0x48: {  	[timem:s3], [sflag:s2] =	dma.local @!p0 [hbm:s0], s1  }
0x49: {  	s0 =	simm.s32 @!p0 $0x2  }
0x4a: {  	_ =	swait.ge @!p0 [sflag:s0], s1  }
0x4b: {  	s1 =	ssub.s32 @!p0 $0x0, s1;
	[sflag:s0] =	ssyncset.done @!p0 $0x0  }
0x4c: {  	[sflag:s0] =	ssyncadd.s32 @!p0 s1  }
0x4d: {  	[bflag:$0x3] =	sbarrier.arrive $0xFFFF  }
0x4e: {  	_ =	shalt  }

// kernel: kernel.20.cloned.1.call-start
scs
__scs_entry_jumppad:
0x0: {  	(pc) =	sbr.rel $0x88, $3  }
0x1: {  	(tag) =	ssettag $0x0;
	lr =	simm.s32 $0x1  }
0x2: {  	[smem:$0x3F93] =	sst lr;
	_ =	strace $0xD0000000  }
0x3: {  	_ = 	snop  }
0x4: {  	_ = 	snop  }
0x5: {  	_ = 	snop  }
0x6: {  	_ = 	snop  }
0x7: {  	_ = 	snop  }
__scs_overlays_trampoline_lowered:
0x8: {  	[smem:$0x3FA2] =	sst s0  }
0x9: {  	[smem:$0x3FA3] =	sst s1  }
0xa: {  	[smem:$0x3FA4] =	sst s2  }
0xb: {  	[smem:$0x3FA5] =	sst s3  }
0xc: {  	[smem:$0x3FA6] =	sst s4  }
0xd: {  	[smem:$0x3FA7] =	sst s5  }
0xe: {  	[smem:$0x3FA8] =	sst s6  }
0xf: {  	[smem:$0x3FA9] =	sst s7  }
0x10: {  	[smem:$0x3FAA] =	sst s8  }
0x11: {  	[smem:$0x3FAB] =	sst s9;
	s0 =	simm.s32 @!p0 $0x0  }
0x12: {  	s1 =	sld [smem:$0x3F91];
	s0 =	simm.s32 @p0 $0x1  }
0x13: {  	[smem:$0x3FAC] =	sst s0;
	s0 =	simm.s32 @!p1 $0x0  }
0x14: {  	s2 =	sld [smem:$0x3F90];
	s0 =	simm.s32 @p1 $0x1  }
0x15: {  	[smem:$0x3FAD] =	sst s0;
	s0 =	simm.s32 @!p2 $0x0  }
0x16: {  	s3 =	sld [smem:$0x3FDB];
	s0 =	simm.s32 @p2 $0x1  }
0x17: {  	s4 =	simm.s32 $0x1BF5;
	[smem:$0x3FAF] =	sst s0  }
0x18: {  	s0 =	sld [smem:$0x3F92];
	_ =	swait.ge [sflag:s4], $0x0  }
0x19: {  	s7 =	sld [smem:$0x3F93]  }
0x1a: {  	s8 =	sadd.s32 $0xFFFFE003, lr  }
0x1b: {  	s9 =	sadd.s32 $0xFFFFFEF7, lr;
	s5 =	simm.s32 $0xFFFFFFFF;
	p2 =	slt.u32 s8, $0xFFFFF086  }
0x1c: {  	p1 =	slt.u32 s9, $0xF7A;
	s5 =	simm.s32 @!p2 $0x0  }
0x1d: {  	s5 =	simm.s32 @p1 $0x1;
	p0 =	seq.s32 s7, s2  }
0x1e: {  	s7 =	smul.u32 @!p0 $0xF7A, s2;
	p2 =	seq.s32 @!p0 s5, $0x0  }
0x1f: {  	s9 =	smul.u32 $0xF7A, s1;
	s8 =	simm.s32 @!p0 $0x1BF5;
	p2 =	por !p2, p0  }
0x20: {  	[sflag:s8] =	ssyncset.s32 @!p0 $0xFFFFF086;
	s6 =	sadd.s32 @!p0 s3, s7;
	s7 =	simm.s32 @!p0 $0x108  }
0x21: {  	s3 =	sadd.s32 s3, s9;
	s6 =	sadd.s32 @!p0 $0x88, s6;
	s7 =	simm.s32 @p2 $0x1082  }
0x22: {  	[simem:s7], [sflag:s8] =	dma.local @!p0 [hbm:s6], $0xF7A  }
0x23: {  	s9 =	sor.u32 $0xD0000000, s2;
	s6 =	simm.s32 $0x108;
	_ =	swait.ge @!p0 [sflag:s8], $0x0  }
0x24: {  	s3 =	sadd.s32 $0x88, s3;
	s6 =	simm.s32 @!p1 $0x1082;
	[sflag:s4] =	ssyncset.s32 $0xFFFFF086  }
0x25: {  	[simem:s6], [sflag:s4] =	dma.local [hbm:s3], $0xF7A  }
0x26: {  	[smem:$0x3F93] =	sst s1;
	(tag) =	ssettag s2;
	_ =	strace s9  }
0x27: {  	s1 =	sld [smem:$0x3FA3]  }
0x28: {  	s2 =	sld [smem:$0x3FA4]  }
0x29: {  	s4 =	sld [smem:$0x3FA6]  }
0x2a: {  	p0 =	seq.s32 s5, $0x0;
	s5 =	sld [smem:$0x3FA7]  }
0x2b: {  	s6 =	sld [smem:$0x3FA8]  }
0x2c: {  	s7 =	sld [smem:$0x3FA9]  }
0x2d: {  	s3 =	simm.s32 $0x108;
	s8 =	sld [smem:$0x3FAA]  }
0x2e: {  	s3 =	simm.s32 @!p0 $0x1082;
	s9 =	sld [smem:$0x3FAB]  }
0x2f: {  	lr =	sadd.s32 s0, s3;
	s0 =	sld [smem:$0x3FA2]  }
0x30: {  	s3 =	sld [smem:$0x3FA5]  }
0x31: {  	[smem:$0x3FAE] =	sst s10  }
0x32: {  	s10 =	sld [smem:$0x3FAC];
	_ =	sdelay $0x3  }
0x33: {  	p0 =	seq.s32 s10, $0x1;
	s10 =	sld [smem:$0x3FAE];
	_ =	sdelay $0x3  }
0x34: {  	[smem:$0x3FAE] =	sst s10  }
0x35: {  	s10 =	sld [smem:$0x3FAD];
	_ =	sdelay $0x3  }
0x36: {  	p1 =	seq.s32 s10, $0x1;
	s10 =	sld [smem:$0x3FAE];
	_ =	sdelay $0x3  }
0x37: {  	[smem:$0x3FAE] =	sst s10  }
0x38: {  	s10 =	sld [smem:$0x3FAF]  }
0x39: {  	_ = 	snop;
	(pc) =	sbr.ind lr, $3  }
0x3a: {  	_ = 	snop  }
0x3b: {  	_ = 	snop  }
0x3c: {  	p2 =	seq.s32 s10, $0x1;
	s10 =	sld [smem:$0x3FAE]  }
0x3d: {  	_ =	shalt  }
0x3e: {  	_ =	shalt  }
0x3f: {  	_ =	shalt  }
0x40: {  	_ =	shalt  }
0x41: {  	_ =	shalt  }
0x42: {  	_ =	shalt  }
0x43: {  	_ =	shalt  }
0x44: {  	_ =	shalt  }
0x45: {  	_ =	shalt  }
0x46: {  	_ =	shalt  }
0x47: {  	_ =	shalt  }
0x48: {  	_ =	shalt  }
0x49: {  	_ =	shalt  }
0x4a: {  	_ =	shalt  }
0x4b: {  	_ =	shalt  }
0x4c: {  	_ =	shalt  }
0x4d: {  	_ =	shalt  }
0x4e: {  	_ =	shalt  }
0x4f: {  	_ =	shalt  }
0x50: {  	_ =	shalt  }
0x51: {  	_ =	shalt  }
0x52: {  	_ =	shalt  }
0x53: {  	_ =	shalt  }
0x54: {  	_ =	shalt  }
0x55: {  	_ =	shalt  }
0x56: {  	_ =	shalt  }
0x57: {  	_ =	shalt  }
0x58: {  	_ =	shalt  }
0x59: {  	_ =	shalt  }
0x5a: {  	_ =	shalt  }
0x5b: {  	_ =	shalt  }
0x5c: {  	_ =	shalt  }
0x5d: {  	_ =	shalt  }
0x5e: {  	_ =	shalt  }
0x5f: {  	_ =	shalt  }
0x60: {  	_ =	shalt  }
0x61: {  	_ =	shalt  }
0x62: {  	_ =	shalt  }
0x63: {  	_ =	shalt  }
0x64: {  	_ =	shalt  }
0x65: {  	_ =	shalt  }
0x66: {  	_ =	shalt  }
0x67: {  	_ =	shalt  }
0x68: {  	_ =	shalt  }
0x69: {  	_ =	shalt  }
0x6a: {  	_ =	shalt  }
0x6b: {  	_ =	shalt  }
0x6c: {  	_ =	shalt  }
0x6d: {  	_ =	shalt  }
0x6e: {  	_ =	shalt  }
0x6f: {  	_ =	shalt  }
0x70: {  	_ =	shalt  }
0x71: {  	_ =	shalt  }
0x72: {  	_ =	shalt  }
0x73: {  	_ =	shalt  }
0x74: {  	_ =	shalt  }
0x75: {  	_ =	shalt  }
0x76: {  	_ =	shalt  }
0x77: {  	_ =	shalt  }
0x78: {  	_ =	shalt  }
0x79: {  	_ =	shalt  }
0x7a: {  	_ =	shalt  }
0x7b: {  	_ =	shalt  }
0x7c: {  	_ =	shalt  }
0x7d: {  	_ =	shalt  }
0x7e: {  	_ =	shalt  }
0x7f: {  	_ =	shalt  }
0x80: {  	_ =	shalt  }
0x81: {  	_ =	shalt  }
0x82: {  	_ =	shalt  }
0x83: {  	_ =	shalt  }
0x84: {  	_ =	shalt  }
0x85: {  	_ =	shalt  }
0x86: {  	_ =	shalt  }
0x87: {  	_ =	shalt  }
.Lfunc_end0:
.L_simem_size_0:
called_computation.2_lowered:
.L_overlay_start_0:
0x88: {  	s2 =	sld [smem:$0x3FD9]  }
0x89: {  	s3 =	sld [smem:$0x3FFE];
	_ =	sdelay $0x1  }
0x8a: {  	s1 =	srdreg.scid  }
0x8b: {  	s0 =	sand.u32 $0x1, s1  }
0x8c: {  	s17 =	sshll.u32 s0, $0xA;
	s2 =	sadd.s32 s3, s2  }
0x8d: {  	s2 =	sadd.s32 s2, s17  }
0x8e: {  	[smem:$0x3FBA] =	sst s2  }
0x8f: {  	_ = 	snop  }
0x90: {  	s2 =	sld [smem:$0x3FD0];
	(tm) =	ssettm $0x1  }
0x91: {  	s18 =	sld [smem:$0x3FFB];
	_ =	sdelay $0x3  }
0x92: {  	_ =	strace s18  }
0x93: {  	s3 =	sld [smem:$0x3FFC];
	_ =	sdelay $0x3  }
0x94: {  	_ =	strace s3  }
0x95: {  	s3 =	sld [smem:$0x3FFD];
	_ =	sdelay $0x3  }
0x96: {  	_ =	strace s3  }
0x97: {  	_ =	strace $0x8FFFFFFF  }
0x98: {  	s19 =	sld [smem:$0x3FDB];
	_ =	sdelay $0x1  }
0x99: {  	s4 =	simm.s32 $_scs_section_size  }
0x9a: {  	s5 =	simm.s32 $_size__tile_overlayer_lowered;
	s6 =	simm.s32 $_tile_overlayer_lowered  }
0x9b: {  	s22 =	simm.s32 $0x1BFF;
	s21 =	sshll.u32 s6, $0x1;
	s3 =	sadd.s32 s4, s19  }
0x9c: {  	s7 =	simm.s32 $0x0;
	s20 =	sshll.u32 s5, $0x1;
	s5 =	sadd.s32 s21, s3  }
0x9d: {  	[timem:s7], [sflag:s22] =	dma.local [hbm:s5], s20  }
0x9e: {  	_ =	swait.ge [sflag:s22], s20  }
0x9f: {  	s4 =	ssub.s32 $0x0, s20;
	[sflag:s22] =	ssyncset.done $0x0  }
0xa0: {  	[sflag:s22] =	ssyncadd.s32 s4;
	_ =	sdelay $0x1  }
0xa1: {  	s23 =	simm.s32 $0x1B8B  }
0xa2: {  	_ =	swait.ge [sflag:s23], $0x1  }
0xa3: {  	[sflag:s23] =	ssyncset.done $0x0  }
0xa4: {  	s25 =	simm.s32 $0x1B8E;
	s24 =	sld [smem:$0x3FFE];
	[sflag:s23] =	ssyncadd.s32 $0xFFFFFFFF  }
0xa5: {  	s26 =	simm.s32 $execute0_lowered;
	[smem:$0x3FD2] =	sst s25  }
0xa6: {  	s5 =	sshll.u32 s26, $0x1;
	_ =	strace $0x8000004C;
	[dreg:$0x1] =	wrdreg $0xFFFFFFFF  }
0xa7: {  	s28 =	simm.s32 $_size_execute0_lowered;
	s3 =	sadd.s32 s3, s5;
	[dreg:$0x0] =	wrdreg $0x0  }
0xa8: {  	s5 =	sshll.u32 s28, $0x1;
	[dreg:$0x2] =	wrdreg s3  }
0xa9: {  	[dreg:$0x3] =	wrdreg s5  }
0xaa: {  	[dreg:$0x4] =	wrdreg $0xC0  }
0xab: {  	_ =	task [dreg:s7], $0x5FFFF  }
0xac: {  	[dreg:$0x1] =	wrdreg $0xFFFFFFFF  }
0xad: {  	[dreg:$0x0] =	wrdreg $0x60  }
0xae: {  	[dreg:$0x2] =	wrdreg s2  }
0xaf: {  	[dreg:$0x3] =	wrdreg s24  }
0xb0: {  	[dreg:$0x4] =	wrdreg $0x0  }
0xb1: {  	[dreg:$0x5] =	wrdreg $0x9  }
0xb2: {  	_ =	task.clear_ibuf [dreg:s7], $0x6FFFF;
	_ =	strace $0x9000004C  }
0xb3: {  	s29 =	simm.s32 $0x9;
	_ =	strace $0x8000004E  }
0xb4: {  	_ =	swait.ge [sflag:s29], $0x1  }
0xb5: {  	[sflag:s29] =	ssyncadd.s32 $0xFFFFFFFF  }
0xb6: {  	_ =	strace $0x9000004E  }
0xb7: {  	_ =	sfence  }
0xb8: {  	s30 =	sld [smem:$0x0];
	_ =	sdelay $0x2  }
0xb9: {  	s31 =	sshll.u32 s1, $0xD;
	s1 =	sshrl.u32 s1, $0x2  }
0xba: {  	s3 =	sand.u32 $0x4000, s31;
	s1 =	sadd.s32 s1, s30  }
0xbb: {  	s0 =	sor.u32 s3, s0;
	s1 =	sshll.u32 s1, $0x11  }
0xbc: {  	s0 =	sor.u32 s1, s0  }
0xbd: {  	s0 =	sadd.s32 $0x8F2B, s0  }
0xbe: {  	[sflag:s0] =	ssyncadd.remote.s32 $0x1  }
0xbf: {  	_ =	sfence.sel $0xFFFF  }
0xc0: {  	[dreg:$0x0] =	wrdreg $0xFFFFFFFF;
	(pc) =	sbr.abs _section_cstart, $3  }
0xc1: {  	[dreg:$0x1] =	wrdreg $0xFFFFFFFF  }
0xc2: {  	_ =	task.clear_ibuf [dreg:s7], $0x2FFFF;
	_ =	strace $0x9FFFFFFF  }
0xc3: {  	(tm) =	ssettm $0x7FFFFFFF  }
tec
execute0_lowered:
.L_overlay_start_1:
0x0: {  	(tag) =	ssettag $0x1  }
0x1: {  	s1 =	rddreg [dreg:$0x0]  }
0x2: {  	s7 =	rddreg [dreg:$0x1]  }
0x3: {  	s3 =	rddreg [dreg:$0x2]  }
0x4: {  	s0 =	rddreg [dreg:$0x3];
	s5 =	srdreg.scid  }
0x5: {  	s4 =	simm.s32 $0x0;
	s2 =	stileid.u32;
	s15 =	simm.s32 $0x1  }
0x6: {  	s16 =	simm.s32 $0x16880;
	s17 =	simm.s32 $0x0;
	s30 =	smul.u32 $0x2740, s2  }
0x7: {  	s6 =	sand.u32 $0x1, s5;
	[smem:$0x7FF] =	sst s4;
	s10 =	smul.u32 $0x16800, s2  }
0x8: {  	s5 =	sadd.s32 $0x4C00, s7;
	s13 =	sshll.u32 s2, $0x6;
	s8 =	ssub.s32 $0x2, s6  }
0x9: {  	_ =	strace $0x8000004D;
	p0 =	seq.s32 s6, $0x1;
	s14 =	smul.u32 $0x13A0, s6  }
0xa: {  	s6 =	sor.u32 $0x1C02, s13;
	s13 =	simm.s32 $0x80;
	s9 =	sshrl.u32 s8, $0x1  }
0xb: {  	s11 =	sadd.s32 s30, s7;
	s8 =	ssub.s32 s8, s9;
	s9 =	simm.s32 $0x41200  }
0xc: {  	s12 =	sadd.s32 s10, s3;
	s10 =	sshrl.u32 s10, $0x3;
	s9 =	simm.s32 @!p0 $0x6E200  }
0xd: {  	s31 =	sadd.s32 s14, s11;
	s11 =	simm.s32 $0x2;
	s9 =	sadd.s32 s9, s7  }
0xe: {  	s14 =	simm.s32 $0x16900;
	s7 =	smax.u32 s8, $0x1;
	s8 =	sadd.s32 s9, s10  }
0xf: {  	s9 =	sadd.s32 $0x9B200, s31;
	s10 =	sshrl.u32 s12, $0x3;
	s12 =	simm.s32 $0x16800  }
.LBB2_1:
0x10: {  	[spmem:s10], [sflag:s6] =	dma.local [hbm:s5], $0x2D00  }
0x11: {  	_ =	swait.ge [sflag:s11], $0x2D00  }
0x12: {  	[sflag:s11] =	ssyncset.done $0x0  }
0x13: {  	[sflag:s11] =	ssyncadd.s32 $0xFFFFD300  }
0x14: {  	s18 =	sadd.s32 $0x0, s9;
	[bflag:$0x0] =	sbarrier.arrive $0xFFFF  }
0x15: {  	[tilespmem:s12], [sflag:$0x2] =	stream.linear.gather [hbm4b:s18+s4], $0x100, $0x38;
	[tilespmem:$0x1B100] =	vst v63  }
0x16: {  	_ =	swait.ge [sflag:s11], $0x100  }
0x17: {  	[sflag:s11] =	ssyncset.done $0x0  }
0x18: {  	[sflag:s11] =	ssyncadd.s32 $0xFFFFFF00  }
0x19: {  	[tilespmem:s14], [sflag:$0x1] =	stream.indirect.gather [hbm4b:s1+s13], $0x90, s12, s13, $0xb8;
	[tilespmem:$0x1B100] =	vst v63  }
0x1a: {  	_ =	swait.ge [sflag:s15], $0x4800  }
0x1b: {  	[sflag:s15] =	ssyncset.done $0x0  }
0x1c: {  	[sflag:s15] =	ssyncadd.s32 $0xFFFFB800  }
0x1d: {  	[spmem:s3] =	stream.indirect.scatter.add.f32 [tilespmem:s14], [sflag:$0x2], $0x90, s16, s13, $0xb8;
	[tilespmem:$0x1B100] =	vst v63  }
0x1e: {  	_ =	swait.ge [sflag:s11], $0x4800  }
0x1f: {  	s19 =	simm.s32 $0x40;
	s18 =	simm.s32 $0x20;
	[sflag:s11] =	ssyncset.done $0x0  }
.LBB2_2:
0x20: {  	s20 =	sadd.s32 s18, s9  }
0x21: {  	[sflag:s11] =	ssyncadd.s32 $0xFFFFB800;
	s18 =	smov.u32 s19;
	s21 =	sadd.s32 $0x20, s19  }
0x22: {  	[tilespmem:s12], [sflag:$0x2] =	stream.linear.gather [hbm4b:s20+s4], $0x100, $0x38;
	[tilespmem:$0x1B100] =	vst v63  }
0x23: {  	p0 =	sne.s32 s19, $0x1380;
	_ =	swait.ge [sflag:s11], $0x100  }
0x24: {  	[sflag:s11] =	ssyncset.done $0x0  }
0x25: {  	[sflag:s11] =	ssyncadd.s32 $0xFFFFFF00  }
0x26: {  	[tilespmem:s14], [sflag:$0x1] =	stream.indirect.gather [hbm4b:s1+s13], $0x90, s12, s13, $0xb8;
	[tilespmem:$0x1B100] =	vst v63  }
0x27: {  	_ =	swait.ge [sflag:s15], $0x4800  }
.Ltmp0:
0x28: {  	[sflag:s15] =	ssyncset.done $0x0;
	(pc) =	sbr.rel @p0 .LBB2_2-.Ltmp0, $4  }
0x29: {  	[sflag:s15] =	ssyncadd.s32 $0xFFFFB800  }
0x2a: {  	[spmem:s3] =	stream.indirect.scatter.add.f32 [tilespmem:s14], [sflag:$0x2], $0x90, s16, s13, $0xb8;
	[tilespmem:$0x1B100] =	vst v63  }
0x2b: {  	_ =	swait.ge [sflag:s11], $0x4800  }
0x2c: {  	s19 =	smov.u32 s21;
	[sflag:s11] =	ssyncset.done $0x0  }
0x2d: {  	s18 =	sadd.s32 s18, s9;
	[sflag:s11] =	ssyncadd.s32 $0xFFFFB800  }
0x2e: {  	[tilespmem:s12], [sflag:$0x2] =	stream.linear.gather [hbm4b:s18+s4], $0x100, $0x38;
	[tilespmem:$0x1B100] =	vst v63  }
0x2f: {  	_ =	swait.ge [sflag:s11], $0x100  }
0x30: {  	[sflag:s11] =	ssyncset.done $0x0  }
0x31: {  	[sflag:s11] =	ssyncadd.s32 $0xFFFFFF00  }
0x32: {  	[tilespmem:s14], [sflag:$0x1] =	stream.indirect.gather [hbm4b:s1+s13], $0x90, s12, s13, $0xb8;
	[tilespmem:$0x1B100] =	vst v63  }
0x33: {  	_ =	swait.ge [sflag:s15], $0x4800  }
0x34: {  	[sflag:s15] =	ssyncset.done $0x0  }
0x35: {  	[sflag:s15] =	ssyncadd.s32 $0xFFFFB800  }
0x36: {  	[spmem:s3] =	stream.indirect.scatter.add.f32 [tilespmem:s14], [sflag:$0x2], $0x90, s16, s13, $0xb8;
	[tilespmem:$0x1B100] =	vst v63  }
0x37: {  	_ =	swait.ge [sflag:s11], $0x4800  }
0x38: {  	s17 =	sadd.s32 $0x1, s17;
	[sflag:s11] =	ssyncset.done $0x0  }
0x39: {  	p0 =	sne.s32 s17, s7;
	[sflag:s11] =	ssyncadd.s32 $0xFFFFB800  }
.Ltmp1:
0x3a: {  	[bflag:$0x0] =	sbarrier.arrive $0xFFFF;
	(pc) =	sbr.rel @p0 .LBB2_1-.Ltmp1, $4  }
0x3b: {  	[hbm:s8], [sflag:s6] =	dma.local [spmem:s10], $0x2D00  }
0x3c: {  	_ =	swait.ge [sflag:s11], $0x2D00  }
0x3d: {  	[sflag:s11] =	ssyncset.done $0x0  }
0x3e: {  	[sflag:s11] =	ssyncadd.s32 $0xFFFFD300  }
0x3f: {  	_ =	sfence.sel $0x180000  }
0x40: {  	[bflag:$0x0] =	sbarrier.arrive $0xFFFF  }
0x41: {  	p0 =	sne.s32 s2, $0x0;
	_ =	strace $0x9000004D  }
0x42: {  	s0 =	sadd.s32 @!p0 $0x100000, s0;
	[bflag:$0x2] =	sbarrier.arrive $0xFFFF  }
0x43: {  	[sflag:s0] =	ssyncadd.tile.s32 @!p0 $0x1;
	_ =	shalt  }
.Lfunc_end2:
_tile_overlayer_lowered:
.L_overlay_start_2:
0x44: {  	(tag) =	ssettag $0x2  }
0x45: {  	s0 =	rddreg [dreg:$0x0];
	s2 =	stileid.u32  }
0x46: {  	s1 =	rddreg [dreg:$0x1];
	p0 =	sne.s32 s2, $0x0  }
0x47: {  	s3 =	rddreg [dreg:$0x2];
	[bflag:$0x3] =	sbarrier.arrive $0xFFFF;
	s2 =	simm.s32 @!p0 $0x1C02  }
0x48: {  	[timem:s3], [sflag:s2] =	dma.local @!p0 [hbm:s0], s1  }
0x49: {  	s0 =	simm.s32 @!p0 $0x2  }
0x4a: {  	_ =	swait.ge @!p0 [sflag:s0], s1  }
0x4b: {  	s1 =	ssub.s32 @!p0 $0x0, s1;
	[sflag:s0] =	ssyncset.done @!p0 $0x0  }
0x4c: {  	[sflag:s0] =	ssyncadd.s32 @!p0 s1  }
0x4d: {  	[bflag:$0x3] =	sbarrier.arrive $0xFFFF  }
0x4e: {  	_ =	shalt  }

// kernel: kernel.23.cloned.1.call-start
scs
__scs_entry_jumppad:
0x0: {  	(pc) =	sbr.rel $0x88, $3  }
0x1: {  	(tag) =	ssettag $0x0;
	lr =	simm.s32 $0x1  }
0x2: {  	[smem:$0x3F93] =	sst lr;
	_ =	strace $0xD0000000  }
0x3: {  	_ = 	snop  }
0x4: {  	_ = 	snop  }
0x5: {  	_ = 	snop  }
0x6: {  	_ = 	snop  }
0x7: {  	_ = 	snop  }
__scs_overlays_trampoline_lowered:
0x8: {  	[smem:$0x3FA2] =	sst s0  }
0x9: {  	[smem:$0x3FA3] =	sst s1  }
0xa: {  	[smem:$0x3FA4] =	sst s2  }
0xb: {  	[smem:$0x3FA5] =	sst s3  }
0xc: {  	[smem:$0x3FA6] =	sst s4  }
0xd: {  	[smem:$0x3FA7] =	sst s5  }
0xe: {  	[smem:$0x3FA8] =	sst s6  }
0xf: {  	[smem:$0x3FA9] =	sst s7  }
0x10: {  	[smem:$0x3FAA] =	sst s8  }
0x11: {  	[smem:$0x3FAB] =	sst s9;
	s0 =	simm.s32 @!p0 $0x0  }
0x12: {  	s1 =	sld [smem:$0x3F91];
	s0 =	simm.s32 @p0 $0x1  }
0x13: {  	[smem:$0x3FAC] =	sst s0;
	s0 =	simm.s32 @!p1 $0x0  }
0x14: {  	s2 =	sld [smem:$0x3F90];
	s0 =	simm.s32 @p1 $0x1  }
0x15: {  	[smem:$0x3FAD] =	sst s0;
	s0 =	simm.s32 @!p2 $0x0  }
0x16: {  	s3 =	sld [smem:$0x3FDB];
	s0 =	simm.s32 @p2 $0x1  }
0x17: {  	s4 =	simm.s32 $0x1BF5;
	[smem:$0x3FAF] =	sst s0  }
0x18: {  	s0 =	sld [smem:$0x3F92];
	_ =	swait.ge [sflag:s4], $0x0  }
0x19: {  	s7 =	sld [smem:$0x3F93]  }
0x1a: {  	s8 =	sadd.s32 $0xFFFFE003, lr  }
0x1b: {  	s9 =	sadd.s32 $0xFFFFFEF7, lr;
	s5 =	simm.s32 $0xFFFFFFFF;
	p2 =	slt.u32 s8, $0xFFFFF086  }
0x1c: {  	p1 =	slt.u32 s9, $0xF7A;
	s5 =	simm.s32 @!p2 $0x0  }
0x1d: {  	s5 =	simm.s32 @p1 $0x1;
	p0 =	seq.s32 s7, s2  }
0x1e: {  	s7 =	smul.u32 @!p0 $0xF7A, s2;
	p2 =	seq.s32 @!p0 s5, $0x0  }
0x1f: {  	s9 =	smul.u32 $0xF7A, s1;
	s8 =	simm.s32 @!p0 $0x1BF5;
	p2 =	por !p2, p0  }
0x20: {  	[sflag:s8] =	ssyncset.s32 @!p0 $0xFFFFF086;
	s6 =	sadd.s32 @!p0 s3, s7;
	s7 =	simm.s32 @!p0 $0x108  }
0x21: {  	s3 =	sadd.s32 s3, s9;
	s6 =	sadd.s32 @!p0 $0x88, s6;
	s7 =	simm.s32 @p2 $0x1082  }
0x22: {  	[simem:s7], [sflag:s8] =	dma.local @!p0 [hbm:s6], $0xF7A  }
0x23: {  	s9 =	sor.u32 $0xD0000000, s2;
	s6 =	simm.s32 $0x108;
	_ =	swait.ge @!p0 [sflag:s8], $0x0  }
0x24: {  	s3 =	sadd.s32 $0x88, s3;
	s6 =	simm.s32 @!p1 $0x1082;
	[sflag:s4] =	ssyncset.s32 $0xFFFFF086  }
0x25: {  	[simem:s6], [sflag:s4] =	dma.local [hbm:s3], $0xF7A  }
0x26: {  	[smem:$0x3F93] =	sst s1;
	(tag) =	ssettag s2;
	_ =	strace s9  }
0x27: {  	s1 =	sld [smem:$0x3FA3]  }
0x28: {  	s2 =	sld [smem:$0x3FA4]  }
0x29: {  	s4 =	sld [smem:$0x3FA6]  }
0x2a: {  	p0 =	seq.s32 s5, $0x0;
	s5 =	sld [smem:$0x3FA7]  }
0x2b: {  	s6 =	sld [smem:$0x3FA8]  }
0x2c: {  	s7 =	sld [smem:$0x3FA9]  }
0x2d: {  	s3 =	simm.s32 $0x108;
	s8 =	sld [smem:$0x3FAA]  }
0x2e: {  	s3 =	simm.s32 @!p0 $0x1082;
	s9 =	sld [smem:$0x3FAB]  }
0x2f: {  	lr =	sadd.s32 s0, s3;
	s0 =	sld [smem:$0x3FA2]  }
0x30: {  	s3 =	sld [smem:$0x3FA5]  }
0x31: {  	[smem:$0x3FAE] =	sst s10  }
0x32: {  	s10 =	sld [smem:$0x3FAC];
	_ =	sdelay $0x3  }
0x33: {  	p0 =	seq.s32 s10, $0x1;
	s10 =	sld [smem:$0x3FAE];
	_ =	sdelay $0x3  }
0x34: {  	[smem:$0x3FAE] =	sst s10  }
0x35: {  	s10 =	sld [smem:$0x3FAD];
	_ =	sdelay $0x3  }
0x36: {  	p1 =	seq.s32 s10, $0x1;
	s10 =	sld [smem:$0x3FAE];
	_ =	sdelay $0x3  }
0x37: {  	[smem:$0x3FAE] =	sst s10  }
0x38: {  	s10 =	sld [smem:$0x3FAF]  }
0x39: {  	_ = 	snop;
	(pc) =	sbr.ind lr, $3  }
0x3a: {  	_ = 	snop  }
0x3b: {  	_ = 	snop  }
0x3c: {  	p2 =	seq.s32 s10, $0x1;
	s10 =	sld [smem:$0x3FAE]  }
0x3d: {  	_ =	shalt  }
0x3e: {  	_ =	shalt  }
0x3f: {  	_ =	shalt  }
0x40: {  	_ =	shalt  }
0x41: {  	_ =	shalt  }
0x42: {  	_ =	shalt  }
0x43: {  	_ =	shalt  }
0x44: {  	_ =	shalt  }
0x45: {  	_ =	shalt  }
0x46: {  	_ =	shalt  }
0x47: {  	_ =	shalt  }
0x48: {  	_ =	shalt  }
0x49: {  	_ =	shalt  }
0x4a: {  	_ =	shalt  }
0x4b: {  	_ =	shalt  }
0x4c: {  	_ =	shalt  }
0x4d: {  	_ =	shalt  }
0x4e: {  	_ =	shalt  }
0x4f: {  	_ =	shalt  }
0x50: {  	_ =	shalt  }
0x51: {  	_ =	shalt  }
0x52: {  	_ =	shalt  }
0x53: {  	_ =	shalt  }
0x54: {  	_ =	shalt  }
0x55: {  	_ =	shalt  }
0x56: {  	_ =	shalt  }
0x57: {  	_ =	shalt  }
0x58: {  	_ =	shalt  }
0x59: {  	_ =	shalt  }
0x5a: {  	_ =	shalt  }
0x5b: {  	_ =	shalt  }
0x5c: {  	_ =	shalt  }
0x5d: {  	_ =	shalt  }
0x5e: {  	_ =	shalt  }
0x5f: {  	_ =	shalt  }
0x60: {  	_ =	shalt  }
0x61: {  	_ =	shalt  }
0x62: {  	_ =	shalt  }
0x63: {  	_ =	shalt  }
0x64: {  	_ =	shalt  }
0x65: {  	_ =	shalt  }
0x66: {  	_ =	shalt  }
0x67: {  	_ =	shalt  }
0x68: {  	_ =	shalt  }
0x69: {  	_ =	shalt  }
0x6a: {  	_ =	shalt  }
0x6b: {  	_ =	shalt  }
0x6c: {  	_ =	shalt  }
0x6d: {  	_ =	shalt  }
0x6e: {  	_ =	shalt  }
0x6f: {  	_ =	shalt  }
0x70: {  	_ =	shalt  }
0x71: {  	_ =	shalt  }
0x72: {  	_ =	shalt  }
0x73: {  	_ =	shalt  }
0x74: {  	_ =	shalt  }
0x75: {  	_ =	shalt  }
0x76: {  	_ =	shalt  }
0x77: {  	_ =	shalt  }
0x78: {  	_ =	shalt  }
0x79: {  	_ =	shalt  }
0x7a: {  	_ =	shalt  }
0x7b: {  	_ =	shalt  }
0x7c: {  	_ =	shalt  }
0x7d: {  	_ =	shalt  }
0x7e: {  	_ =	shalt  }
0x7f: {  	_ =	shalt  }
0x80: {  	_ =	shalt  }
0x81: {  	_ =	shalt  }
0x82: {  	_ =	shalt  }
0x83: {  	_ =	shalt  }
0x84: {  	_ =	shalt  }
0x85: {  	_ =	shalt  }
0x86: {  	_ =	shalt  }
0x87: {  	_ =	shalt  }
.Lfunc_end0:
.L_simem_size_0:
called_computation.3_lowered:
.L_overlay_start_0:
0x88: {  	s2 =	sld [smem:$0x3FD9]  }
0x89: {  	s3 =	sld [smem:$0x3FFE];
	_ =	sdelay $0x1  }
0x8a: {  	s1 =	srdreg.scid  }
0x8b: {  	s0 =	sand.u32 $0x1, s1  }
0x8c: {  	s17 =	sshll.u32 s0, $0xA;
	s2 =	sadd.s32 s3, s2  }
0x8d: {  	s2 =	sadd.s32 s2, s17  }
0x8e: {  	[smem:$0x3FBA] =	sst s2  }
0x8f: {  	_ = 	snop  }
0x90: {  	s2 =	sld [smem:$0x3FD0];
	(tm) =	ssettm $0x1  }
0x91: {  	s18 =	sld [smem:$0x3FFB];
	_ =	sdelay $0x3  }
0x92: {  	_ =	strace s18  }
0x93: {  	s3 =	sld [smem:$0x3FFC];
	_ =	sdelay $0x3  }
0x94: {  	_ =	strace s3  }
0x95: {  	s3 =	sld [smem:$0x3FFD];
	_ =	sdelay $0x3  }
0x96: {  	_ =	strace s3  }
0x97: {  	_ =	strace $0x8FFFFFFF  }
0x98: {  	s19 =	sld [smem:$0x3FDB];
	_ =	sdelay $0x1  }
0x99: {  	s4 =	simm.s32 $_scs_section_size  }
0x9a: {  	s5 =	simm.s32 $_size__tile_overlayer_lowered;
	s6 =	simm.s32 $_tile_overlayer_lowered  }
0x9b: {  	s22 =	simm.s32 $0x1BFF;
	s21 =	sshll.u32 s6, $0x1;
	s3 =	sadd.s32 s4, s19  }
0x9c: {  	s7 =	simm.s32 $0x0;
	s20 =	sshll.u32 s5, $0x1;
	s5 =	sadd.s32 s21, s3  }
0x9d: {  	[timem:s7], [sflag:s22] =	dma.local [hbm:s5], s20  }
0x9e: {  	_ =	swait.ge [sflag:s22], s20  }
0x9f: {  	s4 =	ssub.s32 $0x0, s20;
	[sflag:s22] =	ssyncset.done $0x0  }
0xa0: {  	[sflag:s22] =	ssyncadd.s32 s4;
	_ =	sdelay $0x1  }
0xa1: {  	s23 =	simm.s32 $0x1B8B  }
0xa2: {  	_ =	swait.ge [sflag:s23], $0x1  }
0xa3: {  	[sflag:s23] =	ssyncset.done $0x0  }
0xa4: {  	s25 =	simm.s32 $0x1B8E;
	s24 =	sld [smem:$0x3FFE];
	[sflag:s23] =	ssyncadd.s32 $0xFFFFFFFF  }
0xa5: {  	s26 =	simm.s32 $execute0_lowered;
	[smem:$0x3FD2] =	sst s25  }
0xa6: {  	s5 =	sshll.u32 s26, $0x1;
	_ =	strace $0x8000004F;
	[dreg:$0x1] =	wrdreg $0xFFFFFFFF  }
0xa7: {  	s28 =	simm.s32 $_size_execute0_lowered;
	s3 =	sadd.s32 s3, s5;
	[dreg:$0x0] =	wrdreg $0x0  }
0xa8: {  	s5 =	sshll.u32 s28, $0x1;
	[dreg:$0x2] =	wrdreg s3  }
0xa9: {  	[dreg:$0x3] =	wrdreg s5  }
0xaa: {  	[dreg:$0x4] =	wrdreg $0xC0  }
0xab: {  	_ =	task [dreg:s7], $0x5FFFF  }
0xac: {  	[dreg:$0x1] =	wrdreg $0xFFFFFFFF  }
0xad: {  	[dreg:$0x0] =	wrdreg $0x60  }
0xae: {  	[dreg:$0x2] =	wrdreg s2  }
0xaf: {  	[dreg:$0x3] =	wrdreg s24  }
0xb0: {  	[dreg:$0x4] =	wrdreg $0x0  }
0xb1: {  	[dreg:$0x5] =	wrdreg $0x9  }
0xb2: {  	_ =	task.clear_ibuf [dreg:s7], $0x6FFFF;
	_ =	strace $0x9000004F  }
0xb3: {  	s29 =	simm.s32 $0x9;
	_ =	strace $0x80000051  }
0xb4: {  	_ =	swait.ge [sflag:s29], $0x1  }
0xb5: {  	[sflag:s29] =	ssyncadd.s32 $0xFFFFFFFF  }
0xb6: {  	_ =	strace $0x90000051  }
0xb7: {  	_ =	sfence  }
0xb8: {  	s30 =	sld [smem:$0x0];
	_ =	sdelay $0x2  }
0xb9: {  	s31 =	sshll.u32 s1, $0xD;
	s1 =	sshrl.u32 s1, $0x2  }
0xba: {  	s3 =	sand.u32 $0x4000, s31;
	s1 =	sadd.s32 s1, s30  }
0xbb: {  	s0 =	sor.u32 s3, s0;
	s1 =	sshll.u32 s1, $0x11  }
0xbc: {  	s0 =	sor.u32 s1, s0  }
0xbd: {  	s0 =	sadd.s32 $0x8F2B, s0  }
0xbe: {  	[sflag:s0] =	ssyncadd.remote.s32 $0x1  }
0xbf: {  	_ =	sfence.sel $0xFFFF  }
0xc0: {  	[dreg:$0x0] =	wrdreg $0xFFFFFFFF;
	(pc) =	sbr.abs _section_cstart, $3  }
0xc1: {  	[dreg:$0x1] =	wrdreg $0xFFFFFFFF  }
0xc2: {  	_ =	task.clear_ibuf [dreg:s7], $0x2FFFF;
	_ =	strace $0x9FFFFFFF  }
0xc3: {  	(tm) =	ssettm $0x7FFFFFFF  }
tec
execute0_lowered:
.L_overlay_start_1:
0x0: {  	(tag) =	ssettag $0x1  }
0x1: {  	s1 =	rddreg [dreg:$0x0]  }
0x2: {  	s7 =	rddreg [dreg:$0x1]  }
0x3: {  	s3 =	rddreg [dreg:$0x2]  }
0x4: {  	s0 =	rddreg [dreg:$0x3];
	s5 =	srdreg.scid  }
0x5: {  	s4 =	simm.s32 $0x0;
	s2 =	stileid.u32;
	s15 =	simm.s32 $0x1  }
0x6: {  	s16 =	simm.s32 $0xA080;
	s17 =	simm.s32 $0x0;
	s30 =	smul.u32 $0x2740, s2  }
0x7: {  	s6 =	sand.u32 $0x1, s5;
	[smem:$0x7FF] =	sst s4;
	s10 =	smul.u32 $0xA000, s2  }
0x8: {  	s5 =	sadd.s32 $0x4C00, s7;
	s13 =	sshll.u32 s2, $0x6;
	s8 =	ssub.s32 $0x2, s6  }
0x9: {  	_ =	strace $0x80000050;
	p0 =	seq.s32 s6, $0x1;
	s14 =	smul.u32 $0x13A0, s6  }
0xa: {  	s6 =	sor.u32 $0x1C02, s13;
	s13 =	simm.s32 $0x80;
	s9 =	sshrl.u32 s8, $0x1  }
0xb: {  	s11 =	sadd.s32 s30, s7;
	s8 =	ssub.s32 s8, s9;
	s9 =	simm.s32 $0x41200  }
0xc: {  	s12 =	sadd.s32 s10, s3;
	s10 =	sshrl.u32 s10, $0x3;
	s9 =	simm.s32 @!p0 $0x55200  }
0xd: {  	s31 =	sadd.s32 s14, s11;
	s11 =	simm.s32 $0x2;
	s9 =	sadd.s32 s9, s7  }
0xe: {  	s14 =	simm.s32 $0xA100;
	s7 =	smax.u32 s8, $0x1;
	s8 =	sadd.s32 s9, s10  }
0xf: {  	s9 =	sadd.s32 $0x19E00, s31;
	s10 =	sshrl.u32 s12, $0x3;
	s12 =	simm.s32 $0xA000  }
.LBB2_1:
0x10: {  	[spmem:s10], [sflag:s6] =	dma.local [hbm:s5], $0x1400  }
0x11: {  	_ =	swait.ge [sflag:s11], $0x1400  }
0x12: {  	[sflag:s11] =	ssyncset.done $0x0  }
0x13: {  	[sflag:s11] =	ssyncadd.s32 $0xFFFFEC00  }
0x14: {  	s18 =	sadd.s32 $0x0, s9;
	[bflag:$0x0] =	sbarrier.arrive $0xFFFF  }
0x15: {  	[tilespmem:s12], [sflag:$0x2] =	stream.linear.gather [hbm4b:s18+s4], $0x100, $0x38;
	[tilespmem:$0xC100] =	vst v63  }
0x16: {  	_ =	swait.ge [sflag:s11], $0x100  }
0x17: {  	[sflag:s11] =	ssyncset.done $0x0  }
0x18: {  	[sflag:s11] =	ssyncadd.s32 $0xFFFFFF00  }
0x19: {  	[tilespmem:s14], [sflag:$0x1] =	stream.indirect.gather [hbm4b:s1+s13], $0x40, s12, s13, $0xb8;
	[tilespmem:$0xC100] =	vst v63  }
0x1a: {  	_ =	swait.ge [sflag:s15], $0x2000  }
0x1b: {  	[sflag:s15] =	ssyncset.done $0x0  }
0x1c: {  	[sflag:s15] =	ssyncadd.s32 $0xFFFFE000  }
0x1d: {  	[spmem:s3] =	stream.indirect.scatter.add.f32 [tilespmem:s14], [sflag:$0x2], $0x40, s16, s13, $0xb8;
	[tilespmem:$0xC100] =	vst v63  }
0x1e: {  	_ =	swait.ge [sflag:s11], $0x2000  }
0x1f: {  	s19 =	simm.s32 $0x40;
	s18 =	simm.s32 $0x20;
	[sflag:s11] =	ssyncset.done $0x0  }
.LBB2_2:
0x20: {  	s20 =	sadd.s32 s18, s9  }
0x21: {  	[sflag:s11] =	ssyncadd.s32 $0xFFFFE000;
	s18 =	smov.u32 s19;
	s21 =	sadd.s32 $0x20, s19  }
0x22: {  	[tilespmem:s12], [sflag:$0x2] =	stream.linear.gather [hbm4b:s20+s4], $0x100, $0x38;
	[tilespmem:$0xC100] =	vst v63  }
0x23: {  	p0 =	sne.s32 s19, $0x1380;
	_ =	swait.ge [sflag:s11], $0x100  }
0x24: {  	[sflag:s11] =	ssyncset.done $0x0  }
0x25: {  	[sflag:s11] =	ssyncadd.s32 $0xFFFFFF00  }
0x26: {  	[tilespmem:s14], [sflag:$0x1] =	stream.indirect.gather [hbm4b:s1+s13], $0x40, s12, s13, $0xb8;
	[tilespmem:$0xC100] =	vst v63  }
0x27: {  	_ =	swait.ge [sflag:s15], $0x2000  }
.Ltmp0:
0x28: {  	[sflag:s15] =	ssyncset.done $0x0;
	(pc) =	sbr.rel @p0 .LBB2_2-.Ltmp0, $4  }
0x29: {  	[sflag:s15] =	ssyncadd.s32 $0xFFFFE000  }
0x2a: {  	[spmem:s3] =	stream.indirect.scatter.add.f32 [tilespmem:s14], [sflag:$0x2], $0x40, s16, s13, $0xb8;
	[tilespmem:$0xC100] =	vst v63  }
0x2b: {  	_ =	swait.ge [sflag:s11], $0x2000  }
0x2c: {  	s19 =	smov.u32 s21;
	[sflag:s11] =	ssyncset.done $0x0  }
0x2d: {  	s18 =	sadd.s32 s18, s9;
	[sflag:s11] =	ssyncadd.s32 $0xFFFFE000  }
0x2e: {  	[tilespmem:s12], [sflag:$0x2] =	stream.linear.gather [hbm4b:s18+s4], $0x100, $0x38;
	[tilespmem:$0xC100] =	vst v63  }
0x2f: {  	_ =	swait.ge [sflag:s11], $0x100  }
0x30: {  	[sflag:s11] =	ssyncset.done $0x0  }
0x31: {  	[sflag:s11] =	ssyncadd.s32 $0xFFFFFF00  }
0x32: {  	[tilespmem:s14], [sflag:$0x1] =	stream.indirect.gather [hbm4b:s1+s13], $0x40, s12, s13, $0xb8;
	[tilespmem:$0xC100] =	vst v63  }
0x33: {  	_ =	swait.ge [sflag:s15], $0x2000  }
0x34: {  	[sflag:s15] =	ssyncset.done $0x0  }
0x35: {  	[sflag:s15] =	ssyncadd.s32 $0xFFFFE000  }
0x36: {  	[spmem:s3] =	stream.indirect.scatter.add.f32 [tilespmem:s14], [sflag:$0x2], $0x40, s16, s13, $0xb8;
	[tilespmem:$0xC100] =	vst v63  }
0x37: {  	_ =	swait.ge [sflag:s11], $0x2000  }
0x38: {  	s17 =	sadd.s32 $0x1, s17;
	[sflag:s11] =	ssyncset.done $0x0  }
0x39: {  	p0 =	sne.s32 s17, s7;
	[sflag:s11] =	ssyncadd.s32 $0xFFFFE000  }
.Ltmp1:
0x3a: {  	[bflag:$0x0] =	sbarrier.arrive $0xFFFF;
	(pc) =	sbr.rel @p0 .LBB2_1-.Ltmp1, $4  }
0x3b: {  	[hbm:s8], [sflag:s6] =	dma.local [spmem:s10], $0x1400  }
0x3c: {  	_ =	swait.ge [sflag:s11], $0x1400  }
0x3d: {  	[sflag:s11] =	ssyncset.done $0x0  }
0x3e: {  	[sflag:s11] =	ssyncadd.s32 $0xFFFFEC00  }
0x3f: {  	_ =	sfence.sel $0x180000  }
0x40: {  	[bflag:$0x0] =	sbarrier.arrive $0xFFFF  }
0x41: {  	p0 =	sne.s32 s2, $0x0;
	_ =	strace $0x90000050  }
0x42: {  	s0 =	sadd.s32 @!p0 $0x100000, s0;
	[bflag:$0x2] =	sbarrier.arrive $0xFFFF  }
0x43: {  	[sflag:s0] =	ssyncadd.tile.s32 @!p0 $0x1;
	_ =	shalt  }
.Lfunc_end2:
_tile_overlayer_lowered:
.L_overlay_start_2:
0x44: {  	(tag) =	ssettag $0x2  }
0x45: {  	s0 =	rddreg [dreg:$0x0];
	s2 =	stileid.u32  }
0x46: {  	s1 =	rddreg [dreg:$0x1];
	p0 =	sne.s32 s2, $0x0  }
0x47: {  	s3 =	rddreg [dreg:$0x2];
	[bflag:$0x3] =	sbarrier.arrive $0xFFFF;
	s2 =	simm.s32 @!p0 $0x1C02  }
0x48: {  	[timem:s3], [sflag:s2] =	dma.local @!p0 [hbm:s0], s1  }
0x49: {  	s0 =	simm.s32 @!p0 $0x2  }
0x4a: {  	_ =	swait.ge @!p0 [sflag:s0], s1  }
0x4b: {  	s1 =	ssub.s32 @!p0 $0x0, s1;
	[sflag:s0] =	ssyncset.done @!p0 $0x0  }
0x4c: {  	[sflag:s0] =	ssyncadd.s32 @!p0 s1  }
0x4d: {  	[bflag:$0x3] =	sbarrier.arrive $0xFFFF  }
0x4e: {  	_ =	shalt  }

// kernel: kernel.26.cloned.1.call-start
scs
__scs_entry_jumppad:
0x0: {  	(pc) =	sbr.rel $0x88, $3  }
0x1: {  	(tag) =	ssettag $0x0;
	lr =	simm.s32 $0x1  }
0x2: {  	[smem:$0x3F93] =	sst lr;
	_ =	strace $0xD0000000  }
0x3: {  	_ = 	snop  }
0x4: {  	_ = 	snop  }
0x5: {  	_ = 	snop  }
0x6: {  	_ = 	snop  }
0x7: {  	_ = 	snop  }
__scs_overlays_trampoline_lowered:
0x8: {  	[smem:$0x3FA2] =	sst s0  }
0x9: {  	[smem:$0x3FA3] =	sst s1  }
0xa: {  	[smem:$0x3FA4] =	sst s2  }
0xb: {  	[smem:$0x3FA5] =	sst s3  }
0xc: {  	[smem:$0x3FA6] =	sst s4  }
0xd: {  	[smem:$0x3FA7] =	sst s5  }
0xe: {  	[smem:$0x3FA8] =	sst s6  }
0xf: {  	[smem:$0x3FA9] =	sst s7  }
0x10: {  	[smem:$0x3FAA] =	sst s8  }
0x11: {  	[smem:$0x3FAB] =	sst s9;
	s0 =	simm.s32 @!p0 $0x0  }
0x12: {  	s1 =	sld [smem:$0x3F91];
	s0 =	simm.s32 @p0 $0x1  }
0x13: {  	[smem:$0x3FAC] =	sst s0;
	s0 =	simm.s32 @!p1 $0x0  }
0x14: {  	s2 =	sld [smem:$0x3F90];
	s0 =	simm.s32 @p1 $0x1  }
0x15: {  	[smem:$0x3FAD] =	sst s0;
	s0 =	simm.s32 @!p2 $0x0  }
0x16: {  	s3 =	sld [smem:$0x3FDB];
	s0 =	simm.s32 @p2 $0x1  }
0x17: {  	s4 =	simm.s32 $0x1BF5;
	[smem:$0x3FAF] =	sst s0  }
0x18: {  	s0 =	sld [smem:$0x3F92];
	_ =	swait.ge [sflag:s4], $0x0  }
0x19: {  	s7 =	sld [smem:$0x3F93]  }
0x1a: {  	s8 =	sadd.s32 $0xFFFFE003, lr  }
0x1b: {  	s9 =	sadd.s32 $0xFFFFFEF7, lr;
	s5 =	simm.s32 $0xFFFFFFFF;
	p2 =	slt.u32 s8, $0xFFFFF086  }
0x1c: {  	p1 =	slt.u32 s9, $0xF7A;
	s5 =	simm.s32 @!p2 $0x0  }
0x1d: {  	s5 =	simm.s32 @p1 $0x1;
	p0 =	seq.s32 s7, s2  }
0x1e: {  	s7 =	smul.u32 @!p0 $0xF7A, s2;
	p2 =	seq.s32 @!p0 s5, $0x0  }
0x1f: {  	s9 =	smul.u32 $0xF7A, s1;
	s8 =	simm.s32 @!p0 $0x1BF5;
	p2 =	por !p2, p0  }
0x20: {  	[sflag:s8] =	ssyncset.s32 @!p0 $0xFFFFF086;
	s6 =	sadd.s32 @!p0 s3, s7;
	s7 =	simm.s32 @!p0 $0x108  }
0x21: {  	s3 =	sadd.s32 s3, s9;
	s6 =	sadd.s32 @!p0 $0x88, s6;
	s7 =	simm.s32 @p2 $0x1082  }
0x22: {  	[simem:s7], [sflag:s8] =	dma.local @!p0 [hbm:s6], $0xF7A  }
0x23: {  	s9 =	sor.u32 $0xD0000000, s2;
	s6 =	simm.s32 $0x108;
	_ =	swait.ge @!p0 [sflag:s8], $0x0  }
0x24: {  	s3 =	sadd.s32 $0x88, s3;
	s6 =	simm.s32 @!p1 $0x1082;
	[sflag:s4] =	ssyncset.s32 $0xFFFFF086  }
0x25: {  	[simem:s6], [sflag:s4] =	dma.local [hbm:s3], $0xF7A  }
0x26: {  	[smem:$0x3F93] =	sst s1;
	(tag) =	ssettag s2;
	_ =	strace s9  }
0x27: {  	s1 =	sld [smem:$0x3FA3]  }
0x28: {  	s2 =	sld [smem:$0x3FA4]  }
0x29: {  	s4 =	sld [smem:$0x3FA6]  }
0x2a: {  	p0 =	seq.s32 s5, $0x0;
	s5 =	sld [smem:$0x3FA7]  }
0x2b: {  	s6 =	sld [smem:$0x3FA8]  }
0x2c: {  	s7 =	sld [smem:$0x3FA9]  }
0x2d: {  	s3 =	simm.s32 $0x108;
	s8 =	sld [smem:$0x3FAA]  }
0x2e: {  	s3 =	simm.s32 @!p0 $0x1082;
	s9 =	sld [smem:$0x3FAB]  }
0x2f: {  	lr =	sadd.s32 s0, s3;
	s0 =	sld [smem:$0x3FA2]  }
0x30: {  	s3 =	sld [smem:$0x3FA5]  }
0x31: {  	[smem:$0x3FAE] =	sst s10  }
0x32: {  	s10 =	sld [smem:$0x3FAC];
	_ =	sdelay $0x3  }
0x33: {  	p0 =	seq.s32 s10, $0x1;
	s10 =	sld [smem:$0x3FAE];
	_ =	sdelay $0x3  }
0x34: {  	[smem:$0x3FAE] =	sst s10  }
0x35: {  	s10 =	sld [smem:$0x3FAD];
	_ =	sdelay $0x3  }
0x36: {  	p1 =	seq.s32 s10, $0x1;
	s10 =	sld [smem:$0x3FAE];
	_ =	sdelay $0x3  }
0x37: {  	[smem:$0x3FAE] =	sst s10  }
0x38: {  	s10 =	sld [smem:$0x3FAF]  }
0x39: {  	_ = 	snop;
	(pc) =	sbr.ind lr, $3  }
0x3a: {  	_ = 	snop  }
0x3b: {  	_ = 	snop  }
0x3c: {  	p2 =	seq.s32 s10, $0x1;
	s10 =	sld [smem:$0x3FAE]  }
0x3d: {  	_ =	shalt  }
0x3e: {  	_ =	shalt  }
0x3f: {  	_ =	shalt  }
0x40: {  	_ =	shalt  }
0x41: {  	_ =	shalt  }
0x42: {  	_ =	shalt  }
0x43: {  	_ =	shalt  }
0x44: {  	_ =	shalt  }
0x45: {  	_ =	shalt  }
0x46: {  	_ =	shalt  }
0x47: {  	_ =	shalt  }
0x48: {  	_ =	shalt  }
0x49: {  	_ =	shalt  }
0x4a: {  	_ =	shalt  }
0x4b: {  	_ =	shalt  }
0x4c: {  	_ =	shalt  }
0x4d: {  	_ =	shalt  }
0x4e: {  	_ =	shalt  }
0x4f: {  	_ =	shalt  }
0x50: {  	_ =	shalt  }
0x51: {  	_ =	shalt  }
0x52: {  	_ =	shalt  }
0x53: {  	_ =	shalt  }
0x54: {  	_ =	shalt  }
0x55: {  	_ =	shalt  }
0x56: {  	_ =	shalt  }
0x57: {  	_ =	shalt  }
0x58: {  	_ =	shalt  }
0x59: {  	_ =	shalt  }
0x5a: {  	_ =	shalt  }
0x5b: {  	_ =	shalt  }
0x5c: {  	_ =	shalt  }
0x5d: {  	_ =	shalt  }
0x5e: {  	_ =	shalt  }
0x5f: {  	_ =	shalt  }
0x60: {  	_ =	shalt  }
0x61: {  	_ =	shalt  }
0x62: {  	_ =	shalt  }
0x63: {  	_ =	shalt  }
0x64: {  	_ =	shalt  }
0x65: {  	_ =	shalt  }
0x66: {  	_ =	shalt  }
0x67: {  	_ =	shalt  }
0x68: {  	_ =	shalt  }
0x69: {  	_ =	shalt  }
0x6a: {  	_ =	shalt  }
0x6b: {  	_ =	shalt  }
0x6c: {  	_ =	shalt  }
0x6d: {  	_ =	shalt  }
0x6e: {  	_ =	shalt  }
0x6f: {  	_ =	shalt  }
0x70: {  	_ =	shalt  }
0x71: {  	_ =	shalt  }
0x72: {  	_ =	shalt  }
0x73: {  	_ =	shalt  }
0x74: {  	_ =	shalt  }
0x75: {  	_ =	shalt  }
0x76: {  	_ =	shalt  }
0x77: {  	_ =	shalt  }
0x78: {  	_ =	shalt  }
0x79: {  	_ =	shalt  }
0x7a: {  	_ =	shalt  }
0x7b: {  	_ =	shalt  }
0x7c: {  	_ =	shalt  }
0x7d: {  	_ =	shalt  }
0x7e: {  	_ =	shalt  }
0x7f: {  	_ =	shalt  }
0x80: {  	_ =	shalt  }
0x81: {  	_ =	shalt  }
0x82: {  	_ =	shalt  }
0x83: {  	_ =	shalt  }
0x84: {  	_ =	shalt  }
0x85: {  	_ =	shalt  }
0x86: {  	_ =	shalt  }
0x87: {  	_ =	shalt  }
.Lfunc_end0:
.L_simem_size_0:
called_computation.4_lowered:
.L_overlay_start_0:
0x88: {  	s2 =	sld [smem:$0x3FD9]  }
0x89: {  	s3 =	sld [smem:$0x3FFE];
	_ =	sdelay $0x1  }
0x8a: {  	s1 =	srdreg.scid  }
0x8b: {  	s0 =	sand.u32 $0x1, s1  }
0x8c: {  	s17 =	sshll.u32 s0, $0xA;
	s2 =	sadd.s32 s3, s2  }
0x8d: {  	s2 =	sadd.s32 s2, s17  }
0x8e: {  	[smem:$0x3FBA] =	sst s2  }
0x8f: {  	_ = 	snop  }
0x90: {  	s2 =	sld [smem:$0x3FD0];
	(tm) =	ssettm $0x1  }
0x91: {  	s18 =	sld [smem:$0x3FFB];
	_ =	sdelay $0x3  }
0x92: {  	_ =	strace s18  }
0x93: {  	s3 =	sld [smem:$0x3FFC];
	_ =	sdelay $0x3  }
0x94: {  	_ =	strace s3  }
0x95: {  	s3 =	sld [smem:$0x3FFD];
	_ =	sdelay $0x3  }
0x96: {  	_ =	strace s3  }
0x97: {  	_ =	strace $0x8FFFFFFF  }
0x98: {  	s19 =	sld [smem:$0x3FDB];
	_ =	sdelay $0x1  }
0x99: {  	s4 =	simm.s32 $_scs_section_size  }
0x9a: {  	s5 =	simm.s32 $_size__tile_overlayer_lowered;
	s6 =	simm.s32 $_tile_overlayer_lowered  }
0x9b: {  	s22 =	simm.s32 $0x1BFF;
	s21 =	sshll.u32 s6, $0x1;
	s3 =	sadd.s32 s4, s19  }
0x9c: {  	s7 =	simm.s32 $0x0;
	s20 =	sshll.u32 s5, $0x1;
	s5 =	sadd.s32 s21, s3  }
0x9d: {  	[timem:s7], [sflag:s22] =	dma.local [hbm:s5], s20  }
0x9e: {  	_ =	swait.ge [sflag:s22], s20  }
0x9f: {  	s4 =	ssub.s32 $0x0, s20;
	[sflag:s22] =	ssyncset.done $0x0  }
0xa0: {  	[sflag:s22] =	ssyncadd.s32 s4;
	_ =	sdelay $0x1  }
0xa1: {  	s23 =	simm.s32 $0x1B8B  }
0xa2: {  	_ =	swait.ge [sflag:s23], $0x1  }
0xa3: {  	[sflag:s23] =	ssyncset.done $0x0  }
0xa4: {  	s25 =	simm.s32 $0x1B8E;
	s24 =	sld [smem:$0x3FFE];
	[sflag:s23] =	ssyncadd.s32 $0xFFFFFFFF  }
0xa5: {  	s26 =	simm.s32 $execute0_lowered;
	[smem:$0x3FD2] =	sst s25  }
0xa6: {  	s5 =	sshll.u32 s26, $0x1;
	_ =	strace $0x80000052;
	[dreg:$0x1] =	wrdreg $0xFFFFFFFF  }
0xa7: {  	s28 =	simm.s32 $_size_execute0_lowered;
	s3 =	sadd.s32 s3, s5;
	[dreg:$0x0] =	wrdreg $0x0  }
0xa8: {  	s5 =	sshll.u32 s28, $0x1;
	[dreg:$0x2] =	wrdreg s3  }
0xa9: {  	[dreg:$0x3] =	wrdreg s5  }
0xaa: {  	[dreg:$0x4] =	wrdreg $0xC0  }
0xab: {  	_ =	task [dreg:s7], $0x5FFFF  }
0xac: {  	[dreg:$0x1] =	wrdreg $0xFFFFFFFF  }
0xad: {  	[dreg:$0x0] =	wrdreg $0x60  }
0xae: {  	[dreg:$0x2] =	wrdreg s2  }
0xaf: {  	[dreg:$0x3] =	wrdreg s24  }
0xb0: {  	[dreg:$0x4] =	wrdreg $0x0  }
0xb1: {  	[dreg:$0x5] =	wrdreg $0x9  }
0xb2: {  	_ =	task.clear_ibuf [dreg:s7], $0x6FFFF;
	_ =	strace $0x90000052  }
0xb3: {  	s29 =	simm.s32 $0x9;
	_ =	strace $0x80000054  }
0xb4: {  	_ =	swait.ge [sflag:s29], $0x1  }
0xb5: {  	[sflag:s29] =	ssyncadd.s32 $0xFFFFFFFF  }
0xb6: {  	_ =	strace $0x90000054  }
0xb7: {  	_ =	sfence  }
0xb8: {  	s30 =	sld [smem:$0x0];
	_ =	sdelay $0x2  }
0xb9: {  	s31 =	sshll.u32 s1, $0xD;
	s1 =	sshrl.u32 s1, $0x2  }
0xba: {  	s3 =	sand.u32 $0x4000, s31;
	s1 =	sadd.s32 s1, s30  }
0xbb: {  	s0 =	sor.u32 s3, s0;
	s1 =	sshll.u32 s1, $0x11  }
0xbc: {  	s0 =	sor.u32 s1, s0  }
0xbd: {  	s0 =	sadd.s32 $0x8F2B, s0  }
0xbe: {  	[sflag:s0] =	ssyncadd.remote.s32 $0x1  }
0xbf: {  	_ =	sfence.sel $0xFFFF  }
0xc0: {  	[dreg:$0x0] =	wrdreg $0xFFFFFFFF;
	(pc) =	sbr.abs _section_cstart, $3  }
0xc1: {  	[dreg:$0x1] =	wrdreg $0xFFFFFFFF  }
0xc2: {  	_ =	task.clear_ibuf [dreg:s7], $0x2FFFF;
	_ =	strace $0x9FFFFFFF  }
0xc3: {  	(tm) =	ssettm $0x7FFFFFFF  }
tec
execute0_lowered:
.L_overlay_start_1:
0x0: {  	(tag) =	ssettag $0x1  }
0x1: {  	s1 =	rddreg [dreg:$0x0]  }
0x2: {  	s7 =	rddreg [dreg:$0x1]  }
0x3: {  	s3 =	rddreg [dreg:$0x2]  }
0x4: {  	s0 =	rddreg [dreg:$0x3];
	s5 =	srdreg.scid  }
0x5: {  	s4 =	simm.s32 $0x0;
	s2 =	stileid.u32;
	s15 =	simm.s32 $0x1  }
0x6: {  	s16 =	simm.s32 $0xA080;
	s17 =	simm.s32 $0x0;
	s30 =	smul.u32 $0x2740, s2  }
0x7: {  	s6 =	sand.u32 $0x1, s5;
	[smem:$0x7FF] =	sst s4;
	s10 =	smul.u32 $0xA000, s2  }
0x8: {  	s5 =	sadd.s32 $0x4C00, s7;
	s13 =	sshll.u32 s2, $0x6;
	s8 =	ssub.s32 $0x2, s6  }
0x9: {  	_ =	strace $0x80000053;
	p0 =	seq.s32 s6, $0x1;
	s14 =	smul.u32 $0x13A0, s6  }
0xa: {  	s6 =	sor.u32 $0x1C02, s13;
	s13 =	simm.s32 $0x80;
	s9 =	sshrl.u32 s8, $0x1  }
0xb: {  	s11 =	sadd.s32 s30, s7;
	s8 =	ssub.s32 s8, s9;
	s9 =	simm.s32 $0x6000  }
0xc: {  	s12 =	sadd.s32 s10, s3;
	s10 =	sshrl.u32 s10, $0x3;
	s9 =	simm.s32 @!p0 $0x1A000  }
0xd: {  	s31 =	sadd.s32 s14, s11;
	s11 =	simm.s32 $0x2;
	s9 =	sadd.s32 s9, s7  }
0xe: {  	s14 =	simm.s32 $0xA100;
	s7 =	smax.u32 s8, $0x1;
	s8 =	sadd.s32 s9, s10  }
0xf: {  	s9 =	sadd.s32 $0x9B200, s31;
	s10 =	sshrl.u32 s12, $0x3;
	s12 =	simm.s32 $0xA000  }
.LBB2_1:
0x10: {  	[spmem:s10], [sflag:s6] =	dma.local [hbm:s5], $0x1400  }
0x11: {  	_ =	swait.ge [sflag:s11], $0x1400  }
0x12: {  	[sflag:s11] =	ssyncset.done $0x0  }
0x13: {  	[sflag:s11] =	ssyncadd.s32 $0xFFFFEC00  }
0x14: {  	s18 =	sadd.s32 $0x0, s9;
	[bflag:$0x0] =	sbarrier.arrive $0xFFFF  }
0x15: {  	[tilespmem:s12], [sflag:$0x2] =	stream.linear.gather [hbm4b:s18+s4], $0x100, $0x38;
	[tilespmem:$0xC100] =	vst v63  }
0x16: {  	_ =	swait.ge [sflag:s11], $0x100  }
0x17: {  	[sflag:s11] =	ssyncset.done $0x0  }
0x18: {  	[sflag:s11] =	ssyncadd.s32 $0xFFFFFF00  }
0x19: {  	[tilespmem:s14], [sflag:$0x1] =	stream.indirect.gather [hbm4b:s1+s13], $0x40, s12, s13, $0xb8;
	[tilespmem:$0xC100] =	vst v63  }
0x1a: {  	_ =	swait.ge [sflag:s15], $0x2000  }
0x1b: {  	[sflag:s15] =	ssyncset.done $0x0  }
0x1c: {  	[sflag:s15] =	ssyncadd.s32 $0xFFFFE000  }
0x1d: {  	[spmem:s3] =	stream.indirect.scatter.add.f32 [tilespmem:s14], [sflag:$0x2], $0x40, s16, s13, $0xb8;
	[tilespmem:$0xC100] =	vst v63  }
0x1e: {  	_ =	swait.ge [sflag:s11], $0x2000  }
0x1f: {  	s19 =	simm.s32 $0x40;
	s18 =	simm.s32 $0x20;
	[sflag:s11] =	ssyncset.done $0x0  }
.LBB2_2:
0x20: {  	s20 =	sadd.s32 s18, s9  }
0x21: {  	[sflag:s11] =	ssyncadd.s32 $0xFFFFE000;
	s18 =	smov.u32 s19;
	s21 =	sadd.s32 $0x20, s19  }
0x22: {  	[tilespmem:s12], [sflag:$0x2] =	stream.linear.gather [hbm4b:s20+s4], $0x100, $0x38;
	[tilespmem:$0xC100] =	vst v63  }
0x23: {  	p0 =	sne.s32 s19, $0x1380;
	_ =	swait.ge [sflag:s11], $0x100  }
0x24: {  	[sflag:s11] =	ssyncset.done $0x0  }
0x25: {  	[sflag:s11] =	ssyncadd.s32 $0xFFFFFF00  }
0x26: {  	[tilespmem:s14], [sflag:$0x1] =	stream.indirect.gather [hbm4b:s1+s13], $0x40, s12, s13, $0xb8;
	[tilespmem:$0xC100] =	vst v63  }
0x27: {  	_ =	swait.ge [sflag:s15], $0x2000  }
.Ltmp0:
0x28: {  	[sflag:s15] =	ssyncset.done $0x0;
	(pc) =	sbr.rel @p0 .LBB2_2-.Ltmp0, $4  }
0x29: {  	[sflag:s15] =	ssyncadd.s32 $0xFFFFE000  }
0x2a: {  	[spmem:s3] =	stream.indirect.scatter.add.f32 [tilespmem:s14], [sflag:$0x2], $0x40, s16, s13, $0xb8;
	[tilespmem:$0xC100] =	vst v63  }
0x2b: {  	_ =	swait.ge [sflag:s11], $0x2000  }
0x2c: {  	s19 =	smov.u32 s21;
	[sflag:s11] =	ssyncset.done $0x0  }
0x2d: {  	s18 =	sadd.s32 s18, s9;
	[sflag:s11] =	ssyncadd.s32 $0xFFFFE000  }
0x2e: {  	[tilespmem:s12], [sflag:$0x2] =	stream.linear.gather [hbm4b:s18+s4], $0x100, $0x38;
	[tilespmem:$0xC100] =	vst v63  }
0x2f: {  	_ =	swait.ge [sflag:s11], $0x100  }
0x30: {  	[sflag:s11] =	ssyncset.done $0x0  }
0x31: {  	[sflag:s11] =	ssyncadd.s32 $0xFFFFFF00  }
0x32: {  	[tilespmem:s14], [sflag:$0x1] =	stream.indirect.gather [hbm4b:s1+s13], $0x40, s12, s13, $0xb8;
	[tilespmem:$0xC100] =	vst v63  }
0x33: {  	_ =	swait.ge [sflag:s15], $0x2000  }
0x34: {  	[sflag:s15] =	ssyncset.done $0x0  }
0x35: {  	[sflag:s15] =	ssyncadd.s32 $0xFFFFE000  }
0x36: {  	[spmem:s3] =	stream.indirect.scatter.add.f32 [tilespmem:s14], [sflag:$0x2], $0x40, s16, s13, $0xb8;
	[tilespmem:$0xC100] =	vst v63  }
0x37: {  	_ =	swait.ge [sflag:s11], $0x2000  }
0x38: {  	s17 =	sadd.s32 $0x1, s17;
	[sflag:s11] =	ssyncset.done $0x0  }
0x39: {  	p0 =	sne.s32 s17, s7;
	[sflag:s11] =	ssyncadd.s32 $0xFFFFE000  }
.Ltmp1:
0x3a: {  	[bflag:$0x0] =	sbarrier.arrive $0xFFFF;
	(pc) =	sbr.rel @p0 .LBB2_1-.Ltmp1, $4  }
0x3b: {  	[hbm:s8], [sflag:s6] =	dma.local [spmem:s10], $0x1400  }
0x3c: {  	_ =	swait.ge [sflag:s11], $0x1400  }
0x3d: {  	[sflag:s11] =	ssyncset.done $0x0  }
0x3e: {  	[sflag:s11] =	ssyncadd.s32 $0xFFFFEC00  }
0x3f: {  	_ =	sfence.sel $0x180000  }
0x40: {  	[bflag:$0x0] =	sbarrier.arrive $0xFFFF  }
0x41: {  	p0 =	sne.s32 s2, $0x0;
	_ =	strace $0x90000053  }
0x42: {  	s0 =	sadd.s32 @!p0 $0x100000, s0;
	[bflag:$0x2] =	sbarrier.arrive $0xFFFF  }
0x43: {  	[sflag:s0] =	ssyncadd.tile.s32 @!p0 $0x1;
	_ =	shalt  }
.Lfunc_end2:
_tile_overlayer_lowered:
.L_overlay_start_2:
0x44: {  	(tag) =	ssettag $0x2  }
0x45: {  	s0 =	rddreg [dreg:$0x0];
	s2 =	stileid.u32  }
0x46: {  	s1 =	rddreg [dreg:$0x1];
	p0 =	sne.s32 s2, $0x0  }
0x47: {  	s3 =	rddreg [dreg:$0x2];
	[bflag:$0x3] =	sbarrier.arrive $0xFFFF;
	s2 =	simm.s32 @!p0 $0x1C02  }
0x48: {  	[timem:s3], [sflag:s2] =	dma.local @!p0 [hbm:s0], s1  }
0x49: {  	s0 =	simm.s32 @!p0 $0x2  }
0x4a: {  	_ =	swait.ge @!p0 [sflag:s0], s1  }
0x4b: {  	s1 =	ssub.s32 @!p0 $0x0, s1;
	[sflag:s0] =	ssyncset.done @!p0 $0x0  }
0x4c: {  	[sflag:s0] =	ssyncadd.s32 @!p0 s1  }
0x4d: {  	[bflag:$0x3] =	sbarrier.arrive $0xFFFF  }
0x4e: {  	_ =	shalt  }

</sc_bundles>
